<compile_context>
chip_gen: v7x
topology: tpu7x:2x2x1
jax: 0.10.2.dev20260603
libtpu: 0.0.44.dev20260713+nightly
codegen_flags: <defaults>
</compile_context>

<pallas_src>
import functools

import jax
import jax.numpy as jnp
from jax import lax
from jax.experimental import pallas as pl
from jax.experimental.pallas import tpu as pltpu
from jax.experimental.pallas import tpu_sc as plsc

N = 10000
E = 160000
D = 256
H = D // 2
P = 3
NC = 2
NS = 16
EPW = E // NS
CH = 128
NFULL = EPW // CH
TAIL = EPW - NFULL * CH
RPS = 624
RREM = N - NS * RPS
RT = 1000
PATH_LIST = ((1,), (1, 2), (1, 2, 3))

_f32 = jnp.float32


def _sc_body(xflat_hbm, s0, d0, s1, d1, s2, d2, out_hbm,
             sidx0, sidx1, didx0, didx1, rows0, rows1,
             sidxt, didxt, rowst, acc, gsem, ss0, ss1):
    c = lax.axis_index("c")
    s = lax.axis_index("s")
    ebase = s * EPW
    row0 = s * RPS
    coff = c * N
    srcs = (s0, s1, s2)
    dsts = (d0, d1, d2)
    sidx_ = (sidx0, sidx1)
    didx_ = (didx0, didx1)
    rows_ = (rows0, rows1)
    ssem_ = (ss0, ss1)
    for i in range(P):
        pltpu.sync_copy(xflat_hbm.at[pl.ds(coff + row0, RPS)],
                        acc.at[pl.ds(row0, RPS)])

        @pl.when(s == NS - 1)
        def _():
            pltpu.sync_copy(xflat_hbm.at[pl.ds(coff + NS * RPS, RREM)],
                            acc.at[pl.ds(NS * RPS, RREM)])

        plsc.subcore_barrier()

        def chunk(k, _):
            for b in range(2):
                off = ebase + (k * 2 + b) * CH
                sidx = sidx_[b]
                didx = didx_[b]
                rows = rows_[b]

                @pl.when(k > 0)
                def _():
                    pltpu.make_async_copy(rows, acc.at[didx], ssem_[b]).wait()

                pltpu.async_copy(srcs[i].at[pl.ds(off, CH)], sidx, gsem)
                pltpu.async_copy(dsts[i].at[pl.ds(off, CH)], didx, gsem)
                pltpu.make_async_copy(srcs[i].at[pl.ds(off, CH)], sidx,
                                      gsem).wait()
                pltpu.make_async_copy(dsts[i].at[pl.ds(off, CH)], didx,
                                      gsem).wait()

                def addoff(kk, _):
                    sidx[pl.ds(kk * 16, 16)] = sidx[pl.ds(kk * 16, 16)] + coff
                    return 0

                lax.fori_loop(0, CH // 16, addoff, 0, unroll=True)
                pltpu.async_copy(xflat_hbm.at[sidx], rows, gsem).wait()
                pltpu.async_copy(rows, acc.at[didx], ssem_[b], add=True)
            return 0

        lax.fori_loop(0, NFULL // 2, chunk, 0)

        for b in range(2):
            pltpu.make_async_copy(rows_[b], acc.at[didx_[b]], ssem_[b]).wait()

        toff = ebase + NFULL * CH
        pltpu.sync_copy(srcs[i].at[pl.ds(toff, TAIL)], sidxt)
        pltpu.sync_copy(dsts[i].at[pl.ds(toff, TAIL)], didxt)
        sidxt[pl.ds(0, 16)] = sidxt[pl.ds(0, 16)] + coff
        pltpu.async_copy(xflat_hbm.at[sidxt], rowst, gsem).wait()
        pltpu.sync_copy(rowst, acc.at[didxt], add=True)

        plsc.subcore_barrier()
        pltpu.sync_copy(acc.at[pl.ds(row0, RPS)],
                        out_hbm.at[i, c, pl.ds(row0, RPS)])

        @pl.when(s == NS - 1)
        def _():
            pltpu.sync_copy(acc.at[pl.ds(NS * RPS, RREM)],
                            out_hbm.at[i, c, pl.ds(NS * RPS, RREM)])

        plsc.subcore_barrier()


@functools.cache
def _sc_segsum_fn():
    return functools.partial(
        pl.kernel,
        out_type=jax.ShapeDtypeStruct((P, NC, N, H), _f32),
        mesh=plsc.VectorSubcoreMesh(core_axis_name="c", subcore_axis_name="s",
                                    num_cores=NC, num_subcores=NS),
        scratch_types=[
            pltpu.VMEM((CH,), jnp.int32),
            pltpu.VMEM((CH,), jnp.int32),
            pltpu.VMEM((CH,), jnp.int32),
            pltpu.VMEM((CH,), jnp.int32),
            pltpu.VMEM((CH, H), _f32),
            pltpu.VMEM((CH, H), _f32),
            pltpu.VMEM((TAIL,), jnp.int32),
            pltpu.VMEM((TAIL,), jnp.int32),
            pltpu.VMEM((TAIL, H), _f32),
            pltpu.VMEM_SHARED((N, H), _f32),
            pltpu.SemaphoreType.DMA,
            pltpu.SemaphoreType.DMA,
            pltpu.SemaphoreType.DMA,
        ],
    )(_sc_body)


def _sc_segsum(*args):
    return _sc_segsum_fn()(*args)


def _rot_coeffs(ee):
    r1 = ee[:, :H]
    r2 = ee[:, H:]
    nrm = jnp.sqrt(r1 * r1 + r2 * r2)
    nrm = jnp.maximum(nrm, 1e-12)
    cc = r1 / nrm
    ss = r2 / nrm
    a_ = cc
    b_ = -ss
    d_ = ss * cc
    e_ = cc - ss * ss
    out = []
    for path in PATH_LIST:
        m00 = jnp.ones((H,), _f32)
        m01 = jnp.zeros((H,), _f32)
        m10 = jnp.zeros((H,), _f32)
        m11 = jnp.ones((H,), _f32)
        for et in path:
            j = et - 1
            n00 = a_[j] * m00 + b_[j] * m10
            n01 = a_[j] * m01 + b_[j] * m11
            n10 = d_[j] * m00 + e_[j] * m10
            n11 = d_[j] * m01 + e_[j] * m11
            m00, m01, m10, m11 = n00, n01, n10, n11
        out.append((m00, m01, m10, m11))
    return out


def _dot_t(x, w):
    return lax.dot_general(x, w, (((1,), (1,)), ((), ())),
                           preferred_element_type=_f32)


def _k1_body(ee_ref, ap_ref, w0_ref, w1_ref, w2_ref, bg_ref,
             wa1_ref, ba1_ref, wa2_ref, z_ref, w_ref):
    coeffs = _rot_coeffs(ee_ref[...])
    wrefs = (w0_ref, w1_ref, w2_ref)
    wcols = []
    for i in range(P):
        m00, m01, m10, m11 = coeffs[i]
        u1 = ap_ref[i, 0]
        u2 = ap_ref[i, 1]
        rot1 = u1 * m00[None, :] + u2 * m01[None, :]
        rot2 = u1 * m10[None, :] + u2 * m11[None, :]
        wi = wrefs[i][...]
        g = _dot_t(rot1, wi[:, :H]) + _dot_t(rot2, wi[:, H:]) + bg_ref[i][None, :]
        z = jnp.where(g > 0, g, jnp.exp(jnp.minimum(g, 0.0)) - 1.0)
        z_ref[i] = z
        y = jnp.tanh(_dot_t(z, wa1_ref[...]) + ba1_ref[0][None, :])
        wcols.append(jnp.sum(y * wa2_ref[0][None, :], axis=1))
    w_ref[...] = jnp.stack(wcols, axis=1)


def _k1(ee, ap, w0, w1, w2, bg, wa1, ba1, wa2):
    grid = (N // RT,)
    return pl.pallas_call(
        _k1_body,
        grid=grid,
        in_specs=[
            pl.BlockSpec((P, D), lambda t: (0, 0)),
            pl.BlockSpec((P, NC, RT, H), lambda t: (0, 0, t, 0)),
            pl.BlockSpec((D, D), lambda t: (0, 0)),
            pl.BlockSpec((D, D), lambda t: (0, 0)),
            pl.BlockSpec((D, D), lambda t: (0, 0)),
            pl.BlockSpec((P, D), lambda t: (0, 0)),
            pl.BlockSpec((H, D), lambda t: (0, 0)),
            pl.BlockSpec((1, H), lambda t: (0, 0)),
            pl.BlockSpec((1, H), lambda t: (0, 0)),
        ],
        out_specs=[
            pl.BlockSpec((P, RT, D), lambda t: (0, t, 0)),
            pl.BlockSpec((RT, P), lambda t: (t, 0)),
        ],
        out_shape=[
            jax.ShapeDtypeStruct((P, N, D), _f32),
            jax.ShapeDtypeStruct((N, P), _f32),
        ],
    )(ee, ap, w0, w1, w2, bg, wa1, ba1, wa2)


def _k2_body(z_ref, w_ref, out_ref):
    wm = jnp.mean(w_ref[...], axis=0)
    wm = wm - jnp.max(wm)
    ew = jnp.exp(wm)
    beta = ew / jnp.sum(ew)
    out_ref[...] = (beta[0] * z_ref[0] + beta[1] * z_ref[1]
                    + beta[2] * z_ref[2])


def _k2(z, w):
    grid = (N // RT,)
    return pl.pallas_call(
        _k2_body,
        grid=grid,
        in_specs=[
            pl.BlockSpec((P, RT, D), lambda t: (0, t, 0)),
            pl.BlockSpec((N, P), lambda t: (0, 0)),
        ],
        out_specs=pl.BlockSpec((RT, D), lambda t: (t, 0)),
        out_shape=jax.ShapeDtypeStruct((N, D), _f32),
    )(z, w)


def kernel(node_emb, edge_emb, edge_index0, edge_index1, edge_index2,
           Wg0, bg0, Wg1, bg1, Wg2, bg2, Wa1, ba1, Wa2):
    xflat = node_emb.reshape(N, H, 2).transpose(2, 0, 1).reshape(NC * N, H)
    ap = _sc_segsum(xflat,
                    edge_index0[0], edge_index0[1],
                    edge_index1[0], edge_index1[1],
                    edge_index2[0], edge_index2[1])
    bg = jnp.stack([bg0, bg1, bg2], axis=0)
    z, w = _k1(edge_emb, ap, Wg0, Wg1, Wg2, bg,
               Wa1, ba1.reshape(1, H), Wa2)
    return _k2(z, w)

# --- scband reference (transcript-rebuilt; emitter-appended) ---
"""Pipeline reference for scband-hanlayer-4776003633225 (READ-ONLY COPY).

The authoritative reference and input builder live on the scoring server;
editing this copy changes nothing except your own understanding.
"""

import jax, jax.numpy as jnp
import numpy as np

N = 10000
E = 160000
IN_SIZE = 256
OUT_SIZE = 256
NUM_PATHS = 3
NUM_ETYPES = 3
HIDDEN = OUT_SIZE // 2
PATHS = [[1], [1, 2], [1, 2, 3]]
TAG = 'in'


def setup_inputs(seed: int = 0):
    key = jax.random.key(seed)
    ks = jax.random.split(key, 16)
    inp = {}
    inp['node_emb'] = jax.random.normal(ks[0], (N, IN_SIZE), dtype=jnp.float32)
    inp['edge_emb'] = jax.random.normal(ks[1], (NUM_ETYPES, IN_SIZE), dtype=jnp.float32)
    inp['edge_index0'] = jax.random.randint(ks[2], (2, E), 0, N, dtype=jnp.int32)
    inp['edge_index1'] = jax.random.randint(ks[3], (2, E), 0, N, dtype=jnp.int32)
    inp['edge_index2'] = jax.random.randint(ks[4], (2, E), 0, N, dtype=jnp.int32)
    s = 1.0 / np.sqrt(IN_SIZE)
    inp['Wg0'] = jax.random.uniform(ks[5], (OUT_SIZE, IN_SIZE), minval=-s, maxval=s, dtype=jnp.float32)
    inp['bg0'] = jax.random.uniform(ks[6], (OUT_SIZE,), minval=-s, maxval=s, dtype=jnp.float32)
    inp['Wg1'] = jax.random.uniform(ks[7], (OUT_SIZE, IN_SIZE), minval=-s, maxval=s, dtype=jnp.float32)
    inp['bg1'] = jax.random.uniform(ks[8], (OUT_SIZE,), minval=-s, maxval=s, dtype=jnp.float32)
    inp['Wg2'] = jax.random.uniform(ks[9], (OUT_SIZE, IN_SIZE), minval=-s, maxval=s, dtype=jnp.float32)
    inp['bg2'] = jax.random.uniform(ks[10], (OUT_SIZE,), minval=-s, maxval=s, dtype=jnp.float32)
    sa = 1.0 / np.sqrt(OUT_SIZE)
    inp['Wa1'] = jax.random.uniform(ks[11], (HIDDEN, OUT_SIZE), minval=-sa, maxval=sa, dtype=jnp.float32)
    inp['ba1'] = jax.random.uniform(ks[12], (HIDDEN,), minval=-sa, maxval=sa, dtype=jnp.float32)
    sh = 1.0 / np.sqrt(HIDDEN)
    inp['Wa2'] = jax.random.uniform(ks[13], (1, HIDDEN), minval=-sh, maxval=sh, dtype=jnp.float32)
    return inp


def _han_forward(node_emb, edge_emb, edge_idx_list, gin_params, Wa1, ba1, Wa2):
    # edge rotation vectors
    r1, r2 = jnp.split(edge_emb, 2, axis=-1)
    r_vec = jnp.stack([r1, r2], axis=2)  # [NE, IN/2, 2]
    nrm = jnp.sqrt(jnp.sum(r_vec * r_vec, axis=2, keepdims=True))
    r_vec = r_vec / jnp.maximum(nrm, 1e-12)
    h = node_emb.reshape(node_emb.shape[0], node_emb.shape[1] // 2, 2)
    sem = []
    for i in range(NUM_PATHS):
        t1 = h[:, :, 0]
        t2 = h[:, :, 1]
        if TAG == 'in':
            for etype in PATHS[i]:
                t1n = t1 * r_vec[etype - 1, :, 0] - t2 * r_vec[etype - 1, :, 1]
                t2n = t1n * r_vec[etype - 1, :, 1] + t2 * r_vec[etype - 1, :, 0]
                t1, t2 = t1n, t2n
        else:
            for etype in reversed(PATHS[i]):
                t1n = t1 * r_vec[etype - 1, :, 0] + t2 * r_vec[etype - 1, :, 1]
                t2n = t2 * r_vec[etype - 1, :, 0] - t1n * r_vec[etype - 1, :, 1]
                t1, t2 = t1n, t2n
        h_new = jnp.concatenate([t1, t2], axis=-1)  # [N, IN]
        src = edge_idx_list[i][0]
        dst = edge_idx_list[i][1]
        # DGL GINConv with 'sum' aggregator, eps=0: (1+eps)*h + sum_{neighbors} h, then apply_func (Linear)
        agg = jax.ops.segment_sum(h_new[src], dst, num_segments=node_emb.shape[0])
        rst = h_new + agg
        W, b = gin_params[i]
        out = rst @ W.T + b
        sem.append(jax.nn.elu(out))
    z = jnp.stack(sem, axis=1)  # [N, P, OUT]
    w = jnp.tanh(z @ Wa1.T + ba1) @ Wa2.T  # [N, P, 1]
    beta = jax.nn.softmax(jnp.mean(w, axis=0), axis=0)  # [P, 1]
    beta = jnp.broadcast_to(beta, (z.shape[0],) + beta.shape)
    return jnp.sum(beta * z, axis=1)  # [N, OUT]


def reference(node_emb, edge_emb, edge_index0, edge_index1, edge_index2, Wg0, bg0, Wg1, bg1, Wg2, bg2, Wa1, ba1, Wa2):
    edge_idx_list = [edge_index0, edge_index1, edge_index2]
    gin_params = [(Wg0, bg0), (Wg1, bg1), (Wg2, bg2)]
    return _han_forward(node_emb, edge_emb, edge_idx_list, gin_params, Wa1, ba1, Wa2)

if __name__ == "__main__":
    import jax
    _d = setup_inputs()
    print(jax.jit(kernel)(*tuple(_d.values())))

</pallas_src>

<mosaic_0001>
#map = affine_map<(d0, d1) -> (0, 0)>
#map1 = affine_map<(d0, d1) -> (0)>
#map2 = affine_map<(d0, d1) -> (0, 0, 0, 0)>
module attributes {stable_mosaic.version = 14 : i64} {
  func.func @_sc_body(%arg0: i32, %arg1: i32, %arg2: memref<20000x128xf32, #tpu.memory_space<hbm>>, %arg3: memref<160000xi32, #tpu.memory_space<hbm>>, %arg4: memref<160000xi32, #tpu.memory_space<hbm>>, %arg5: memref<160000xi32, #tpu.memory_space<hbm>>, %arg6: memref<160000xi32, #tpu.memory_space<hbm>>, %arg7: memref<160000xi32, #tpu.memory_space<hbm>>, %arg8: memref<160000xi32, #tpu.memory_space<hbm>>, %arg9: memref<3x2x10000x128xf32, #tpu.memory_space<hbm>>, %arg10: memref<128xi32, #tpu.memory_space<vmem>>, %arg11: memref<128xi32, #tpu.memory_space<vmem>>, %arg12: memref<128xi32, #tpu.memory_space<vmem>>, %arg13: memref<128xi32, #tpu.memory_space<vmem>>, %arg14: memref<128x128xf32, #tpu.memory_space<vmem>>, %arg15: memref<128x128xf32, #tpu.memory_space<vmem>>, %arg16: memref<16xi32, #tpu.memory_space<vmem>>, %arg17: memref<16xi32, #tpu.memory_space<vmem>>, %arg18: memref<16x128xf32, #tpu.memory_space<vmem>>, %arg19: memref<10000x128xf32, #tpu.memory_space<vmem_shared>>, %arg20: memref<!tpu.dma_semaphore, #tpu.memory_space<semaphore_mem>>, %arg21: memref<!tpu.dma_semaphore, #tpu.memory_space<semaphore_mem>>, %arg22: memref<!tpu.dma_semaphore, #tpu.memory_space<semaphore_mem>>) attributes {dimension_semantics = [#tpu.dimension_semantics<core_parallel>, #tpu.dimension_semantics<subcore_parallel>], iteration_bounds = array<i64: 2, 16>, scalar_prefetch = 0 : i64, scratch_operands = 13 : i64, tpu.core_type = #tpu.core_type<sc_vector_subcore>, window_params = [{transform_indices = #map}, {transform_indices = #map1}, {transform_indices = #map1}, {transform_indices = #map1}, {transform_indices = #map1}, {transform_indices = #map1}, {transform_indices = #map1}, {transform_indices = #map2}]} {
    %mul3A = arith.constant 10000 : i32
    %mul3A_0 = arith.muli %arg1, %mul3A : i32
    %mul3A_1 = arith.constant 624 : i32
    %mul3A_2 = arith.muli %arg1, %mul3A_1 : i32
    %mul3A_3 = arith.constant 10000 : i32
    %mul3A_4 = arith.muli %arg0, %mul3A_3 : i32
    %add3A = arith.addi %mul3A_4, %mul3A_2 : i32
    "tpu.region"() ({
      %run_scoped3A_129 = tpu.sem_alloc : memref<!tpu.dma_semaphore, #tpu.memory_space<semaphore_mem>>
      %dma_start3A_130 = arith.constant 0 : i32
      %dma_start3A_131 = tpu.memref_slice %arg19[%mul3A_2, %dma_start3A_130] : memref<10000x128xf32, #tpu.memory_space<vmem_shared>> -> memref<624x128xf32, #tpu.memory_space<vmem_shared>>
      %dma_start3A_132 = arith.constant 0 : i32
      %dma_start3A_133 = tpu.memref_slice %arg2[%add3A, %dma_start3A_132] : memref<20000x128xf32, #tpu.memory_space<hbm>> -> memref<624x128xf32, #tpu.memory_space<hbm>>
      tpu.enqueue_dma source(%dma_start3A_133 : memref<624x128xf32, #tpu.memory_space<hbm>>) target(%dma_start3A_131 : memref<624x128xf32, #tpu.memory_space<vmem_shared>>) target_semaphore(%run_scoped3A_129 : memref<!tpu.dma_semaphore, #tpu.memory_space<semaphore_mem>>)
      %dma_wait3A_134 = arith.constant 0 : i32
      %dma_wait3A_135 = tpu.memref_slice %arg19[%mul3A_2, %dma_wait3A_134] : memref<10000x128xf32, #tpu.memory_space<vmem_shared>> -> memref<624x128xf32, #tpu.memory_space<vmem_shared>>
      %dma_wait3A_136 = arith.constant 0 : i32
      %dma_wait3A_137 = tpu.memref_slice %arg2[%add3A, %dma_wait3A_136] : memref<20000x128xf32, #tpu.memory_space<hbm>> -> memref<624x128xf32, #tpu.memory_space<hbm>>
      tpu.wait_dma2 semaphore(%run_scoped3A_129 : memref<!tpu.dma_semaphore, #tpu.memory_space<semaphore_mem>>) src(%dma_wait3A_137 : memref<624x128xf32, #tpu.memory_space<hbm>>) dst(%dma_wait3A_135 : memref<624x128xf32, #tpu.memory_space<vmem_shared>>)
      tpu.yield
    }) : () -> ()
    %eq3A = arith.constant 15 : i32
    %eq3A_5 = arith.cmpi eq, %arg1, %eq3A : i32
    %convert_element_type3A = arith.extui %eq3A_5 : i1 to i32
    %cond3A = arith.constant 0 : i32
    %cond3A_6 = arith.cmpi ne, %convert_element_type3A, %cond3A : i32
    scf.if %cond3A_6 {
      %add3A_129 = arith.constant 9984 : i32
      %add3A_130 = arith.addi %mul3A_4, %add3A_129 : i32
      "tpu.region"() ({
        %run_scoped3A_131 = tpu.sem_alloc : memref<!tpu.dma_semaphore, #tpu.memory_space<semaphore_mem>>
        %dma_start3A_132 = arith.constant 9984 : i32
        %dma_start3A_133 = arith.constant 0 : i32
        %dma_start3A_134 = tpu.memref_slice %arg19[%dma_start3A_132, %dma_start3A_133] : memref<10000x128xf32, #tpu.memory_space<vmem_shared>> -> memref<16x128xf32, #tpu.memory_space<vmem_shared>>
        %dma_start3A_135 = arith.constant 0 : i32
        %dma_start3A_136 = tpu.memref_slice %arg2[%add3A_130, %dma_start3A_135] : memref<20000x128xf32, #tpu.memory_space<hbm>> -> memref<16x128xf32, #tpu.memory_space<hbm>>
        tpu.enqueue_dma source(%dma_start3A_136 : memref<16x128xf32, #tpu.memory_space<hbm>>) target(%dma_start3A_134 : memref<16x128xf32, #tpu.memory_space<vmem_shared>>) target_semaphore(%run_scoped3A_131 : memref<!tpu.dma_semaphore, #tpu.memory_space<semaphore_mem>>)
        %dma_wait3A_137 = arith.constant 9984 : i32
        %dma_wait3A_138 = arith.constant 0 : i32
        %dma_wait3A_139 = tpu.memref_slice %arg19[%dma_wait3A_137, %dma_wait3A_138] : memref<10000x128xf32, #tpu.memory_space<vmem_shared>> -> memref<16x128xf32, #tpu.memory_space<vmem_shared>>
        %dma_wait3A_140 = arith.constant 0 : i32
        %dma_wait3A_141 = tpu.memref_slice %arg2[%add3A_130, %dma_wait3A_140] : memref<20000x128xf32, #tpu.memory_space<hbm>> -> memref<16x128xf32, #tpu.memory_space<hbm>>
        tpu.wait_dma2 semaphore(%run_scoped3A_131 : memref<!tpu.dma_semaphore, #tpu.memory_space<semaphore_mem>>) src(%dma_wait3A_141 : memref<16x128xf32, #tpu.memory_space<hbm>>) dst(%dma_wait3A_139 : memref<16x128xf32, #tpu.memory_space<vmem_shared>>)
        tpu.yield
      }) : () -> ()
    } else {
    }
    %barrier3A = arith.constant 0 : index
    tpu.barrier barrier_id(%barrier3A)
    %scan3A = arith.constant 0 : i32
    %scan3A_7 = arith.constant 0 : i32
    %scan3A_8 = arith.constant 39 : i32
    %scan3A_9 = arith.addi %scan3A_7, %scan3A_8 : i32
    %scan3A_10 = arith.constant 1 : i32
    %scan3A_11 = scf.for %scan3A_129 = %scan3A_7 to %scan3A_9 step %scan3A_10 iter_args(%scan3A_130 = %scan3A) -> (i32)  : i32 {
      %mul3A_131 = arith.constant 2 : i32
      %mul3A_132 = arith.muli %scan3A_129, %mul3A_131 : i32
      %add3A_133 = arith.constant 0 : i32
      %add3A_134 = arith.addi %mul3A_132, %add3A_133 : i32
      %mul3A_135 = arith.constant 128 : i32
      %mul3A_136 = arith.muli %add3A_134, %mul3A_135 : i32
      %add3A_137 = arith.addi %mul3A_0, %mul3A_136 : i32
      %gt3A = arith.constant 0 : i32
      %gt3A_138 = arith.cmpi sgt, %scan3A_129, %gt3A : i32
      %convert_element_type3A_139 = arith.extui %gt3A_138 : i1 to i32
      %cond3A_140 = arith.constant 0 : i32
      %cond3A_141 = arith.cmpi ne, %convert_element_type3A_139, %cond3A_140 : i32
      scf.if %cond3A_141 {
        %dma_wait3A_433 = arith.constant 0 : i32
        %dma_wait3A_434 = arith.constant 0 : i32
        %dma_wait3A_435 = tpu.memref_slice %arg19[%dma_wait3A_433, %dma_wait3A_434] : memref<10000x128xf32, #tpu.memory_space<vmem_shared>> -> memref<10000x128xf32, #tpu.memory_space<vmem_shared>>
        tpu.wait_indirect_dma semaphore(%arg21 : memref<!tpu.dma_semaphore, #tpu.memory_space<semaphore_mem>>) src(%arg14 : memref<128x128xf32, #tpu.memory_space<vmem>>) dst(%dma_wait3A_435 : memref<10000x128xf32, #tpu.memory_space<vmem_shared>>)
      } else {
      }
      %dma_start3A_142 = tpu.memref_slice %arg3[%add3A_137] : memref<160000xi32, #tpu.memory_space<hbm>> -> memref<128xi32, #tpu.memory_space<hbm>>
      %dma_start3A_143 = tpu.memref_slice %arg3[%add3A_137] : memref<160000xi32, #tpu.memory_space<hbm>> -> memref<128xi32, #tpu.memory_space<hbm>>
      tpu.enqueue_dma source(%dma_start3A_143 : memref<128xi32, #tpu.memory_space<hbm>>) target(%arg10 : memref<128xi32, #tpu.memory_space<vmem>>) target_semaphore(%arg20 : memref<!tpu.dma_semaphore, #tpu.memory_space<semaphore_mem>>)
      %dma_start3A_144 = tpu.memref_slice %arg4[%add3A_137] : memref<160000xi32, #tpu.memory_space<hbm>> -> memref<128xi32, #tpu.memory_space<hbm>>
      %dma_start3A_145 = tpu.memref_slice %arg4[%add3A_137] : memref<160000xi32, #tpu.memory_space<hbm>> -> memref<128xi32, #tpu.memory_space<hbm>>
      tpu.enqueue_dma source(%dma_start3A_145 : memref<128xi32, #tpu.memory_space<hbm>>) target(%arg12 : memref<128xi32, #tpu.memory_space<vmem>>) target_semaphore(%arg20 : memref<!tpu.dma_semaphore, #tpu.memory_space<semaphore_mem>>)
      %dma_wait3A_146 = tpu.memref_slice %arg3[%add3A_137] : memref<160000xi32, #tpu.memory_space<hbm>> -> memref<128xi32, #tpu.memory_space<hbm>>
      %dma_wait3A_147 = tpu.memref_slice %arg3[%add3A_137] : memref<160000xi32, #tpu.memory_space<hbm>> -> memref<128xi32, #tpu.memory_space<hbm>>
      tpu.wait_dma2 semaphore(%arg20 : memref<!tpu.dma_semaphore, #tpu.memory_space<semaphore_mem>>) src(%dma_wait3A_147 : memref<128xi32, #tpu.memory_space<hbm>>) dst(%arg10 : memref<128xi32, #tpu.memory_space<vmem>>)
      %dma_wait3A_148 = tpu.memref_slice %arg4[%add3A_137] : memref<160000xi32, #tpu.memory_space<hbm>> -> memref<128xi32, #tpu.memory_space<hbm>>
      %dma_wait3A_149 = tpu.memref_slice %arg4[%add3A_137] : memref<160000xi32, #tpu.memory_space<hbm>> -> memref<128xi32, #tpu.memory_space<hbm>>
      tpu.wait_dma2 semaphore(%arg20 : memref<!tpu.dma_semaphore, #tpu.memory_space<semaphore_mem>>) src(%dma_wait3A_149 : memref<128xi32, #tpu.memory_space<hbm>>) dst(%arg12 : memref<128xi32, #tpu.memory_space<vmem>>)
      %scan3A_150 = arith.constant 0 : i32
      %scan3A_151 = arith.constant 0 : i32
      %mul3A_152 = arith.constant 16 : i32
      %mul3A_153 = arith.muli %scan3A_151, %mul3A_152 : i32
      %get3A_154 = arith.index_cast %mul3A_153 : i32 to index
      %get3A_155 = tpu.vector_load %arg10[%get3A_154] {strides = array<i32>} : memref<128xi32, #tpu.memory_space<vmem>>, vector<16xi32>,
      %get3A_156 = vector.shape_cast %get3A_155 : vector<16xi32> to vector<16xi32>
      %add3A_157 = vector.broadcast %mul3A_4 : i32 to vector<16xi32>
      %add3A_158 = arith.addi %get3A_156, %add3A_157 : vector<16xi32>
      %mul3A_159 = arith.constant 16 : i32
      %mul3A_160 = arith.muli %scan3A_151, %mul3A_159 : i32
      %swap3A_161 = arith.index_cast %mul3A_160 : i32 to index
      %swap3A_162 = tpu.vector_load %arg10[%swap3A_161] {strides = array<i32>} : memref<128xi32, #tpu.memory_space<vmem>>, vector<16xi32>,
      %swap3A_163 = vector.shape_cast %swap3A_162 : vector<16xi32> to vector<16xi32>
      %swap3A_164 = vector.shape_cast %add3A_158 : vector<16xi32> to vector<16xi32>
      tpu.vector_store %arg10[%swap3A_161], %swap3A_164 {strides = array<i32>} : memref<128xi32, #tpu.memory_space<vmem>>, vector<16xi32>,
      %scan3A_165 = arith.constant 0 : i32
      %scan3A_166 = arith.constant 1 : i32
      %mul3A_167 = arith.constant 16 : i32
      %mul3A_168 = arith.muli %scan3A_166, %mul3A_167 : i32
      %get3A_169 = arith.index_cast %mul3A_168 : i32 to index
      %get3A_170 = tpu.vector_load %arg10[%get3A_169] {strides = array<i32>} : memref<128xi32, #tpu.memory_space<vmem>>, vector<16xi32>,
      %get3A_171 = vector.shape_cast %get3A_170 : vector<16xi32> to vector<16xi32>
      %add3A_172 = vector.broadcast %mul3A_4 : i32 to vector<16xi32>
      %add3A_173 = arith.addi %get3A_171, %add3A_172 : vector<16xi32>
      %mul3A_174 = arith.constant 16 : i32
      %mul3A_175 = arith.muli %scan3A_166, %mul3A_174 : i32
      %swap3A_176 = arith.index_cast %mul3A_175 : i32 to index
      %swap3A_177 = tpu.vector_load %arg10[%swap3A_176] {strides = array<i32>} : memref<128xi32, #tpu.memory_space<vmem>>, vector<16xi32>,
      %swap3A_178 = vector.shape_cast %swap3A_177 : vector<16xi32> to vector<16xi32>
      %swap3A_179 = vector.shape_cast %add3A_173 : vector<16xi32> to vector<16xi32>
      tpu.vector_store %arg10[%swap3A_176], %swap3A_179 {strides = array<i32>} : memref<128xi32, #tpu.memory_space<vmem>>, vector<16xi32>,
      %scan3A_180 = arith.constant 0 : i32
      %scan3A_181 = arith.constant 2 : i32
      %mul3A_182 = arith.constant 16 : i32
      %mul3A_183 = arith.muli %scan3A_181, %mul3A_182 : i32
      %get3A_184 = arith.index_cast %mul3A_183 : i32 to index
      %get3A_185 = tpu.vector_load %arg10[%get3A_184] {strides = array<i32>} : memref<128xi32, #tpu.memory_space<vmem>>, vector<16xi32>,
      %get3A_186 = vector.shape_cast %get3A_185 : vector<16xi32> to vector<16xi32>
      %add3A_187 = vector.broadcast %mul3A_4 : i32 to vector<16xi32>
      %add3A_188 = arith.addi %get3A_186, %add3A_187 : vector<16xi32>
      %mul3A_189 = arith.constant 16 : i32
      %mul3A_190 = arith.muli %scan3A_181, %mul3A_189 : i32
      %swap3A_191 = arith.index_cast %mul3A_190 : i32 to index
      %swap3A_192 = tpu.vector_load %arg10[%swap3A_191] {strides = array<i32>} : memref<128xi32, #tpu.memory_space<vmem>>, vector<16xi32>,
      %swap3A_193 = vector.shape_cast %swap3A_192 : vector<16xi32> to vector<16xi32>
      %swap3A_194 = vector.shape_cast %add3A_188 : vector<16xi32> to vector<16xi32>
      tpu.vector_store %arg10[%swap3A_191], %swap3A_194 {strides = array<i32>} : memref<128xi32, #tpu.memory_space<vmem>>, vector<16xi32>,
      %scan3A_195 = arith.constant 0 : i32
      %scan3A_196 = arith.constant 3 : i32
      %mul3A_197 = arith.constant 16 : i32
      %mul3A_198 = arith.muli %scan3A_196, %mul3A_197 : i32
      %get3A_199 = arith.index_cast %mul3A_198 : i32 to index
      %get3A_200 = tpu.vector_load %arg10[%get3A_199] {strides = array<i32>} : memref<128xi32, #tpu.memory_space<vmem>>, vector<16xi32>,
      %get3A_201 = vector.shape_cast %get3A_200 : vector<16xi32> to vector<16xi32>
      %add3A_202 = vector.broadcast %mul3A_4 : i32 to vector<16xi32>
      %add3A_203 = arith.addi %get3A_201, %add3A_202 : vector<16xi32>
      %mul3A_204 = arith.constant 16 : i32
      %mul3A_205 = arith.muli %scan3A_196, %mul3A_204 : i32
      %swap3A_206 = arith.index_cast %mul3A_205 : i32 to index
      %swap3A_207 = tpu.vector_load %arg10[%swap3A_206] {strides = array<i32>} : memref<128xi32, #tpu.memory_space<vmem>>, vector<16xi32>,
      %swap3A_208 = vector.shape_cast %swap3A_207 : vector<16xi32> to vector<16xi32>
      %swap3A_209 = vector.shape_cast %add3A_203 : vector<16xi32> to vector<16xi32>
      tpu.vector_store %arg10[%swap3A_206], %swap3A_209 {strides = array<i32>} : memref<128xi32, #tpu.memory_space<vmem>>, vector<16xi32>,
      %scan3A_210 = arith.constant 0 : i32
      %scan3A_211 = arith.constant 4 : i32
      %mul3A_212 = arith.constant 16 : i32
      %mul3A_213 = arith.muli %scan3A_211, %mul3A_212 : i32
      %get3A_214 = arith.index_cast %mul3A_213 : i32 to index
      %get3A_215 = tpu.vector_load %arg10[%get3A_214] {strides = array<i32>} : memref<128xi32, #tpu.memory_space<vmem>>, vector<16xi32>,
      %get3A_216 = vector.shape_cast %get3A_215 : vector<16xi32> to vector<16xi32>
      %add3A_217 = vector.broadcast %mul3A_4 : i32 to vector<16xi32>
      %add3A_218 = arith.addi %get3A_216, %add3A_217 : vector<16xi32>
      %mul3A_219 = arith.constant 16 : i32
      %mul3A_220 = arith.muli %scan3A_211, %mul3A_219 : i32
      %swap3A_221 = arith.index_cast %mul3A_220 : i32 to index
      %swap3A_222 = tpu.vector_load %arg10[%swap3A_221] {strides = array<i32>} : memref<128xi32, #tpu.memory_space<vmem>>, vector<16xi32>,
      %swap3A_223 = vector.shape_cast %swap3A_222 : vector<16xi32> to vector<16xi32>
      %swap3A_224 = vector.shape_cast %add3A_218 : vector<16xi32> to vector<16xi32>
      tpu.vector_store %arg10[%swap3A_221], %swap3A_224 {strides = array<i32>} : memref<128xi32, #tpu.memory_space<vmem>>, vector<16xi32>,
      %scan3A_225 = arith.constant 0 : i32
      %scan3A_226 = arith.constant 5 : i32
      %mul3A_227 = arith.constant 16 : i32
      %mul3A_228 = arith.muli %scan3A_226, %mul3A_227 : i32
      %get3A_229 = arith.index_cast %mul3A_228 : i32 to index
      %get3A_230 = tpu.vector_load %arg10[%get3A_229] {strides = array<i32>} : memref<128xi32, #tpu.memory_space<vmem>>, vector<16xi32>,
      %get3A_231 = vector.shape_cast %get3A_230 : vector<16xi32> to vector<16xi32>
      %add3A_232 = vector.broadcast %mul3A_4 : i32 to vector<16xi32>
      %add3A_233 = arith.addi %get3A_231, %add3A_232 : vector<16xi32>
      %mul3A_234 = arith.constant 16 : i32
      %mul3A_235 = arith.muli %scan3A_226, %mul3A_234 : i32
      %swap3A_236 = arith.index_cast %mul3A_235 : i32 to index
      %swap3A_237 = tpu.vector_load %arg10[%swap3A_236] {strides = array<i32>} : memref<128xi32, #tpu.memory_space<vmem>>, vector<16xi32>,
      %swap3A_238 = vector.shape_cast %swap3A_237 : vector<16xi32> to vector<16xi32>
      %swap3A_239 = vector.shape_cast %add3A_233 : vector<16xi32> to vector<16xi32>
      tpu.vector_store %arg10[%swap3A_236], %swap3A_239 {strides = array<i32>} : memref<128xi32, #tpu.memory_space<vmem>>, vector<16xi32>,
      %scan3A_240 = arith.constant 0 : i32
      %scan3A_241 = arith.constant 6 : i32
      %mul3A_242 = arith.constant 16 : i32
      %mul3A_243 = arith.muli %scan3A_241, %mul3A_242 : i32
      %get3A_244 = arith.index_cast %mul3A_243 : i32 to index
      %get3A_245 = tpu.vector_load %arg10[%get3A_244] {strides = array<i32>} : memref<128xi32, #tpu.memory_space<vmem>>, vector<16xi32>,
      %get3A_246 = vector.shape_cast %get3A_245 : vector<16xi32> to vector<16xi32>
      %add3A_247 = vector.broadcast %mul3A_4 : i32 to vector<16xi32>
      %add3A_248 = arith.addi %get3A_246, %add3A_247 : vector<16xi32>
      %mul3A_249 = arith.constant 16 : i32
      %mul3A_250 = arith.muli %scan3A_241, %mul3A_249 : i32
      %swap3A_251 = arith.index_cast %mul3A_250 : i32 to index
      %swap3A_252 = tpu.vector_load %arg10[%swap3A_251] {strides = array<i32>} : memref<128xi32, #tpu.memory_space<vmem>>, vector<16xi32>,
      %swap3A_253 = vector.shape_cast %swap3A_252 : vector<16xi32> to vector<16xi32>
      %swap3A_254 = vector.shape_cast %add3A_248 : vector<16xi32> to vector<16xi32>
      tpu.vector_store %arg10[%swap3A_251], %swap3A_254 {strides = array<i32>} : memref<128xi32, #tpu.memory_space<vmem>>, vector<16xi32>,
      %scan3A_255 = arith.constant 0 : i32
      %scan3A_256 = arith.constant 7 : i32
      %mul3A_257 = arith.constant 16 : i32
      %mul3A_258 = arith.muli %scan3A_256, %mul3A_257 : i32
      %get3A_259 = arith.index_cast %mul3A_258 : i32 to index
      %get3A_260 = tpu.vector_load %arg10[%get3A_259] {strides = array<i32>} : memref<128xi32, #tpu.memory_space<vmem>>, vector<16xi32>,
      %get3A_261 = vector.shape_cast %get3A_260 : vector<16xi32> to vector<16xi32>
      %add3A_262 = vector.broadcast %mul3A_4 : i32 to vector<16xi32>
      %add3A_263 = arith.addi %get3A_261, %add3A_262 : vector<16xi32>
      %mul3A_264 = arith.constant 16 : i32
      %mul3A_265 = arith.muli %scan3A_256, %mul3A_264 : i32
      %swap3A_266 = arith.index_cast %mul3A_265 : i32 to index
      %swap3A_267 = tpu.vector_load %arg10[%swap3A_266] {strides = array<i32>} : memref<128xi32, #tpu.memory_space<vmem>>, vector<16xi32>,
      %swap3A_268 = vector.shape_cast %swap3A_267 : vector<16xi32> to vector<16xi32>
      %swap3A_269 = vector.shape_cast %add3A_263 : vector<16xi32> to vector<16xi32>
      tpu.vector_store %arg10[%swap3A_266], %swap3A_269 {strides = array<i32>} : memref<128xi32, #tpu.memory_space<vmem>>, vector<16xi32>,
      %scan3A_270 = arith.constant 0 : i32
      %scan3A_271 = arith.constant 8 : i32
      %dma_start3A_272 = arith.constant 0 : i32
      %dma_start3A_273 = arith.constant 0 : i32
      %dma_start3A_274 = tpu.memref_slice %arg2[%dma_start3A_272, %dma_start3A_273] : memref<20000x128xf32, #tpu.memory_space<hbm>> -> memref<20000x128xf32, #tpu.memory_space<hbm>>
      tpu.enqueue_indirect_dma source(%dma_start3A_274 : memref<20000x128xf32, #tpu.memory_space<hbm>>) target(%arg14 : memref<128x128xf32, #tpu.memory_space<vmem>>) offsets(%arg10 : memref<128xi32, #tpu.memory_space<vmem>>) semaphore(%arg20 : memref<!tpu.dma_semaphore, #tpu.memory_space<semaphore_mem>>)
      %dma_wait3A_275 = arith.constant 0 : i32
      %dma_wait3A_276 = arith.constant 0 : i32
      %dma_wait3A_277 = tpu.memref_slice %arg2[%dma_wait3A_275, %dma_wait3A_276] : memref<20000x128xf32, #tpu.memory_space<hbm>> -> memref<20000x128xf32, #tpu.memory_space<hbm>>
      tpu.wait_indirect_dma semaphore(%arg20 : memref<!tpu.dma_semaphore, #tpu.memory_space<semaphore_mem>>) src(%dma_wait3A_277 : memref<20000x128xf32, #tpu.memory_space<hbm>>) dst(%arg14 : memref<128x128xf32, #tpu.memory_space<vmem>>)
      %dma_start3A_278 = arith.constant 0 : i32
      %dma_start3A_279 = arith.constant 0 : i32
      %dma_start3A_280 = tpu.memref_slice %arg19[%dma_start3A_278, %dma_start3A_279] : memref<10000x128xf32, #tpu.memory_space<vmem_shared>> -> memref<10000x128xf32, #tpu.memory_space<vmem_shared>>
      tpu.enqueue_indirect_dma source(%arg14 : memref<128x128xf32, #tpu.memory_space<vmem>>) target(%dma_start3A_280 : memref<10000x128xf32, #tpu.memory_space<vmem_shared>>) offsets(%arg12 : memref<128xi32, #tpu.memory_space<vmem>>) semaphore(%arg21 : memref<!tpu.dma_semaphore, #tpu.memory_space<semaphore_mem>>) {add = true}
      %mul3A_281 = arith.constant 2 : i32
      %mul3A_282 = arith.muli %scan3A_129, %mul3A_281 : i32
      %add3A_283 = arith.constant 1 : i32
      %add3A_284 = arith.addi %mul3A_282, %add3A_283 : i32
      %mul3A_285 = arith.constant 128 : i32
      %mul3A_286 = arith.muli %add3A_284, %mul3A_285 : i32
      %add3A_287 = arith.addi %mul3A_0, %mul3A_286 : i32
      %gt3A_288 = arith.constant 0 : i32
      %gt3A_289 = arith.cmpi sgt, %scan3A_129, %gt3A_288 : i32
      %convert_element_type3A_290 = arith.extui %gt3A_289 : i1 to i32
      %cond3A_291 = arith.constant 0 : i32
      %cond3A_292 = arith.cmpi ne, %convert_element_type3A_290, %cond3A_291 : i32
      scf.if %cond3A_292 {
        %dma_wait3A_433 = arith.constant 0 : i32
        %dma_wait3A_434 = arith.constant 0 : i32
        %dma_wait3A_435 = tpu.memref_slice %arg19[%dma_wait3A_433, %dma_wait3A_434] : memref<10000x128xf32, #tpu.memory_space<vmem_shared>> -> memref<10000x128xf32, #tpu.memory_space<vmem_shared>>
        tpu.wait_indirect_dma semaphore(%arg22 : memref<!tpu.dma_semaphore, #tpu.memory_space<semaphore_mem>>) src(%arg15 : memref<128x128xf32, #tpu.memory_space<vmem>>) dst(%dma_wait3A_435 : memref<10000x128xf32, #tpu.memory_space<vmem_shared>>)
      } else {
      }
      %dma_start3A_293 = tpu.memref_slice %arg3[%add3A_287] : memref<160000xi32, #tpu.memory_space<hbm>> -> memref<128xi32, #tpu.memory_space<hbm>>
      %dma_start3A_294 = tpu.memref_slice %arg3[%add3A_287] : memref<160000xi32, #tpu.memory_space<hbm>> -> memref<128xi32, #tpu.memory_space<hbm>>
      tpu.enqueue_dma source(%dma_start3A_294 : memref<128xi32, #tpu.memory_space<hbm>>) target(%arg11 : memref<128xi32, #tpu.memory_space<vmem>>) target_semaphore(%arg20 : memref<!tpu.dma_semaphore, #tpu.memory_space<semaphore_mem>>)
      %dma_start3A_295 = tpu.memref_slice %arg4[%add3A_287] : memref<160000xi32, #tpu.memory_space<hbm>> -> memref<128xi32, #tpu.memory_space<hbm>>
      %dma_start3A_296 = tpu.memref_slice %arg4[%add3A_287] : memref<160000xi32, #tpu.memory_space<hbm>> -> memref<128xi32, #tpu.memory_space<hbm>>
      tpu.enqueue_dma source(%dma_start3A_296 : memref<128xi32, #tpu.memory_space<hbm>>) target(%arg13 : memref<128xi32, #tpu.memory_space<vmem>>) target_semaphore(%arg20 : memref<!tpu.dma_semaphore, #tpu.memory_space<semaphore_mem>>)
      %dma_wait3A_297 = tpu.memref_slice %arg3[%add3A_287] : memref<160000xi32, #tpu.memory_space<hbm>> -> memref<128xi32, #tpu.memory_space<hbm>>
      %dma_wait3A_298 = tpu.memref_slice %arg3[%add3A_287] : memref<160000xi32, #tpu.memory_space<hbm>> -> memref<128xi32, #tpu.memory_space<hbm>>
      tpu.wait_dma2 semaphore(%arg20 : memref<!tpu.dma_semaphore, #tpu.memory_space<semaphore_mem>>) src(%dma_wait3A_298 : memref<128xi32, #tpu.memory_space<hbm>>) dst(%arg11 : memref<128xi32, #tpu.memory_space<vmem>>)
      %dma_wait3A_299 = tpu.memref_slice %arg4[%add3A_287] : memref<160000xi32, #tpu.memory_space<hbm>> -> memref<128xi32, #tpu.memory_space<hbm>>
      %dma_wait3A_300 = tpu.memref_slice %arg4[%add3A_287] : memref<160000xi32, #tpu.memory_space<hbm>> -> memref<128xi32, #tpu.memory_space<hbm>>
      tpu.wait_dma2 semaphore(%arg20 : memref<!tpu.dma_semaphore, #tpu.memory_space<semaphore_mem>>) src(%dma_wait3A_300 : memref<128xi32, #tpu.memory_space<hbm>>) dst(%arg13 : memref<128xi32, #tpu.memory_space<vmem>>)
      %scan3A_301 = arith.constant 0 : i32
      %scan3A_302 = arith.constant 0 : i32
      %mul3A_303 = arith.constant 16 : i32
      %mul3A_304 = arith.muli %scan3A_302, %mul3A_303 : i32
      %get3A_305 = arith.index_cast %mul3A_304 : i32 to index
      %get3A_306 = tpu.vector_load %arg11[%get3A_305] {strides = array<i32>} : memref<128xi32, #tpu.memory_space<vmem>>, vector<16xi32>,
      %get3A_307 = vector.shape_cast %get3A_306 : vector<16xi32> to vector<16xi32>
      %add3A_308 = vector.broadcast %mul3A_4 : i32 to vector<16xi32>
      %add3A_309 = arith.addi %get3A_307, %add3A_308 : vector<16xi32>
      %mul3A_310 = arith.constant 16 : i32
      %mul3A_311 = arith.muli %scan3A_302, %mul3A_310 : i32
      %swap3A_312 = arith.index_cast %mul3A_311 : i32 to index
      %swap3A_313 = tpu.vector_load %arg11[%swap3A_312] {strides = array<i32>} : memref<128xi32, #tpu.memory_space<vmem>>, vector<16xi32>,
      %swap3A_314 = vector.shape_cast %swap3A_313 : vector<16xi32> to vector<16xi32>
      %swap3A_315 = vector.shape_cast %add3A_309 : vector<16xi32> to vector<16xi32>
      tpu.vector_store %arg11[%swap3A_312], %swap3A_315 {strides = array<i32>} : memref<128xi32, #tpu.memory_space<vmem>>, vector<16xi32>,
      %scan3A_316 = arith.constant 0 : i32
      %scan3A_317 = arith.constant 1 : i32
      %mul3A_318 = arith.constant 16 : i32
      %mul3A_319 = arith.muli %scan3A_317, %mul3A_318 : i32
      %get3A_320 = arith.index_cast %mul3A_319 : i32 to index
      %get3A_321 = tpu.vector_load %arg11[%get3A_320] {strides = array<i32>} : memref<128xi32, #tpu.memory_space<vmem>>, vector<16xi32>,
      %get3A_322 = vector.shape_cast %get3A_321 : vector<16xi32> to vector<16xi32>
      %add3A_323 = vector.broadcast %mul3A_4 : i32 to vector<16xi32>
      %add3A_324 = arith.addi %get3A_322, %add3A_323 : vector<16xi32>
      %mul3A_325 = arith.constant 16 : i32
      %mul3A_326 = arith.muli %scan3A_317, %mul3A_325 : i32
      %swap3A_327 = arith.index_cast %mul3A_326 : i32 to index
      %swap3A_328 = tpu.vector_load %arg11[%swap3A_327] {strides = array<i32>} : memref<128xi32, #tpu.memory_space<vmem>>, vector<16xi32>,
      %swap3A_329 = vector.shape_cast %swap3A_328 : vector<16xi32> to vector<16xi32>
      %swap3A_330 = vector.shape_cast %add3A_324 : vector<16xi32> to vector<16xi32>
      tpu.vector_store %arg11[%swap3A_327], %swap3A_330 {strides = array<i32>} : memref<128xi32, #tpu.memory_space<vmem>>, vector<16xi32>,
      %scan3A_331 = arith.constant 0 : i32
      %scan3A_332 = arith.constant 2 : i32
      %mul3A_333 = arith.constant 16 : i32
      %mul3A_334 = arith.muli %scan3A_332, %mul3A_333 : i32
      %get3A_335 = arith.index_cast %mul3A_334 : i32 to index
      %get3A_336 = tpu.vector_load %arg11[%get3A_335] {strides = array<i32>} : memref<128xi32, #tpu.memory_space<vmem>>, vector<16xi32>,
      %get3A_337 = vector.shape_cast %get3A_336 : vector<16xi32> to vector<16xi32>
      %add3A_338 = vector.broadcast %mul3A_4 : i32 to vector<16xi32>
      %add3A_339 = arith.addi %get3A_337, %add3A_338 : vector<16xi32>
      %mul3A_340 = arith.constant 16 : i32
      %mul3A_341 = arith.muli %scan3A_332, %mul3A_340 : i32
      %swap3A_342 = arith.index_cast %mul3A_341 : i32 to index
      %swap3A_343 = tpu.vector_load %arg11[%swap3A_342] {strides = array<i32>} : memref<128xi32, #tpu.memory_space<vmem>>, vector<16xi32>,
      %swap3A_344 = vector.shape_cast %swap3A_343 : vector<16xi32> to vector<16xi32>
      %swap3A_345 = vector.shape_cast %add3A_339 : vector<16xi32> to vector<16xi32>
      tpu.vector_store %arg11[%swap3A_342], %swap3A_345 {strides = array<i32>} : memref<128xi32, #tpu.memory_space<vmem>>, vector<16xi32>,
      %scan3A_346 = arith.constant 0 : i32
      %scan3A_347 = arith.constant 3 : i32
      %mul3A_348 = arith.constant 16 : i32
      %mul3A_349 = arith.muli %scan3A_347, %mul3A_348 : i32
      %get3A_350 = arith.index_cast %mul3A_349 : i32 to index
      %get3A_351 = tpu.vector_load %arg11[%get3A_350] {strides = array<i32>} : memref<128xi32, #tpu.memory_space<vmem>>, vector<16xi32>,
      %get3A_352 = vector.shape_cast %get3A_351 : vector<16xi32> to vector<16xi32>
      %add3A_353 = vector.broadcast %mul3A_4 : i32 to vector<16xi32>
      %add3A_354 = arith.addi %get3A_352, %add3A_353 : vector<16xi32>
      %mul3A_355 = arith.constant 16 : i32
      %mul3A_356 = arith.muli %scan3A_347, %mul3A_355 : i32
      %swap3A_357 = arith.index_cast %mul3A_356 : i32 to index
      %swap3A_358 = tpu.vector_load %arg11[%swap3A_357] {strides = array<i32>} : memref<128xi32, #tpu.memory_space<vmem>>, vector<16xi32>,
      %swap3A_359 = vector.shape_cast %swap3A_358 : vector<16xi32> to vector<16xi32>
      %swap3A_360 = vector.shape_cast %add3A_354 : vector<16xi32> to vector<16xi32>
      tpu.vector_store %arg11[%swap3A_357], %swap3A_360 {strides = array<i32>} : memref<128xi32, #tpu.memory_space<vmem>>, vector<16xi32>,
      %scan3A_361 = arith.constant 0 : i32
      %scan3A_362 = arith.constant 4 : i32
      %mul3A_363 = arith.constant 16 : i32
      %mul3A_364 = arith.muli %scan3A_362, %mul3A_363 : i32
      %get3A_365 = arith.index_cast %mul3A_364 : i32 to index
      %get3A_366 = tpu.vector_load %arg11[%get3A_365] {strides = array<i32>} : memref<128xi32, #tpu.memory_space<vmem>>, vector<16xi32>,
      %get3A_367 = vector.shape_cast %get3A_366 : vector<16xi32> to vector<16xi32>
      %add3A_368 = vector.broadcast %mul3A_4 : i32 to vector<16xi32>
      %add3A_369 = arith.addi %get3A_367, %add3A_368 : vector<16xi32>
      %mul3A_370 = arith.constant 16 : i32
      %mul3A_371 = arith.muli %scan3A_362, %mul3A_370 : i32
      %swap3A_372 = arith.index_cast %mul3A_371 : i32 to index
      %swap3A_373 = tpu.vector_load %arg11[%swap3A_372] {strides = array<i32>} : memref<128xi32, #tpu.memory_space<vmem>>, vector<16xi32>,
      %swap3A_374 = vector.shape_cast %swap3A_373 : vector<16xi32> to vector<16xi32>
      %swap3A_375 = vector.shape_cast %add3A_369 : vector<16xi32> to vector<16xi32>
      tpu.vector_store %arg11[%swap3A_372], %swap3A_375 {strides = array<i32>} : memref<128xi32, #tpu.memory_space<vmem>>, vector<16xi32>,
      %scan3A_376 = arith.constant 0 : i32
      %scan3A_377 = arith.constant 5 : i32
      %mul3A_378 = arith.constant 16 : i32
      %mul3A_379 = arith.muli %scan3A_377, %mul3A_378 : i32
      %get3A_380 = arith.index_cast %mul3A_379 : i32 to index
      %get3A_381 = tpu.vector_load %arg11[%get3A_380] {strides = array<i32>} : memref<128xi32, #tpu.memory_space<vmem>>, vector<16xi32>,
      %get3A_382 = vector.shape_cast %get3A_381 : vector<16xi32> to vector<16xi32>
      %add3A_383 = vector.broadcast %mul3A_4 : i32 to vector<16xi32>
      %add3A_384 = arith.addi %get3A_382, %add3A_383 : vector<16xi32>
      %mul3A_385 = arith.constant 16 : i32
      %mul3A_386 = arith.muli %scan3A_377, %mul3A_385 : i32
      %swap3A_387 = arith.index_cast %mul3A_386 : i32 to index
      %swap3A_388 = tpu.vector_load %arg11[%swap3A_387] {strides = array<i32>} : memref<128xi32, #tpu.memory_space<vmem>>, vector<16xi32>,
      %swap3A_389 = vector.shape_cast %swap3A_388 : vector<16xi32> to vector<16xi32>
      %swap3A_390 = vector.shape_cast %add3A_384 : vector<16xi32> to vector<16xi32>
      tpu.vector_store %arg11[%swap3A_387], %swap3A_390 {strides = array<i32>} : memref<128xi32, #tpu.memory_space<vmem>>, vector<16xi32>,
      %scan3A_391 = arith.constant 0 : i32
      %scan3A_392 = arith.constant 6 : i32
      %mul3A_393 = arith.constant 16 : i32
      %mul3A_394 = arith.muli %scan3A_392, %mul3A_393 : i32
      %get3A_395 = arith.index_cast %mul3A_394 : i32 to index
      %get3A_396 = tpu.vector_load %arg11[%get3A_395] {strides = array<i32>} : memref<128xi32, #tpu.memory_space<vmem>>, vector<16xi32>,
      %get3A_397 = vector.shape_cast %get3A_396 : vector<16xi32> to vector<16xi32>
      %add3A_398 = vector.broadcast %mul3A_4 : i32 to vector<16xi32>
      %add3A_399 = arith.addi %get3A_397, %add3A_398 : vector<16xi32>
      %mul3A_400 = arith.constant 16 : i32
      %mul3A_401 = arith.muli %scan3A_392, %mul3A_400 : i32
      %swap3A_402 = arith.index_cast %mul3A_401 : i32 to index
      %swap3A_403 = tpu.vector_load %arg11[%swap3A_402] {strides = array<i32>} : memref<128xi32, #tpu.memory_space<vmem>>, vector<16xi32>,
      %swap3A_404 = vector.shape_cast %swap3A_403 : vector<16xi32> to vector<16xi32>
      %swap3A_405 = vector.shape_cast %add3A_399 : vector<16xi32> to vector<16xi32>
      tpu.vector_store %arg11[%swap3A_402], %swap3A_405 {strides = array<i32>} : memref<128xi32, #tpu.memory_space<vmem>>, vector<16xi32>,
      %scan3A_406 = arith.constant 0 : i32
      %scan3A_407 = arith.constant 7 : i32
      %mul3A_408 = arith.constant 16 : i32
      %mul3A_409 = arith.muli %scan3A_407, %mul3A_408 : i32
      %get3A_410 = arith.index_cast %mul3A_409 : i32 to index
      %get3A_411 = tpu.vector_load %arg11[%get3A_410] {strides = array<i32>} : memref<128xi32, #tpu.memory_space<vmem>>, vector<16xi32>,
      %get3A_412 = vector.shape_cast %get3A_411 : vector<16xi32> to vector<16xi32>
      %add3A_413 = vector.broadcast %mul3A_4 : i32 to vector<16xi32>
      %add3A_414 = arith.addi %get3A_412, %add3A_413 : vector<16xi32>
      %mul3A_415 = arith.constant 16 : i32
      %mul3A_416 = arith.muli %scan3A_407, %mul3A_415 : i32
      %swap3A_417 = arith.index_cast %mul3A_416 : i32 to index
      %swap3A_418 = tpu.vector_load %arg11[%swap3A_417] {strides = array<i32>} : memref<128xi32, #tpu.memory_space<vmem>>, vector<16xi32>,
      %swap3A_419 = vector.shape_cast %swap3A_418 : vector<16xi32> to vector<16xi32>
      %swap3A_420 = vector.shape_cast %add3A_414 : vector<16xi32> to vector<16xi32>
      tpu.vector_store %arg11[%swap3A_417], %swap3A_420 {strides = array<i32>} : memref<128xi32, #tpu.memory_space<vmem>>, vector<16xi32>,
      %scan3A_421 = arith.constant 0 : i32
      %scan3A_422 = arith.constant 8 : i32
      %dma_start3A_423 = arith.constant 0 : i32
      %dma_start3A_424 = arith.constant 0 : i32
      %dma_start3A_425 = tpu.memref_slice %arg2[%dma_start3A_423, %dma_start3A_424] : memref<20000x128xf32, #tpu.memory_space<hbm>> -> memref<20000x128xf32, #tpu.memory_space<hbm>>
      tpu.enqueue_indirect_dma source(%dma_start3A_425 : memref<20000x128xf32, #tpu.memory_space<hbm>>) target(%arg15 : memref<128x128xf32, #tpu.memory_space<vmem>>) offsets(%arg11 : memref<128xi32, #tpu.memory_space<vmem>>) semaphore(%arg20 : memref<!tpu.dma_semaphore, #tpu.memory_space<semaphore_mem>>)
      %dma_wait3A_426 = arith.constant 0 : i32
      %dma_wait3A_427 = arith.constant 0 : i32
      %dma_wait3A_428 = tpu.memref_slice %arg2[%dma_wait3A_426, %dma_wait3A_427] : memref<20000x128xf32, #tpu.memory_space<hbm>> -> memref<20000x128xf32, #tpu.memory_space<hbm>>
      tpu.wait_indirect_dma semaphore(%arg20 : memref<!tpu.dma_semaphore, #tpu.memory_space<semaphore_mem>>) src(%dma_wait3A_428 : memref<20000x128xf32, #tpu.memory_space<hbm>>) dst(%arg15 : memref<128x128xf32, #tpu.memory_space<vmem>>)
      %dma_start3A_429 = arith.constant 0 : i32
      %dma_start3A_430 = arith.constant 0 : i32
      %dma_start3A_431 = tpu.memref_slice %arg19[%dma_start3A_429, %dma_start3A_430] : memref<10000x128xf32, #tpu.memory_space<vmem_shared>> -> memref<10000x128xf32, #tpu.memory_space<vmem_shared>>
      tpu.enqueue_indirect_dma source(%arg15 : memref<128x128xf32, #tpu.memory_space<vmem>>) target(%dma_start3A_431 : memref<10000x128xf32, #tpu.memory_space<vmem_shared>>) offsets(%arg13 : memref<128xi32, #tpu.memory_space<vmem>>) semaphore(%arg22 : memref<!tpu.dma_semaphore, #tpu.memory_space<semaphore_mem>>) {add = true}
      %scan3A_432 = arith.constant 0 : i32
      scf.yield %scan3A_432 : i32
    }
    %scan3A_12 = arith.constant 39 : i32
    %dma_wait3A = arith.constant 0 : i32
    %dma_wait3A_13 = arith.constant 0 : i32
    %dma_wait3A_14 = tpu.memref_slice %arg19[%dma_wait3A, %dma_wait3A_13] : memref<10000x128xf32, #tpu.memory_space<vmem_shared>> -> memref<10000x128xf32, #tpu.memory_space<vmem_shared>>
    tpu.wait_indirect_dma semaphore(%arg21 : memref<!tpu.dma_semaphore, #tpu.memory_space<semaphore_mem>>) src(%arg14 : memref<128x128xf32, #tpu.memory_space<vmem>>) dst(%dma_wait3A_14 : memref<10000x128xf32, #tpu.memory_space<vmem_shared>>)
    %dma_wait3A_15 = arith.constant 0 : i32
    %dma_wait3A_16 = arith.constant 0 : i32
    %dma_wait3A_17 = tpu.memref_slice %arg19[%dma_wait3A_15, %dma_wait3A_16] : memref<10000x128xf32, #tpu.memory_space<vmem_shared>> -> memref<10000x128xf32, #tpu.memory_space<vmem_shared>>
    tpu.wait_indirect_dma semaphore(%arg22 : memref<!tpu.dma_semaphore, #tpu.memory_space<semaphore_mem>>) src(%arg15 : memref<128x128xf32, #tpu.memory_space<vmem>>) dst(%dma_wait3A_17 : memref<10000x128xf32, #tpu.memory_space<vmem_shared>>)
    %add3A_18 = arith.constant 9984 : i32
    %add3A_19 = arith.addi %mul3A_0, %add3A_18 : i32
    "tpu.region"() ({
      %run_scoped3A_129 = tpu.sem_alloc : memref<!tpu.dma_semaphore, #tpu.memory_space<semaphore_mem>>
      %dma_start3A_130 = tpu.memref_slice %arg3[%add3A_19] : memref<160000xi32, #tpu.memory_space<hbm>> -> memref<16xi32, #tpu.memory_space<hbm>>
      %dma_start3A_131 = tpu.memref_slice %arg3[%add3A_19] : memref<160000xi32, #tpu.memory_space<hbm>> -> memref<16xi32, #tpu.memory_space<hbm>>
      tpu.enqueue_dma source(%dma_start3A_131 : memref<16xi32, #tpu.memory_space<hbm>>) target(%arg16 : memref<16xi32, #tpu.memory_space<vmem>>) target_semaphore(%run_scoped3A_129 : memref<!tpu.dma_semaphore, #tpu.memory_space<semaphore_mem>>)
      %dma_wait3A_132 = tpu.memref_slice %arg3[%add3A_19] : memref<160000xi32, #tpu.memory_space<hbm>> -> memref<16xi32, #tpu.memory_space<hbm>>
      %dma_wait3A_133 = tpu.memref_slice %arg3[%add3A_19] : memref<160000xi32, #tpu.memory_space<hbm>> -> memref<16xi32, #tpu.memory_space<hbm>>
      tpu.wait_dma2 semaphore(%run_scoped3A_129 : memref<!tpu.dma_semaphore, #tpu.memory_space<semaphore_mem>>) src(%dma_wait3A_133 : memref<16xi32, #tpu.memory_space<hbm>>) dst(%arg16 : memref<16xi32, #tpu.memory_space<vmem>>)
      tpu.yield
    }) : () -> ()
    "tpu.region"() ({
      %run_scoped3A_129 = tpu.sem_alloc : memref<!tpu.dma_semaphore, #tpu.memory_space<semaphore_mem>>
      %dma_start3A_130 = tpu.memref_slice %arg4[%add3A_19] : memref<160000xi32, #tpu.memory_space<hbm>> -> memref<16xi32, #tpu.memory_space<hbm>>
      %dma_start3A_131 = tpu.memref_slice %arg4[%add3A_19] : memref<160000xi32, #tpu.memory_space<hbm>> -> memref<16xi32, #tpu.memory_space<hbm>>
      tpu.enqueue_dma source(%dma_start3A_131 : memref<16xi32, #tpu.memory_space<hbm>>) target(%arg17 : memref<16xi32, #tpu.memory_space<vmem>>) target_semaphore(%run_scoped3A_129 : memref<!tpu.dma_semaphore, #tpu.memory_space<semaphore_mem>>)
      %dma_wait3A_132 = tpu.memref_slice %arg4[%add3A_19] : memref<160000xi32, #tpu.memory_space<hbm>> -> memref<16xi32, #tpu.memory_space<hbm>>
      %dma_wait3A_133 = tpu.memref_slice %arg4[%add3A_19] : memref<160000xi32, #tpu.memory_space<hbm>> -> memref<16xi32, #tpu.memory_space<hbm>>
      tpu.wait_dma2 semaphore(%run_scoped3A_129 : memref<!tpu.dma_semaphore, #tpu.memory_space<semaphore_mem>>) src(%dma_wait3A_133 : memref<16xi32, #tpu.memory_space<hbm>>) dst(%arg17 : memref<16xi32, #tpu.memory_space<vmem>>)
      tpu.yield
    }) : () -> ()
    %get3A = arith.constant 0 : index
    %get3A_20 = tpu.vector_load %arg16[%get3A] {strides = array<i32>} : memref<16xi32, #tpu.memory_space<vmem>>, vector<16xi32>,
    %get3A_21 = vector.shape_cast %get3A_20 : vector<16xi32> to vector<16xi32>
    %add3A_22 = vector.broadcast %mul3A_4 : i32 to vector<16xi32>
    %add3A_23 = arith.addi %get3A_21, %add3A_22 : vector<16xi32>
    %swap3A = arith.constant 0 : index
    %swap3A_24 = tpu.vector_load %arg16[%swap3A] {strides = array<i32>} : memref<16xi32, #tpu.memory_space<vmem>>, vector<16xi32>,
    %swap3A_25 = vector.shape_cast %swap3A_24 : vector<16xi32> to vector<16xi32>
    %swap3A_26 = vector.shape_cast %add3A_23 : vector<16xi32> to vector<16xi32>
    tpu.vector_store %arg16[%swap3A], %swap3A_26 {strides = array<i32>} : memref<16xi32, #tpu.memory_space<vmem>>, vector<16xi32>,
    %dma_start3A = arith.constant 0 : i32
    %dma_start3A_27 = arith.constant 0 : i32
    %dma_start3A_28 = tpu.memref_slice %arg2[%dma_start3A, %dma_start3A_27] : memref<20000x128xf32, #tpu.memory_space<hbm>> -> memref<20000x128xf32, #tpu.memory_space<hbm>>
    tpu.enqueue_indirect_dma source(%dma_start3A_28 : memref<20000x128xf32, #tpu.memory_space<hbm>>) target(%arg18 : memref<16x128xf32, #tpu.memory_space<vmem>>) offsets(%arg16 : memref<16xi32, #tpu.memory_space<vmem>>) semaphore(%arg20 : memref<!tpu.dma_semaphore, #tpu.memory_space<semaphore_mem>>)
    %dma_wait3A_29 = arith.constant 0 : i32
    %dma_wait3A_30 = arith.constant 0 : i32
    %dma_wait3A_31 = tpu.memref_slice %arg2[%dma_wait3A_29, %dma_wait3A_30] : memref<20000x128xf32, #tpu.memory_space<hbm>> -> memref<20000x128xf32, #tpu.memory_space<hbm>>
    tpu.wait_indirect_dma semaphore(%arg20 : memref<!tpu.dma_semaphore, #tpu.memory_space<semaphore_mem>>) src(%dma_wait3A_31 : memref<20000x128xf32, #tpu.memory_space<hbm>>) dst(%arg18 : memref<16x128xf32, #tpu.memory_space<vmem>>)
    "tpu.region"() ({
      %run_scoped3A_129 = tpu.sem_alloc : memref<!tpu.dma_semaphore, #tpu.memory_space<semaphore_mem>>
      %dma_start3A_130 = arith.constant 0 : i32
      %dma_start3A_131 = arith.constant 0 : i32
      %dma_start3A_132 = tpu.memref_slice %arg19[%dma_start3A_130, %dma_start3A_131] : memref<10000x128xf32, #tpu.memory_space<vmem_shared>> -> memref<10000x128xf32, #tpu.memory_space<vmem_shared>>
      tpu.enqueue_indirect_dma source(%arg18 : memref<16x128xf32, #tpu.memory_space<vmem>>) target(%dma_start3A_132 : memref<10000x128xf32, #tpu.memory_space<vmem_shared>>) offsets(%arg17 : memref<16xi32, #tpu.memory_space<vmem>>) semaphore(%run_scoped3A_129 : memref<!tpu.dma_semaphore, #tpu.memory_space<semaphore_mem>>) {add = true}
      %dma_wait3A_133 = arith.constant 0 : i32
      %dma_wait3A_134 = arith.constant 0 : i32
      %dma_wait3A_135 = tpu.memref_slice %arg19[%dma_wait3A_133, %dma_wait3A_134] : memref<10000x128xf32, #tpu.memory_space<vmem_shared>> -> memref<10000x128xf32, #tpu.memory_space<vmem_shared>>
      tpu.wait_indirect_dma semaphore(%run_scoped3A_129 : memref<!tpu.dma_semaphore, #tpu.memory_space<semaphore_mem>>) src(%arg18 : memref<16x128xf32, #tpu.memory_space<vmem>>) dst(%dma_wait3A_135 : memref<10000x128xf32, #tpu.memory_space<vmem_shared>>)
      tpu.yield
    }) : () -> ()
    %barrier3A_32 = arith.constant 0 : index
    tpu.barrier barrier_id(%barrier3A_32)
    %run_scoped3A = arith.constant 0 : i32
    "tpu.region"() ({
      %run_scoped3A_129 = tpu.sem_alloc : memref<!tpu.dma_semaphore, #tpu.memory_space<semaphore_mem>>
      %dma_start3A_130 = arith.constant 0 : i32
      %dma_start3A_131 = tpu.memref_slice %arg9[%run_scoped3A, %arg0, %mul3A_2, %dma_start3A_130] : memref<3x2x10000x128xf32, #tpu.memory_space<hbm>> -> memref<1x1x624x128xf32, #tpu.memory_space<hbm>>
      %dma_start3A_132 = tpu.memref_squeeze %dma_start3A_131 : memref<1x1x624x128xf32, #tpu.memory_space<hbm>> -> memref<624x128xf32, #tpu.memory_space<hbm>>
      %dma_start3A_133 = arith.constant 0 : i32
      %dma_start3A_134 = tpu.memref_slice %arg19[%mul3A_2, %dma_start3A_133] : memref<10000x128xf32, #tpu.memory_space<vmem_shared>> -> memref<624x128xf32, #tpu.memory_space<vmem_shared>>
      tpu.enqueue_dma source(%dma_start3A_134 : memref<624x128xf32, #tpu.memory_space<vmem_shared>>) target(%dma_start3A_132 : memref<624x128xf32, #tpu.memory_space<hbm>>) target_semaphore(%run_scoped3A_129 : memref<!tpu.dma_semaphore, #tpu.memory_space<semaphore_mem>>)
      %dma_wait3A_135 = arith.constant 0 : i32
      %dma_wait3A_136 = tpu.memref_slice %arg9[%run_scoped3A, %arg0, %mul3A_2, %dma_wait3A_135] : memref<3x2x10000x128xf32, #tpu.memory_space<hbm>> -> memref<1x1x624x128xf32, #tpu.memory_space<hbm>>
      %dma_wait3A_137 = tpu.memref_squeeze %dma_wait3A_136 : memref<1x1x624x128xf32, #tpu.memory_space<hbm>> -> memref<624x128xf32, #tpu.memory_space<hbm>>
      %dma_wait3A_138 = arith.constant 0 : i32
      %dma_wait3A_139 = tpu.memref_slice %arg19[%mul3A_2, %dma_wait3A_138] : memref<10000x128xf32, #tpu.memory_space<vmem_shared>> -> memref<624x128xf32, #tpu.memory_space<vmem_shared>>
      tpu.wait_dma2 semaphore(%run_scoped3A_129 : memref<!tpu.dma_semaphore, #tpu.memory_space<semaphore_mem>>) src(%dma_wait3A_139 : memref<624x128xf32, #tpu.memory_space<vmem_shared>>) dst(%dma_wait3A_137 : memref<624x128xf32, #tpu.memory_space<hbm>>)
      tpu.yield
    }) : () -> ()
    %eq3A_33 = arith.constant 15 : i32
    %eq3A_34 = arith.cmpi eq, %arg1, %eq3A_33 : i32
    %convert_element_type3A_35 = arith.extui %eq3A_34 : i1 to i32
    %cond3A_36 = arith.constant 0 : i32
    %cond3A_37 = arith.cmpi ne, %convert_element_type3A_35, %cond3A_36 : i32
    scf.if %cond3A_37 {
      %run_scoped3A_129 = arith.constant 0 : i32
      "tpu.region"() ({
        %run_scoped3A_130 = tpu.sem_alloc : memref<!tpu.dma_semaphore, #tpu.memory_space<semaphore_mem>>
        %dma_start3A_131 = arith.constant 9984 : i32
        %dma_start3A_132 = arith.constant 0 : i32
        %dma_start3A_133 = tpu.memref_slice %arg9[%run_scoped3A_129, %arg0, %dma_start3A_131, %dma_start3A_132] : memref<3x2x10000x128xf32, #tpu.memory_space<hbm>> -> memref<1x1x16x128xf32, #tpu.memory_space<hbm>>
        %dma_start3A_134 = tpu.memref_squeeze %dma_start3A_133 : memref<1x1x16x128xf32, #tpu.memory_space<hbm>> -> memref<16x128xf32, #tpu.memory_space<hbm>>
        %dma_start3A_135 = arith.constant 9984 : i32
        %dma_start3A_136 = arith.constant 0 : i32
        %dma_start3A_137 = tpu.memref_slice %arg19[%dma_start3A_135, %dma_start3A_136] : memref<10000x128xf32, #tpu.memory_space<vmem_shared>> -> memref<16x128xf32, #tpu.memory_space<vmem_shared>>
        tpu.enqueue_dma source(%dma_start3A_137 : memref<16x128xf32, #tpu.memory_space<vmem_shared>>) target(%dma_start3A_134 : memref<16x128xf32, #tpu.memory_space<hbm>>) target_semaphore(%run_scoped3A_130 : memref<!tpu.dma_semaphore, #tpu.memory_space<semaphore_mem>>)
        %dma_wait3A_138 = arith.constant 9984 : i32
        %dma_wait3A_139 = arith.constant 0 : i32
        %dma_wait3A_140 = tpu.memref_slice %arg9[%run_scoped3A_129, %arg0, %dma_wait3A_138, %dma_wait3A_139] : memref<3x2x10000x128xf32, #tpu.memory_space<hbm>> -> memref<1x1x16x128xf32, #tpu.memory_space<hbm>>
        %dma_wait3A_141 = tpu.memref_squeeze %dma_wait3A_140 : memref<1x1x16x128xf32, #tpu.memory_space<hbm>> -> memref<16x128xf32, #tpu.memory_space<hbm>>
        %dma_wait3A_142 = arith.constant 9984 : i32
        %dma_wait3A_143 = arith.constant 0 : i32
        %dma_wait3A_144 = tpu.memref_slice %arg19[%dma_wait3A_142, %dma_wait3A_143] : memref<10000x128xf32, #tpu.memory_space<vmem_shared>> -> memref<16x128xf32, #tpu.memory_space<vmem_shared>>
        tpu.wait_dma2 semaphore(%run_scoped3A_130 : memref<!tpu.dma_semaphore, #tpu.memory_space<semaphore_mem>>) src(%dma_wait3A_144 : memref<16x128xf32, #tpu.memory_space<vmem_shared>>) dst(%dma_wait3A_141 : memref<16x128xf32, #tpu.memory_space<hbm>>)
        tpu.yield
      }) : () -> ()
    } else {
    }
    %barrier3A_38 = arith.constant 0 : index
    tpu.barrier barrier_id(%barrier3A_38)
    %add3A_39 = arith.addi %mul3A_4, %mul3A_2 : i32
    "tpu.region"() ({
      %run_scoped3A_129 = tpu.sem_alloc : memref<!tpu.dma_semaphore, #tpu.memory_space<semaphore_mem>>
      %dma_start3A_130 = arith.constant 0 : i32
      %dma_start3A_131 = tpu.memref_slice %arg19[%mul3A_2, %dma_start3A_130] : memref<10000x128xf32, #tpu.memory_space<vmem_shared>> -> memref<624x128xf32, #tpu.memory_space<vmem_shared>>
      %dma_start3A_132 = arith.constant 0 : i32
      %dma_start3A_133 = tpu.memref_slice %arg2[%add3A_39, %dma_start3A_132] : memref<20000x128xf32, #tpu.memory_space<hbm>> -> memref<624x128xf32, #tpu.memory_space<hbm>>
      tpu.enqueue_dma source(%dma_start3A_133 : memref<624x128xf32, #tpu.memory_space<hbm>>) target(%dma_start3A_131 : memref<624x128xf32, #tpu.memory_space<vmem_shared>>) target_semaphore(%run_scoped3A_129 : memref<!tpu.dma_semaphore, #tpu.memory_space<semaphore_mem>>)
      %dma_wait3A_134 = arith.constant 0 : i32
      %dma_wait3A_135 = tpu.memref_slice %arg19[%mul3A_2, %dma_wait3A_134] : memref<10000x128xf32, #tpu.memory_space<vmem_shared>> -> memref<624x128xf32, #tpu.memory_space<vmem_shared>>
      %dma_wait3A_136 = arith.constant 0 : i32
      %dma_wait3A_137 = tpu.memref_slice %arg2[%add3A_39, %dma_wait3A_136] : memref<20000x128xf32, #tpu.memory_space<hbm>> -> memref<624x128xf32, #tpu.memory_space<hbm>>
      tpu.wait_dma2 semaphore(%run_scoped3A_129 : memref<!tpu.dma_semaphore, #tpu.memory_space<semaphore_mem>>) src(%dma_wait3A_137 : memref<624x128xf32, #tpu.memory_space<hbm>>) dst(%dma_wait3A_135 : memref<624x128xf32, #tpu.memory_space<vmem_shared>>)
      tpu.yield
    }) : () -> ()
    %eq3A_40 = arith.constant 15 : i32
    %eq3A_41 = arith.cmpi eq, %arg1, %eq3A_40 : i32
    %convert_element_type3A_42 = arith.extui %eq3A_41 : i1 to i32
    %cond3A_43 = arith.constant 0 : i32
    %cond3A_44 = arith.cmpi ne, %convert_element_type3A_42, %cond3A_43 : i32
    scf.if %cond3A_44 {
      %add3A_129 = arith.constant 9984 : i32
      %add3A_130 = arith.addi %mul3A_4, %add3A_129 : i32
      "tpu.region"() ({
        %run_scoped3A_131 = tpu.sem_alloc : memref<!tpu.dma_semaphore, #tpu.memory_space<semaphore_mem>>
        %dma_start3A_132 = arith.constant 9984 : i32
        %dma_start3A_133 = arith.constant 0 : i32
        %dma_start3A_134 = tpu.memref_slice %arg19[%dma_start3A_132, %dma_start3A_133] : memref<10000x128xf32, #tpu.memory_space<vmem_shared>> -> memref<16x128xf32, #tpu.memory_space<vmem_shared>>
        %dma_start3A_135 = arith.constant 0 : i32
        %dma_start3A_136 = tpu.memref_slice %arg2[%add3A_130, %dma_start3A_135] : memref<20000x128xf32, #tpu.memory_space<hbm>> -> memref<16x128xf32, #tpu.memory_space<hbm>>
        tpu.enqueue_dma source(%dma_start3A_136 : memref<16x128xf32, #tpu.memory_space<hbm>>) target(%dma_start3A_134 : memref<16x128xf32, #tpu.memory_space<vmem_shared>>) target_semaphore(%run_scoped3A_131 : memref<!tpu.dma_semaphore, #tpu.memory_space<semaphore_mem>>)
        %dma_wait3A_137 = arith.constant 9984 : i32
        %dma_wait3A_138 = arith.constant 0 : i32
        %dma_wait3A_139 = tpu.memref_slice %arg19[%dma_wait3A_137, %dma_wait3A_138] : memref<10000x128xf32, #tpu.memory_space<vmem_shared>> -> memref<16x128xf32, #tpu.memory_space<vmem_shared>>
        %dma_wait3A_140 = arith.constant 0 : i32
        %dma_wait3A_141 = tpu.memref_slice %arg2[%add3A_130, %dma_wait3A_140] : memref<20000x128xf32, #tpu.memory_space<hbm>> -> memref<16x128xf32, #tpu.memory_space<hbm>>
        tpu.wait_dma2 semaphore(%run_scoped3A_131 : memref<!tpu.dma_semaphore, #tpu.memory_space<semaphore_mem>>) src(%dma_wait3A_141 : memref<16x128xf32, #tpu.memory_space<hbm>>) dst(%dma_wait3A_139 : memref<16x128xf32, #tpu.memory_space<vmem_shared>>)
        tpu.yield
      }) : () -> ()
    } else {
    }
    %barrier3A_45 = arith.constant 0 : index
    tpu.barrier barrier_id(%barrier3A_45)
    %scan3A_46 = arith.constant 0 : i32
    %scan3A_47 = arith.constant 0 : i32
    %scan3A_48 = arith.constant 39 : i32
    %scan3A_49 = arith.addi %scan3A_47, %scan3A_48 : i32
    %scan3A_50 = arith.constant 1 : i32
    %scan3A_51 = scf.for %scan3A_129 = %scan3A_47 to %scan3A_49 step %scan3A_50 iter_args(%scan3A_130 = %scan3A_46) -> (i32)  : i32 {
      %mul3A_131 = arith.constant 2 : i32
      %mul3A_132 = arith.muli %scan3A_129, %mul3A_131 : i32
      %add3A_133 = arith.constant 0 : i32
      %add3A_134 = arith.addi %mul3A_132, %add3A_133 : i32
      %mul3A_135 = arith.constant 128 : i32
      %mul3A_136 = arith.muli %add3A_134, %mul3A_135 : i32
      %add3A_137 = arith.addi %mul3A_0, %mul3A_136 : i32
      %gt3A = arith.constant 0 : i32
      %gt3A_138 = arith.cmpi sgt, %scan3A_129, %gt3A : i32
      %convert_element_type3A_139 = arith.extui %gt3A_138 : i1 to i32
      %cond3A_140 = arith.constant 0 : i32
      %cond3A_141 = arith.cmpi ne, %convert_element_type3A_139, %cond3A_140 : i32
      scf.if %cond3A_141 {
        %dma_wait3A_433 = arith.constant 0 : i32
        %dma_wait3A_434 = arith.constant 0 : i32
        %dma_wait3A_435 = tpu.memref_slice %arg19[%dma_wait3A_433, %dma_wait3A_434] : memref<10000x128xf32, #tpu.memory_space<vmem_shared>> -> memref<10000x128xf32, #tpu.memory_space<vmem_shared>>
        tpu.wait_indirect_dma semaphore(%arg21 : memref<!tpu.dma_semaphore, #tpu.memory_space<semaphore_mem>>) src(%arg14 : memref<128x128xf32, #tpu.memory_space<vmem>>) dst(%dma_wait3A_435 : memref<10000x128xf32, #tpu.memory_space<vmem_shared>>)
      } else {
      }
      %dma_start3A_142 = tpu.memref_slice %arg5[%add3A_137] : memref<160000xi32, #tpu.memory_space<hbm>> -> memref<128xi32, #tpu.memory_space<hbm>>
      %dma_start3A_143 = tpu.memref_slice %arg5[%add3A_137] : memref<160000xi32, #tpu.memory_space<hbm>> -> memref<128xi32, #tpu.memory_space<hbm>>
      tpu.enqueue_dma source(%dma_start3A_143 : memref<128xi32, #tpu.memory_space<hbm>>) target(%arg10 : memref<128xi32, #tpu.memory_space<vmem>>) target_semaphore(%arg20 : memref<!tpu.dma_semaphore, #tpu.memory_space<semaphore_mem>>)
      %dma_start3A_144 = tpu.memref_slice %arg6[%add3A_137] : memref<160000xi32, #tpu.memory_space<hbm>> -> memref<128xi32, #tpu.memory_space<hbm>>
      %dma_start3A_145 = tpu.memref_slice %arg6[%add3A_137] : memref<160000xi32, #tpu.memory_space<hbm>> -> memref<128xi32, #tpu.memory_space<hbm>>
      tpu.enqueue_dma source(%dma_start3A_145 : memref<128xi32, #tpu.memory_space<hbm>>) target(%arg12 : memref<128xi32, #tpu.memory_space<vmem>>) target_semaphore(%arg20 : memref<!tpu.dma_semaphore, #tpu.memory_space<semaphore_mem>>)
      %dma_wait3A_146 = tpu.memref_slice %arg5[%add3A_137] : memref<160000xi32, #tpu.memory_space<hbm>> -> memref<128xi32, #tpu.memory_space<hbm>>
      %dma_wait3A_147 = tpu.memref_slice %arg5[%add3A_137] : memref<160000xi32, #tpu.memory_space<hbm>> -> memref<128xi32, #tpu.memory_space<hbm>>
      tpu.wait_dma2 semaphore(%arg20 : memref<!tpu.dma_semaphore, #tpu.memory_space<semaphore_mem>>) src(%dma_wait3A_147 : memref<128xi32, #tpu.memory_space<hbm>>) dst(%arg10 : memref<128xi32, #tpu.memory_space<vmem>>)
      %dma_wait3A_148 = tpu.memref_slice %arg6[%add3A_137] : memref<160000xi32, #tpu.memory_space<hbm>> -> memref<128xi32, #tpu.memory_space<hbm>>
      %dma_wait3A_149 = tpu.memref_slice %arg6[%add3A_137] : memref<160000xi32, #tpu.memory_space<hbm>> -> memref<128xi32, #tpu.memory_space<hbm>>
      tpu.wait_dma2 semaphore(%arg20 : memref<!tpu.dma_semaphore, #tpu.memory_space<semaphore_mem>>) src(%dma_wait3A_149 : memref<128xi32, #tpu.memory_space<hbm>>) dst(%arg12 : memref<128xi32, #tpu.memory_space<vmem>>)
      %scan3A_150 = arith.constant 0 : i32
      %scan3A_151 = arith.constant 0 : i32
      %mul3A_152 = arith.constant 16 : i32
      %mul3A_153 = arith.muli %scan3A_151, %mul3A_152 : i32
      %get3A_154 = arith.index_cast %mul3A_153 : i32 to index
      %get3A_155 = tpu.vector_load %arg10[%get3A_154] {strides = array<i32>} : memref<128xi32, #tpu.memory_space<vmem>>, vector<16xi32>,
      %get3A_156 = vector.shape_cast %get3A_155 : vector<16xi32> to vector<16xi32>
      %add3A_157 = vector.broadcast %mul3A_4 : i32 to vector<16xi32>
      %add3A_158 = arith.addi %get3A_156, %add3A_157 : vector<16xi32>
      %mul3A_159 = arith.constant 16 : i32
      %mul3A_160 = arith.muli %scan3A_151, %mul3A_159 : i32
      %swap3A_161 = arith.index_cast %mul3A_160 : i32 to index
      %swap3A_162 = tpu.vector_load %arg10[%swap3A_161] {strides = array<i32>} : memref<128xi32, #tpu.memory_space<vmem>>, vector<16xi32>,
      %swap3A_163 = vector.shape_cast %swap3A_162 : vector<16xi32> to vector<16xi32>
      %swap3A_164 = vector.shape_cast %add3A_158 : vector<16xi32> to vector<16xi32>
      tpu.vector_store %arg10[%swap3A_161], %swap3A_164 {strides = array<i32>} : memref<128xi32, #tpu.memory_space<vmem>>, vector<16xi32>,
      %scan3A_165 = arith.constant 0 : i32
      %scan3A_166 = arith.constant 1 : i32
      %mul3A_167 = arith.constant 16 : i32
      %mul3A_168 = arith.muli %scan3A_166, %mul3A_167 : i32
      %get3A_169 = arith.index_cast %mul3A_168 : i32 to index
      %get3A_170 = tpu.vector_load %arg10[%get3A_169] {strides = array<i32>} : memref<128xi32, #tpu.memory_space<vmem>>, vector<16xi32>,
      %get3A_171 = vector.shape_cast %get3A_170 : vector<16xi32> to vector<16xi32>
      %add3A_172 = vector.broadcast %mul3A_4 : i32 to vector<16xi32>
      %add3A_173 = arith.addi %get3A_171, %add3A_172 : vector<16xi32>
      %mul3A_174 = arith.constant 16 : i32
      %mul3A_175 = arith.muli %scan3A_166, %mul3A_174 : i32
      %swap3A_176 = arith.index_cast %mul3A_175 : i32 to index
      %swap3A_177 = tpu.vector_load %arg10[%swap3A_176] {strides = array<i32>} : memref<128xi32, #tpu.memory_space<vmem>>, vector<16xi32>,
      %swap3A_178 = vector.shape_cast %swap3A_177 : vector<16xi32> to vector<16xi32>
      %swap3A_179 = vector.shape_cast %add3A_173 : vector<16xi32> to vector<16xi32>
      tpu.vector_store %arg10[%swap3A_176], %swap3A_179 {strides = array<i32>} : memref<128xi32, #tpu.memory_space<vmem>>, vector<16xi32>,
      %scan3A_180 = arith.constant 0 : i32
      %scan3A_181 = arith.constant 2 : i32
      %mul3A_182 = arith.constant 16 : i32
      %mul3A_183 = arith.muli %scan3A_181, %mul3A_182 : i32
      %get3A_184 = arith.index_cast %mul3A_183 : i32 to index
      %get3A_185 = tpu.vector_load %arg10[%get3A_184] {strides = array<i32>} : memref<128xi32, #tpu.memory_space<vmem>>, vector<16xi32>,
      %get3A_186 = vector.shape_cast %get3A_185 : vector<16xi32> to vector<16xi32>
      %add3A_187 = vector.broadcast %mul3A_4 : i32 to vector<16xi32>
      %add3A_188 = arith.addi %get3A_186, %add3A_187 : vector<16xi32>
      %mul3A_189 = arith.constant 16 : i32
      %mul3A_190 = arith.muli %scan3A_181, %mul3A_189 : i32
      %swap3A_191 = arith.index_cast %mul3A_190 : i32 to index
      %swap3A_192 = tpu.vector_load %arg10[%swap3A_191] {strides = array<i32>} : memref<128xi32, #tpu.memory_space<vmem>>, vector<16xi32>,
      %swap3A_193 = vector.shape_cast %swap3A_192 : vector<16xi32> to vector<16xi32>
      %swap3A_194 = vector.shape_cast %add3A_188 : vector<16xi32> to vector<16xi32>
      tpu.vector_store %arg10[%swap3A_191], %swap3A_194 {strides = array<i32>} : memref<128xi32, #tpu.memory_space<vmem>>, vector<16xi32>,
      %scan3A_195 = arith.constant 0 : i32
      %scan3A_196 = arith.constant 3 : i32
      %mul3A_197 = arith.constant 16 : i32
      %mul3A_198 = arith.muli %scan3A_196, %mul3A_197 : i32
      %get3A_199 = arith.index_cast %mul3A_198 : i32 to index
      %get3A_200 = tpu.vector_load %arg10[%get3A_199] {strides = array<i32>} : memref<128xi32, #tpu.memory_space<vmem>>, vector<16xi32>,
      %get3A_201 = vector.shape_cast %get3A_200 : vector<16xi32> to vector<16xi32>
      %add3A_202 = vector.broadcast %mul3A_4 : i32 to vector<16xi32>
      %add3A_203 = arith.addi %get3A_201, %add3A_202 : vector<16xi32>
      %mul3A_204 = arith.constant 16 : i32
      %mul3A_205 = arith.muli %scan3A_196, %mul3A_204 : i32
      %swap3A_206 = arith.index_cast %mul3A_205 : i32 to index
      %swap3A_207 = tpu.vector_load %arg10[%swap3A_206] {strides = array<i32>} : memref<128xi32, #tpu.memory_space<vmem>>, vector<16xi32>,
      %swap3A_208 = vector.shape_cast %swap3A_207 : vector<16xi32> to vector<16xi32>
      %swap3A_209 = vector.shape_cast %add3A_203 : vector<16xi32> to vector<16xi32>
      tpu.vector_store %arg10[%swap3A_206], %swap3A_209 {strides = array<i32>} : memref<128xi32, #tpu.memory_space<vmem>>, vector<16xi32>,
      %scan3A_210 = arith.constant 0 : i32
      %scan3A_211 = arith.constant 4 : i32
      %mul3A_212 = arith.constant 16 : i32
      %mul3A_213 = arith.muli %scan3A_211, %mul3A_212 : i32
      %get3A_214 = arith.index_cast %mul3A_213 : i32 to index
      %get3A_215 = tpu.vector_load %arg10[%get3A_214] {strides = array<i32>} : memref<128xi32, #tpu.memory_space<vmem>>, vector<16xi32>,
      %get3A_216 = vector.shape_cast %get3A_215 : vector<16xi32> to vector<16xi32>
      %add3A_217 = vector.broadcast %mul3A_4 : i32 to vector<16xi32>
      %add3A_218 = arith.addi %get3A_216, %add3A_217 : vector<16xi32>
      %mul3A_219 = arith.constant 16 : i32
      %mul3A_220 = arith.muli %scan3A_211, %mul3A_219 : i32
      %swap3A_221 = arith.index_cast %mul3A_220 : i32 to index
      %swap3A_222 = tpu.vector_load %arg10[%swap3A_221] {strides = array<i32>} : memref<128xi32, #tpu.memory_space<vmem>>, vector<16xi32>,
      %swap3A_223 = vector.shape_cast %swap3A_222 : vector<16xi32> to vector<16xi32>
      %swap3A_224 = vector.shape_cast %add3A_218 : vector<16xi32> to vector<16xi32>
      tpu.vector_store %arg10[%swap3A_221], %swap3A_224 {strides = array<i32>} : memref<128xi32, #tpu.memory_space<vmem>>, vector<16xi32>,
      %scan3A_225 = arith.constant 0 : i32
      %scan3A_226 = arith.constant 5 : i32
      %mul3A_227 = arith.constant 16 : i32
      %mul3A_228 = arith.muli %scan3A_226, %mul3A_227 : i32
      %get3A_229 = arith.index_cast %mul3A_228 : i32 to index
      %get3A_230 = tpu.vector_load %arg10[%get3A_229] {strides = array<i32>} : memref<128xi32, #tpu.memory_space<vmem>>, vector<16xi32>,
      %get3A_231 = vector.shape_cast %get3A_230 : vector<16xi32> to vector<16xi32>
      %add3A_232 = vector.broadcast %mul3A_4 : i32 to vector<16xi32>
      %add3A_233 = arith.addi %get3A_231, %add3A_232 : vector<16xi32>
      %mul3A_234 = arith.constant 16 : i32
      %mul3A_235 = arith.muli %scan3A_226, %mul3A_234 : i32
      %swap3A_236 = arith.index_cast %mul3A_235 : i32 to index
      %swap3A_237 = tpu.vector_load %arg10[%swap3A_236] {strides = array<i32>} : memref<128xi32, #tpu.memory_space<vmem>>, vector<16xi32>,
      %swap3A_238 = vector.shape_cast %swap3A_237 : vector<16xi32> to vector<16xi32>
      %swap3A_239 = vector.shape_cast %add3A_233 : vector<16xi32> to vector<16xi32>
      tpu.vector_store %arg10[%swap3A_236], %swap3A_239 {strides = array<i32>} : memref<128xi32, #tpu.memory_space<vmem>>, vector<16xi32>,
      %scan3A_240 = arith.constant 0 : i32
      %scan3A_241 = arith.constant 6 : i32
      %mul3A_242 = arith.constant 16 : i32
      %mul3A_243 = arith.muli %scan3A_241, %mul3A_242 : i32
      %get3A_244 = arith.index_cast %mul3A_243 : i32 to index
      %get3A_245 = tpu.vector_load %arg10[%get3A_244] {strides = array<i32>} : memref<128xi32, #tpu.memory_space<vmem>>, vector<16xi32>,
      %get3A_246 = vector.shape_cast %get3A_245 : vector<16xi32> to vector<16xi32>
      %add3A_247 = vector.broadcast %mul3A_4 : i32 to vector<16xi32>
      %add3A_248 = arith.addi %get3A_246, %add3A_247 : vector<16xi32>
      %mul3A_249 = arith.constant 16 : i32
      %mul3A_250 = arith.muli %scan3A_241, %mul3A_249 : i32
      %swap3A_251 = arith.index_cast %mul3A_250 : i32 to index
      %swap3A_252 = tpu.vector_load %arg10[%swap3A_251] {strides = array<i32>} : memref<128xi32, #tpu.memory_space<vmem>>, vector<16xi32>,
      %swap3A_253 = vector.shape_cast %swap3A_252 : vector<16xi32> to vector<16xi32>
      %swap3A_254 = vector.shape_cast %add3A_248 : vector<16xi32> to vector<16xi32>
      tpu.vector_store %arg10[%swap3A_251], %swap3A_254 {strides = array<i32>} : memref<128xi32, #tpu.memory_space<vmem>>, vector<16xi32>,
      %scan3A_255 = arith.constant 0 : i32
      %scan3A_256 = arith.constant 7 : i32
      %mul3A_257 = arith.constant 16 : i32
      %mul3A_258 = arith.muli %scan3A_256, %mul3A_257 : i32
      %get3A_259 = arith.index_cast %mul3A_258 : i32 to index
      %get3A_260 = tpu.vector_load %arg10[%get3A_259] {strides = array<i32>} : memref<128xi32, #tpu.memory_space<vmem>>, vector<16xi32>,
      %get3A_261 = vector.shape_cast %get3A_260 : vector<16xi32> to vector<16xi32>
      %add3A_262 = vector.broadcast %mul3A_4 : i32 to vector<16xi32>
      %add3A_263 = arith.addi %get3A_261, %add3A_262 : vector<16xi32>
      %mul3A_264 = arith.constant 16 : i32
      %mul3A_265 = arith.muli %scan3A_256, %mul3A_264 : i32
      %swap3A_266 = arith.index_cast %mul3A_265 : i32 to index
      %swap3A_267 = tpu.vector_load %arg10[%swap3A_266] {strides = array<i32>} : memref<128xi32, #tpu.memory_space<vmem>>, vector<16xi32>,
      %swap3A_268 = vector.shape_cast %swap3A_267 : vector<16xi32> to vector<16xi32>
      %swap3A_269 = vector.shape_cast %add3A_263 : vector<16xi32> to vector<16xi32>
      tpu.vector_store %arg10[%swap3A_266], %swap3A_269 {strides = array<i32>} : memref<128xi32, #tpu.memory_space<vmem>>, vector<16xi32>,
      %scan3A_270 = arith.constant 0 : i32
      %scan3A_271 = arith.constant 8 : i32
      %dma_start3A_272 = arith.constant 0 : i32
      %dma_start3A_273 = arith.constant 0 : i32
      %dma_start3A_274 = tpu.memref_slice %arg2[%dma_start3A_272, %dma_start3A_273] : memref<20000x128xf32, #tpu.memory_space<hbm>> -> memref<20000x128xf32, #tpu.memory_space<hbm>>
      tpu.enqueue_indirect_dma source(%dma_start3A_274 : memref<20000x128xf32, #tpu.memory_space<hbm>>) target(%arg14 : memref<128x128xf32, #tpu.memory_space<vmem>>) offsets(%arg10 : memref<128xi32, #tpu.memory_space<vmem>>) semaphore(%arg20 : memref<!tpu.dma_semaphore, #tpu.memory_space<semaphore_mem>>)
      %dma_wait3A_275 = arith.constant 0 : i32
      %dma_wait3A_276 = arith.constant 0 : i32
      %dma_wait3A_277 = tpu.memref_slice %arg2[%dma_wait3A_275, %dma_wait3A_276] : memref<20000x128xf32, #tpu.memory_space<hbm>> -> memref<20000x128xf32, #tpu.memory_space<hbm>>
      tpu.wait_indirect_dma semaphore(%arg20 : memref<!tpu.dma_semaphore, #tpu.memory_space<semaphore_mem>>) src(%dma_wait3A_277 : memref<20000x128xf32, #tpu.memory_space<hbm>>) dst(%arg14 : memref<128x128xf32, #tpu.memory_space<vmem>>)
      %dma_start3A_278 = arith.constant 0 : i32
      %dma_start3A_279 = arith.constant 0 : i32
      %dma_start3A_280 = tpu.memref_slice %arg19[%dma_start3A_278, %dma_start3A_279] : memref<10000x128xf32, #tpu.memory_space<vmem_shared>> -> memref<10000x128xf32, #tpu.memory_space<vmem_shared>>
      tpu.enqueue_indirect_dma source(%arg14 : memref<128x128xf32, #tpu.memory_space<vmem>>) target(%dma_start3A_280 : memref<10000x128xf32, #tpu.memory_space<vmem_shared>>) offsets(%arg12 : memref<128xi32, #tpu.memory_space<vmem>>) semaphore(%arg21 : memref<!tpu.dma_semaphore, #tpu.memory_space<semaphore_mem>>) {add = true}
      %mul3A_281 = arith.constant 2 : i32
      %mul3A_282 = arith.muli %scan3A_129, %mul3A_281 : i32
      %add3A_283 = arith.constant 1 : i32
      %add3A_284 = arith.addi %mul3A_282, %add3A_283 : i32
      %mul3A_285 = arith.constant 128 : i32
      %mul3A_286 = arith.muli %add3A_284, %mul3A_285 : i32
      %add3A_287 = arith.addi %mul3A_0, %mul3A_286 : i32
      %gt3A_288 = arith.constant 0 : i32
      %gt3A_289 = arith.cmpi sgt, %scan3A_129, %gt3A_288 : i32
      %convert_element_type3A_290 = arith.extui %gt3A_289 : i1 to i32
      %cond3A_291 = arith.constant 0 : i32
      %cond3A_292 = arith.cmpi ne, %convert_element_type3A_290, %cond3A_291 : i32
      scf.if %cond3A_292 {
        %dma_wait3A_433 = arith.constant 0 : i32
        %dma_wait3A_434 = arith.constant 0 : i32
        %dma_wait3A_435 = tpu.memref_slice %arg19[%dma_wait3A_433, %dma_wait3A_434] : memref<10000x128xf32, #tpu.memory_space<vmem_shared>> -> memref<10000x128xf32, #tpu.memory_space<vmem_shared>>
        tpu.wait_indirect_dma semaphore(%arg22 : memref<!tpu.dma_semaphore, #tpu.memory_space<semaphore_mem>>) src(%arg15 : memref<128x128xf32, #tpu.memory_space<vmem>>) dst(%dma_wait3A_435 : memref<10000x128xf32, #tpu.memory_space<vmem_shared>>)
      } else {
      }
      %dma_start3A_293 = tpu.memref_slice %arg5[%add3A_287] : memref<160000xi32, #tpu.memory_space<hbm>> -> memref<128xi32, #tpu.memory_space<hbm>>
      %dma_start3A_294 = tpu.memref_slice %arg5[%add3A_287] : memref<160000xi32, #tpu.memory_space<hbm>> -> memref<128xi32, #tpu.memory_space<hbm>>
      tpu.enqueue_dma source(%dma_start3A_294 : memref<128xi32, #tpu.memory_space<hbm>>) target(%arg11 : memref<128xi32, #tpu.memory_space<vmem>>) target_semaphore(%arg20 : memref<!tpu.dma_semaphore, #tpu.memory_space<semaphore_mem>>)
      %dma_start3A_295 = tpu.memref_slice %arg6[%add3A_287] : memref<160000xi32, #tpu.memory_space<hbm>> -> memref<128xi32, #tpu.memory_space<hbm>>
      %dma_start3A_296 = tpu.memref_slice %arg6[%add3A_287] : memref<160000xi32, #tpu.memory_space<hbm>> -> memref<128xi32, #tpu.memory_space<hbm>>
      tpu.enqueue_dma source(%dma_start3A_296 : memref<128xi32, #tpu.memory_space<hbm>>) target(%arg13 : memref<128xi32, #tpu.memory_space<vmem>>) target_semaphore(%arg20 : memref<!tpu.dma_semaphore, #tpu.memory_space<semaphore_mem>>)
      %dma_wait3A_297 = tpu.memref_slice %arg5[%add3A_287] : memref<160000xi32, #tpu.memory_space<hbm>> -> memref<128xi32, #tpu.memory_space<hbm>>
      %dma_wait3A_298 = tpu.memref_slice %arg5[%add3A_287] : memref<160000xi32, #tpu.memory_space<hbm>> -> memref<128xi32, #tpu.memory_space<hbm>>
      tpu.wait_dma2 semaphore(%arg20 : memref<!tpu.dma_semaphore, #tpu.memory_space<semaphore_mem>>) src(%dma_wait3A_298 : memref<128xi32, #tpu.memory_space<hbm>>) dst(%arg11 : memref<128xi32, #tpu.memory_space<vmem>>)
      %dma_wait3A_299 = tpu.memref_slice %arg6[%add3A_287] : memref<160000xi32, #tpu.memory_space<hbm>> -> memref<128xi32, #tpu.memory_space<hbm>>
      %dma_wait3A_300 = tpu.memref_slice %arg6[%add3A_287] : memref<160000xi32, #tpu.memory_space<hbm>> -> memref<128xi32, #tpu.memory_space<hbm>>
      tpu.wait_dma2 semaphore(%arg20 : memref<!tpu.dma_semaphore, #tpu.memory_space<semaphore_mem>>) src(%dma_wait3A_300 : memref<128xi32, #tpu.memory_space<hbm>>) dst(%arg13 : memref<128xi32, #tpu.memory_space<vmem>>)
      %scan3A_301 = arith.constant 0 : i32
      %scan3A_302 = arith.constant 0 : i32
      %mul3A_303 = arith.constant 16 : i32
      %mul3A_304 = arith.muli %scan3A_302, %mul3A_303 : i32
      %get3A_305 = arith.index_cast %mul3A_304 : i32 to index
      %get3A_306 = tpu.vector_load %arg11[%get3A_305] {strides = array<i32>} : memref<128xi32, #tpu.memory_space<vmem>>, vector<16xi32>,
      %get3A_307 = vector.shape_cast %get3A_306 : vector<16xi32> to vector<16xi32>
      %add3A_308 = vector.broadcast %mul3A_4 : i32 to vector<16xi32>
      %add3A_309 = arith.addi %get3A_307, %add3A_308 : vector<16xi32>
      %mul3A_310 = arith.constant 16 : i32
      %mul3A_311 = arith.muli %scan3A_302, %mul3A_310 : i32
      %swap3A_312 = arith.index_cast %mul3A_311 : i32 to index
      %swap3A_313 = tpu.vector_load %arg11[%swap3A_312] {strides = array<i32>} : memref<128xi32, #tpu.memory_space<vmem>>, vector<16xi32>,
      %swap3A_314 = vector.shape_cast %swap3A_313 : vector<16xi32> to vector<16xi32>
      %swap3A_315 = vector.shape_cast %add3A_309 : vector<16xi32> to vector<16xi32>
      tpu.vector_store %arg11[%swap3A_312], %swap3A_315 {strides = array<i32>} : memref<128xi32, #tpu.memory_space<vmem>>, vector<16xi32>,
      %scan3A_316 = arith.constant 0 : i32
      %scan3A_317 = arith.constant 1 : i32
      %mul3A_318 = arith.constant 16 : i32
      %mul3A_319 = arith.muli %scan3A_317, %mul3A_318 : i32
      %get3A_320 = arith.index_cast %mul3A_319 : i32 to index
      %get3A_321 = tpu.vector_load %arg11[%get3A_320] {strides = array<i32>} : memref<128xi32, #tpu.memory_space<vmem>>, vector<16xi32>,
      %get3A_322 = vector.shape_cast %get3A_321 : vector<16xi32> to vector<16xi32>
      %add3A_323 = vector.broadcast %mul3A_4 : i32 to vector<16xi32>
      %add3A_324 = arith.addi %get3A_322, %add3A_323 : vector<16xi32>
      %mul3A_325 = arith.constant 16 : i32
      %mul3A_326 = arith.muli %scan3A_317, %mul3A_325 : i32
      %swap3A_327 = arith.index_cast %mul3A_326 : i32 to index
      %swap3A_328 = tpu.vector_load %arg11[%swap3A_327] {strides = array<i32>} : memref<128xi32, #tpu.memory_space<vmem>>, vector<16xi32>,
      %swap3A_329 = vector.shape_cast %swap3A_328 : vector<16xi32> to vector<16xi32>
      %swap3A_330 = vector.shape_cast %add3A_324 : vector<16xi32> to vector<16xi32>
      tpu.vector_store %arg11[%swap3A_327], %swap3A_330 {strides = array<i32>} : memref<128xi32, #tpu.memory_space<vmem>>, vector<16xi32>,
      %scan3A_331 = arith.constant 0 : i32
      %scan3A_332 = arith.constant 2 : i32
      %mul3A_333 = arith.constant 16 : i32
      %mul3A_334 = arith.muli %scan3A_332, %mul3A_333 : i32
      %get3A_335 = arith.index_cast %mul3A_334 : i32 to index
      %get3A_336 = tpu.vector_load %arg11[%get3A_335] {strides = array<i32>} : memref<128xi32, #tpu.memory_space<vmem>>, vector<16xi32>,
      %get3A_337 = vector.shape_cast %get3A_336 : vector<16xi32> to vector<16xi32>
      %add3A_338 = vector.broadcast %mul3A_4 : i32 to vector<16xi32>
      %add3A_339 = arith.addi %get3A_337, %add3A_338 : vector<16xi32>
      %mul3A_340 = arith.constant 16 : i32
      %mul3A_341 = arith.muli %scan3A_332, %mul3A_340 : i32
      %swap3A_342 = arith.index_cast %mul3A_341 : i32 to index
      %swap3A_343 = tpu.vector_load %arg11[%swap3A_342] {strides = array<i32>} : memref<128xi32, #tpu.memory_space<vmem>>, vector<16xi32>,
      %swap3A_344 = vector.shape_cast %swap3A_343 : vector<16xi32> to vector<16xi32>
      %swap3A_345 = vector.shape_cast %add3A_339 : vector<16xi32> to vector<16xi32>
      tpu.vector_store %arg11[%swap3A_342], %swap3A_345 {strides = array<i32>} : memref<128xi32, #tpu.memory_space<vmem>>, vector<16xi32>,
      %scan3A_346 = arith.constant 0 : i32
      %scan3A_347 = arith.constant 3 : i32
      %mul3A_348 = arith.constant 16 : i32
      %mul3A_349 = arith.muli %scan3A_347, %mul3A_348 : i32
      %get3A_350 = arith.index_cast %mul3A_349 : i32 to index
      %get3A_351 = tpu.vector_load %arg11[%get3A_350] {strides = array<i32>} : memref<128xi32, #tpu.memory_space<vmem>>, vector<16xi32>,
      %get3A_352 = vector.shape_cast %get3A_351 : vector<16xi32> to vector<16xi32>
      %add3A_353 = vector.broadcast %mul3A_4 : i32 to vector<16xi32>
      %add3A_354 = arith.addi %get3A_352, %add3A_353 : vector<16xi32>
      %mul3A_355 = arith.constant 16 : i32
      %mul3A_356 = arith.muli %scan3A_347, %mul3A_355 : i32
      %swap3A_357 = arith.index_cast %mul3A_356 : i32 to index
      %swap3A_358 = tpu.vector_load %arg11[%swap3A_357] {strides = array<i32>} : memref<128xi32, #tpu.memory_space<vmem>>, vector<16xi32>,
      %swap3A_359 = vector.shape_cast %swap3A_358 : vector<16xi32> to vector<16xi32>
      %swap3A_360 = vector.shape_cast %add3A_354 : vector<16xi32> to vector<16xi32>
      tpu.vector_store %arg11[%swap3A_357], %swap3A_360 {strides = array<i32>} : memref<128xi32, #tpu.memory_space<vmem>>, vector<16xi32>,
      %scan3A_361 = arith.constant 0 : i32
      %scan3A_362 = arith.constant 4 : i32
      %mul3A_363 = arith.constant 16 : i32
      %mul3A_364 = arith.muli %scan3A_362, %mul3A_363 : i32
      %get3A_365 = arith.index_cast %mul3A_364 : i32 to index
      %get3A_366 = tpu.vector_load %arg11[%get3A_365] {strides = array<i32>} : memref<128xi32, #tpu.memory_space<vmem>>, vector<16xi32>,
      %get3A_367 = vector.shape_cast %get3A_366 : vector<16xi32> to vector<16xi32>
      %add3A_368 = vector.broadcast %mul3A_4 : i32 to vector<16xi32>
      %add3A_369 = arith.addi %get3A_367, %add3A_368 : vector<16xi32>
      %mul3A_370 = arith.constant 16 : i32
      %mul3A_371 = arith.muli %scan3A_362, %mul3A_370 : i32
      %swap3A_372 = arith.index_cast %mul3A_371 : i32 to index
      %swap3A_373 = tpu.vector_load %arg11[%swap3A_372] {strides = array<i32>} : memref<128xi32, #tpu.memory_space<vmem>>, vector<16xi32>,
      %swap3A_374 = vector.shape_cast %swap3A_373 : vector<16xi32> to vector<16xi32>
      %swap3A_375 = vector.shape_cast %add3A_369 : vector<16xi32> to vector<16xi32>
      tpu.vector_store %arg11[%swap3A_372], %swap3A_375 {strides = array<i32>} : memref<128xi32, #tpu.memory_space<vmem>>, vector<16xi32>,
      %scan3A_376 = arith.constant 0 : i32
      %scan3A_377 = arith.constant 5 : i32
      %mul3A_378 = arith.constant 16 : i32
      %mul3A_379 = arith.muli %scan3A_377, %mul3A_378 : i32
      %get3A_380 = arith.index_cast %mul3A_379 : i32 to index
      %get3A_381 = tpu.vector_load %arg11[%get3A_380] {strides = array<i32>} : memref<128xi32, #tpu.memory_space<vmem>>, vector<16xi32>,
      %get3A_382 = vector.shape_cast %get3A_381 : vector<16xi32> to vector<16xi32>
      %add3A_383 = vector.broadcast %mul3A_4 : i32 to vector<16xi32>
      %add3A_384 = arith.addi %get3A_382, %add3A_383 : vector<16xi32>
      %mul3A_385 = arith.constant 16 : i32
      %mul3A_386 = arith.muli %scan3A_377, %mul3A_385 : i32
      %swap3A_387 = arith.index_cast %mul3A_386 : i32 to index
      %swap3A_388 = tpu.vector_load %arg11[%swap3A_387] {strides = array<i32>} : memref<128xi32, #tpu.memory_space<vmem>>, vector<16xi32>,
      %swap3A_389 = vector.shape_cast %swap3A_388 : vector<16xi32> to vector<16xi32>
      %swap3A_390 = vector.shape_cast %add3A_384 : vector<16xi32> to vector<16xi32>
      tpu.vector_store %arg11[%swap3A_387], %swap3A_390 {strides = array<i32>} : memref<128xi32, #tpu.memory_space<vmem>>, vector<16xi32>,
      %scan3A_391 = arith.constant 0 : i32
      %scan3A_392 = arith.constant 6 : i32
      %mul3A_393 = arith.constant 16 : i32
      %mul3A_394 = arith.muli %scan3A_392, %mul3A_393 : i32
      %get3A_395 = arith.index_cast %mul3A_394 : i32 to index
      %get3A_396 = tpu.vector_load %arg11[%get3A_395] {strides = array<i32>} : memref<128xi32, #tpu.memory_space<vmem>>, vector<16xi32>,
      %get3A_397 = vector.shape_cast %get3A_396 : vector<16xi32> to vector<16xi32>
      %add3A_398 = vector.broadcast %mul3A_4 : i32 to vector<16xi32>
      %add3A_399 = arith.addi %get3A_397, %add3A_398 : vector<16xi32>
      %mul3A_400 = arith.constant 16 : i32
      %mul3A_401 = arith.muli %scan3A_392, %mul3A_400 : i32
      %swap3A_402 = arith.index_cast %mul3A_401 : i32 to index
      %swap3A_403 = tpu.vector_load %arg11[%swap3A_402] {strides = array<i32>} : memref<128xi32, #tpu.memory_space<vmem>>, vector<16xi32>,
      %swap3A_404 = vector.shape_cast %swap3A_403 : vector<16xi32> to vector<16xi32>
      %swap3A_405 = vector.shape_cast %add3A_399 : vector<16xi32> to vector<16xi32>
      tpu.vector_store %arg11[%swap3A_402], %swap3A_405 {strides = array<i32>} : memref<128xi32, #tpu.memory_space<vmem>>, vector<16xi32>,
      %scan3A_406 = arith.constant 0 : i32
      %scan3A_407 = arith.constant 7 : i32
      %mul3A_408 = arith.constant 16 : i32
      %mul3A_409 = arith.muli %scan3A_407, %mul3A_408 : i32
      %get3A_410 = arith.index_cast %mul3A_409 : i32 to index
      %get3A_411 = tpu.vector_load %arg11[%get3A_410] {strides = array<i32>} : memref<128xi32, #tpu.memory_space<vmem>>, vector<16xi32>,
      %get3A_412 = vector.shape_cast %get3A_411 : vector<16xi32> to vector<16xi32>
      %add3A_413 = vector.broadcast %mul3A_4 : i32 to vector<16xi32>
      %add3A_414 = arith.addi %get3A_412, %add3A_413 : vector<16xi32>
      %mul3A_415 = arith.constant 16 : i32
      %mul3A_416 = arith.muli %scan3A_407, %mul3A_415 : i32
      %swap3A_417 = arith.index_cast %mul3A_416 : i32 to index
      %swap3A_418 = tpu.vector_load %arg11[%swap3A_417] {strides = array<i32>} : memref<128xi32, #tpu.memory_space<vmem>>, vector<16xi32>,
      %swap3A_419 = vector.shape_cast %swap3A_418 : vector<16xi32> to vector<16xi32>
      %swap3A_420 = vector.shape_cast %add3A_414 : vector<16xi32> to vector<16xi32>
      tpu.vector_store %arg11[%swap3A_417], %swap3A_420 {strides = array<i32>} : memref<128xi32, #tpu.memory_space<vmem>>, vector<16xi32>,
      %scan3A_421 = arith.constant 0 : i32
      %scan3A_422 = arith.constant 8 : i32
      %dma_start3A_423 = arith.constant 0 : i32
      %dma_start3A_424 = arith.constant 0 : i32
      %dma_start3A_425 = tpu.memref_slice %arg2[%dma_start3A_423, %dma_start3A_424] : memref<20000x128xf32, #tpu.memory_space<hbm>> -> memref<20000x128xf32, #tpu.memory_space<hbm>>
      tpu.enqueue_indirect_dma source(%dma_start3A_425 : memref<20000x128xf32, #tpu.memory_space<hbm>>) target(%arg15 : memref<128x128xf32, #tpu.memory_space<vmem>>) offsets(%arg11 : memref<128xi32, #tpu.memory_space<vmem>>) semaphore(%arg20 : memref<!tpu.dma_semaphore, #tpu.memory_space<semaphore_mem>>)
      %dma_wait3A_426 = arith.constant 0 : i32
      %dma_wait3A_427 = arith.constant 0 : i32
      %dma_wait3A_428 = tpu.memref_slice %arg2[%dma_wait3A_426, %dma_wait3A_427] : memref<20000x128xf32, #tpu.memory_space<hbm>> -> memref<20000x128xf32, #tpu.memory_space<hbm>>
      tpu.wait_indirect_dma semaphore(%arg20 : memref<!tpu.dma_semaphore, #tpu.memory_space<semaphore_mem>>) src(%dma_wait3A_428 : memref<20000x128xf32, #tpu.memory_space<hbm>>) dst(%arg15 : memref<128x128xf32, #tpu.memory_space<vmem>>)
      %dma_start3A_429 = arith.constant 0 : i32
      %dma_start3A_430 = arith.constant 0 : i32
      %dma_start3A_431 = tpu.memref_slice %arg19[%dma_start3A_429, %dma_start3A_430] : memref<10000x128xf32, #tpu.memory_space<vmem_shared>> -> memref<10000x128xf32, #tpu.memory_space<vmem_shared>>
      tpu.enqueue_indirect_dma source(%arg15 : memref<128x128xf32, #tpu.memory_space<vmem>>) target(%dma_start3A_431 : memref<10000x128xf32, #tpu.memory_space<vmem_shared>>) offsets(%arg13 : memref<128xi32, #tpu.memory_space<vmem>>) semaphore(%arg22 : memref<!tpu.dma_semaphore, #tpu.memory_space<semaphore_mem>>) {add = true}
      %scan3A_432 = arith.constant 0 : i32
      scf.yield %scan3A_432 : i32
    }
    %scan3A_52 = arith.constant 39 : i32
    %dma_wait3A_53 = arith.constant 0 : i32
    %dma_wait3A_54 = arith.constant 0 : i32
    %dma_wait3A_55 = tpu.memref_slice %arg19[%dma_wait3A_53, %dma_wait3A_54] : memref<10000x128xf32, #tpu.memory_space<vmem_shared>> -> memref<10000x128xf32, #tpu.memory_space<vmem_shared>>
    tpu.wait_indirect_dma semaphore(%arg21 : memref<!tpu.dma_semaphore, #tpu.memory_space<semaphore_mem>>) src(%arg14 : memref<128x128xf32, #tpu.memory_space<vmem>>) dst(%dma_wait3A_55 : memref<10000x128xf32, #tpu.memory_space<vmem_shared>>)
    %dma_wait3A_56 = arith.constant 0 : i32
    %dma_wait3A_57 = arith.constant 0 : i32
    %dma_wait3A_58 = tpu.memref_slice %arg19[%dma_wait3A_56, %dma_wait3A_57] : memref<10000x128xf32, #tpu.memory_space<vmem_shared>> -> memref<10000x128xf32, #tpu.memory_space<vmem_shared>>
    tpu.wait_indirect_dma semaphore(%arg22 : memref<!tpu.dma_semaphore, #tpu.memory_space<semaphore_mem>>) src(%arg15 : memref<128x128xf32, #tpu.memory_space<vmem>>) dst(%dma_wait3A_58 : memref<10000x128xf32, #tpu.memory_space<vmem_shared>>)
    %add3A_59 = arith.constant 9984 : i32
    %add3A_60 = arith.addi %mul3A_0, %add3A_59 : i32
    "tpu.region"() ({
      %run_scoped3A_129 = tpu.sem_alloc : memref<!tpu.dma_semaphore, #tpu.memory_space<semaphore_mem>>
      %dma_start3A_130 = tpu.memref_slice %arg5[%add3A_60] : memref<160000xi32, #tpu.memory_space<hbm>> -> memref<16xi32, #tpu.memory_space<hbm>>
      %dma_start3A_131 = tpu.memref_slice %arg5[%add3A_60] : memref<160000xi32, #tpu.memory_space<hbm>> -> memref<16xi32, #tpu.memory_space<hbm>>
      tpu.enqueue_dma source(%dma_start3A_131 : memref<16xi32, #tpu.memory_space<hbm>>) target(%arg16 : memref<16xi32, #tpu.memory_space<vmem>>) target_semaphore(%run_scoped3A_129 : memref<!tpu.dma_semaphore, #tpu.memory_space<semaphore_mem>>)
      %dma_wait3A_132 = tpu.memref_slice %arg5[%add3A_60] : memref<160000xi32, #tpu.memory_space<hbm>> -> memref<16xi32, #tpu.memory_space<hbm>>
      %dma_wait3A_133 = tpu.memref_slice %arg5[%add3A_60] : memref<160000xi32, #tpu.memory_space<hbm>> -> memref<16xi32, #tpu.memory_space<hbm>>
      tpu.wait_dma2 semaphore(%run_scoped3A_129 : memref<!tpu.dma_semaphore, #tpu.memory_space<semaphore_mem>>) src(%dma_wait3A_133 : memref<16xi32, #tpu.memory_space<hbm>>) dst(%arg16 : memref<16xi32, #tpu.memory_space<vmem>>)
      tpu.yield
    }) : () -> ()
    "tpu.region"() ({
      %run_scoped3A_129 = tpu.sem_alloc : memref<!tpu.dma_semaphore, #tpu.memory_space<semaphore_mem>>
      %dma_start3A_130 = tpu.memref_slice %arg6[%add3A_60] : memref<160000xi32, #tpu.memory_space<hbm>> -> memref<16xi32, #tpu.memory_space<hbm>>
      %dma_start3A_131 = tpu.memref_slice %arg6[%add3A_60] : memref<160000xi32, #tpu.memory_space<hbm>> -> memref<16xi32, #tpu.memory_space<hbm>>
      tpu.enqueue_dma source(%dma_start3A_131 : memref<16xi32, #tpu.memory_space<hbm>>) target(%arg17 : memref<16xi32, #tpu.memory_space<vmem>>) target_semaphore(%run_scoped3A_129 : memref<!tpu.dma_semaphore, #tpu.memory_space<semaphore_mem>>)
      %dma_wait3A_132 = tpu.memref_slice %arg6[%add3A_60] : memref<160000xi32, #tpu.memory_space<hbm>> -> memref<16xi32, #tpu.memory_space<hbm>>
      %dma_wait3A_133 = tpu.memref_slice %arg6[%add3A_60] : memref<160000xi32, #tpu.memory_space<hbm>> -> memref<16xi32, #tpu.memory_space<hbm>>
      tpu.wait_dma2 semaphore(%run_scoped3A_129 : memref<!tpu.dma_semaphore, #tpu.memory_space<semaphore_mem>>) src(%dma_wait3A_133 : memref<16xi32, #tpu.memory_space<hbm>>) dst(%arg17 : memref<16xi32, #tpu.memory_space<vmem>>)
      tpu.yield
    }) : () -> ()
    %get3A_61 = arith.constant 0 : index
    %get3A_62 = tpu.vector_load %arg16[%get3A_61] {strides = array<i32>} : memref<16xi32, #tpu.memory_space<vmem>>, vector<16xi32>,
    %get3A_63 = vector.shape_cast %get3A_62 : vector<16xi32> to vector<16xi32>
    %add3A_64 = vector.broadcast %mul3A_4 : i32 to vector<16xi32>
    %add3A_65 = arith.addi %get3A_63, %add3A_64 : vector<16xi32>
    %swap3A_66 = arith.constant 0 : index
    %swap3A_67 = tpu.vector_load %arg16[%swap3A_66] {strides = array<i32>} : memref<16xi32, #tpu.memory_space<vmem>>, vector<16xi32>,
    %swap3A_68 = vector.shape_cast %swap3A_67 : vector<16xi32> to vector<16xi32>
    %swap3A_69 = vector.shape_cast %add3A_65 : vector<16xi32> to vector<16xi32>
    tpu.vector_store %arg16[%swap3A_66], %swap3A_69 {strides = array<i32>} : memref<16xi32, #tpu.memory_space<vmem>>, vector<16xi32>,
    %dma_start3A_70 = arith.constant 0 : i32
    %dma_start3A_71 = arith.constant 0 : i32
    %dma_start3A_72 = tpu.memref_slice %arg2[%dma_start3A_70, %dma_start3A_71] : memref<20000x128xf32, #tpu.memory_space<hbm>> -> memref<20000x128xf32, #tpu.memory_space<hbm>>
    tpu.enqueue_indirect_dma source(%dma_start3A_72 : memref<20000x128xf32, #tpu.memory_space<hbm>>) target(%arg18 : memref<16x128xf32, #tpu.memory_space<vmem>>) offsets(%arg16 : memref<16xi32, #tpu.memory_space<vmem>>) semaphore(%arg20 : memref<!tpu.dma_semaphore, #tpu.memory_space<semaphore_mem>>)
    %dma_wait3A_73 = arith.constant 0 : i32
    %dma_wait3A_74 = arith.constant 0 : i32
    %dma_wait3A_75 = tpu.memref_slice %arg2[%dma_wait3A_73, %dma_wait3A_74] : memref<20000x128xf32, #tpu.memory_space<hbm>> -> memref<20000x128xf32, #tpu.memory_space<hbm>>
    tpu.wait_indirect_dma semaphore(%arg20 : memref<!tpu.dma_semaphore, #tpu.memory_space<semaphore_mem>>) src(%dma_wait3A_75 : memref<20000x128xf32, #tpu.memory_space<hbm>>) dst(%arg18 : memref<16x128xf32, #tpu.memory_space<vmem>>)
    "tpu.region"() ({
      %run_scoped3A_129 = tpu.sem_alloc : memref<!tpu.dma_semaphore, #tpu.memory_space<semaphore_mem>>
      %dma_start3A_130 = arith.constant 0 : i32
      %dma_start3A_131 = arith.constant 0 : i32
      %dma_start3A_132 = tpu.memref_slice %arg19[%dma_start3A_130, %dma_start3A_131] : memref<10000x128xf32, #tpu.memory_space<vmem_shared>> -> memref<10000x128xf32, #tpu.memory_space<vmem_shared>>
      tpu.enqueue_indirect_dma source(%arg18 : memref<16x128xf32, #tpu.memory_space<vmem>>) target(%dma_start3A_132 : memref<10000x128xf32, #tpu.memory_space<vmem_shared>>) offsets(%arg17 : memref<16xi32, #tpu.memory_space<vmem>>) semaphore(%run_scoped3A_129 : memref<!tpu.dma_semaphore, #tpu.memory_space<semaphore_mem>>) {add = true}
      %dma_wait3A_133 = arith.constant 0 : i32
      %dma_wait3A_134 = arith.constant 0 : i32
      %dma_wait3A_135 = tpu.memref_slice %arg19[%dma_wait3A_133, %dma_wait3A_134] : memref<10000x128xf32, #tpu.memory_space<vmem_shared>> -> memref<10000x128xf32, #tpu.memory_space<vmem_shared>>
      tpu.wait_indirect_dma semaphore(%run_scoped3A_129 : memref<!tpu.dma_semaphore, #tpu.memory_space<semaphore_mem>>) src(%arg18 : memref<16x128xf32, #tpu.memory_space<vmem>>) dst(%dma_wait3A_135 : memref<10000x128xf32, #tpu.memory_space<vmem_shared>>)
      tpu.yield
    }) : () -> ()
    %barrier3A_76 = arith.constant 0 : index
    tpu.barrier barrier_id(%barrier3A_76)
    %run_scoped3A_77 = arith.constant 1 : i32
    "tpu.region"() ({
      %run_scoped3A_129 = tpu.sem_alloc : memref<!tpu.dma_semaphore, #tpu.memory_space<semaphore_mem>>
      %dma_start3A_130 = arith.constant 0 : i32
      %dma_start3A_131 = tpu.memref_slice %arg9[%run_scoped3A_77, %arg0, %mul3A_2, %dma_start3A_130] : memref<3x2x10000x128xf32, #tpu.memory_space<hbm>> -> memref<1x1x624x128xf32, #tpu.memory_space<hbm>>
      %dma_start3A_132 = tpu.memref_squeeze %dma_start3A_131 : memref<1x1x624x128xf32, #tpu.memory_space<hbm>> -> memref<624x128xf32, #tpu.memory_space<hbm>>
      %dma_start3A_133 = arith.constant 0 : i32
      %dma_start3A_134 = tpu.memref_slice %arg19[%mul3A_2, %dma_start3A_133] : memref<10000x128xf32, #tpu.memory_space<vmem_shared>> -> memref<624x128xf32, #tpu.memory_space<vmem_shared>>
      tpu.enqueue_dma source(%dma_start3A_134 : memref<624x128xf32, #tpu.memory_space<vmem_shared>>) target(%dma_start3A_132 : memref<624x128xf32, #tpu.memory_space<hbm>>) target_semaphore(%run_scoped3A_129 : memref<!tpu.dma_semaphore, #tpu.memory_space<semaphore_mem>>)
      %dma_wait3A_135 = arith.constant 0 : i32
      %dma_wait3A_136 = tpu.memref_slice %arg9[%run_scoped3A_77, %arg0, %mul3A_2, %dma_wait3A_135] : memref<3x2x10000x128xf32, #tpu.memory_space<hbm>> -> memref<1x1x624x128xf32, #tpu.memory_space<hbm>>
      %dma_wait3A_137 = tpu.memref_squeeze %dma_wait3A_136 : memref<1x1x624x128xf32, #tpu.memory_space<hbm>> -> memref<624x128xf32, #tpu.memory_space<hbm>>
      %dma_wait3A_138 = arith.constant 0 : i32
      %dma_wait3A_139 = tpu.memref_slice %arg19[%mul3A_2, %dma_wait3A_138] : memref<10000x128xf32, #tpu.memory_space<vmem_shared>> -> memref<624x128xf32, #tpu.memory_space<vmem_shared>>
      tpu.wait_dma2 semaphore(%run_scoped3A_129 : memref<!tpu.dma_semaphore, #tpu.memory_space<semaphore_mem>>) src(%dma_wait3A_139 : memref<624x128xf32, #tpu.memory_space<vmem_shared>>) dst(%dma_wait3A_137 : memref<624x128xf32, #tpu.memory_space<hbm>>)
      tpu.yield
    }) : () -> ()
    %eq3A_78 = arith.constant 15 : i32
    %eq3A_79 = arith.cmpi eq, %arg1, %eq3A_78 : i32
    %convert_element_type3A_80 = arith.extui %eq3A_79 : i1 to i32
    %cond3A_81 = arith.constant 0 : i32
    %cond3A_82 = arith.cmpi ne, %convert_element_type3A_80, %cond3A_81 : i32
    scf.if %cond3A_82 {
      %run_scoped3A_129 = arith.constant 1 : i32
      "tpu.region"() ({
        %run_scoped3A_130 = tpu.sem_alloc : memref<!tpu.dma_semaphore, #tpu.memory_space<semaphore_mem>>
        %dma_start3A_131 = arith.constant 9984 : i32
        %dma_start3A_132 = arith.constant 0 : i32
        %dma_start3A_133 = tpu.memref_slice %arg9[%run_scoped3A_129, %arg0, %dma_start3A_131, %dma_start3A_132] : memref<3x2x10000x128xf32, #tpu.memory_space<hbm>> -> memref<1x1x16x128xf32, #tpu.memory_space<hbm>>
        %dma_start3A_134 = tpu.memref_squeeze %dma_start3A_133 : memref<1x1x16x128xf32, #tpu.memory_space<hbm>> -> memref<16x128xf32, #tpu.memory_space<hbm>>
        %dma_start3A_135 = arith.constant 9984 : i32
        %dma_start3A_136 = arith.constant 0 : i32
        %dma_start3A_137 = tpu.memref_slice %arg19[%dma_start3A_135, %dma_start3A_136] : memref<10000x128xf32, #tpu.memory_space<vmem_shared>> -> memref<16x128xf32, #tpu.memory_space<vmem_shared>>
        tpu.enqueue_dma source(%dma_start3A_137 : memref<16x128xf32, #tpu.memory_space<vmem_shared>>) target(%dma_start3A_134 : memref<16x128xf32, #tpu.memory_space<hbm>>) target_semaphore(%run_scoped3A_130 : memref<!tpu.dma_semaphore, #tpu.memory_space<semaphore_mem>>)
        %dma_wait3A_138 = arith.constant 9984 : i32
        %dma_wait3A_139 = arith.constant 0 : i32
        %dma_wait3A_140 = tpu.memref_slice %arg9[%run_scoped3A_129, %arg0, %dma_wait3A_138, %dma_wait3A_139] : memref<3x2x10000x128xf32, #tpu.memory_space<hbm>> -> memref<1x1x16x128xf32, #tpu.memory_space<hbm>>
        %dma_wait3A_141 = tpu.memref_squeeze %dma_wait3A_140 : memref<1x1x16x128xf32, #tpu.memory_space<hbm>> -> memref<16x128xf32, #tpu.memory_space<hbm>>
        %dma_wait3A_142 = arith.constant 9984 : i32
        %dma_wait3A_143 = arith.constant 0 : i32
        %dma_wait3A_144 = tpu.memref_slice %arg19[%dma_wait3A_142, %dma_wait3A_143] : memref<10000x128xf32, #tpu.memory_space<vmem_shared>> -> memref<16x128xf32, #tpu.memory_space<vmem_shared>>
        tpu.wait_dma2 semaphore(%run_scoped3A_130 : memref<!tpu.dma_semaphore, #tpu.memory_space<semaphore_mem>>) src(%dma_wait3A_144 : memref<16x128xf32, #tpu.memory_space<vmem_shared>>) dst(%dma_wait3A_141 : memref<16x128xf32, #tpu.memory_space<hbm>>)
        tpu.yield
      }) : () -> ()
    } else {
    }
    %barrier3A_83 = arith.constant 0 : index
    tpu.barrier barrier_id(%barrier3A_83)
    %add3A_84 = arith.addi %mul3A_4, %mul3A_2 : i32
    "tpu.region"() ({
      %run_scoped3A_129 = tpu.sem_alloc : memref<!tpu.dma_semaphore, #tpu.memory_space<semaphore_mem>>
      %dma_start3A_130 = arith.constant 0 : i32
      %dma_start3A_131 = tpu.memref_slice %arg19[%mul3A_2, %dma_start3A_130] : memref<10000x128xf32, #tpu.memory_space<vmem_shared>> -> memref<624x128xf32, #tpu.memory_space<vmem_shared>>
      %dma_start3A_132 = arith.constant 0 : i32
      %dma_start3A_133 = tpu.memref_slice %arg2[%add3A_84, %dma_start3A_132] : memref<20000x128xf32, #tpu.memory_space<hbm>> -> memref<624x128xf32, #tpu.memory_space<hbm>>
      tpu.enqueue_dma source(%dma_start3A_133 : memref<624x128xf32, #tpu.memory_space<hbm>>) target(%dma_start3A_131 : memref<624x128xf32, #tpu.memory_space<vmem_shared>>) target_semaphore(%run_scoped3A_129 : memref<!tpu.dma_semaphore, #tpu.memory_space<semaphore_mem>>)
      %dma_wait3A_134 = arith.constant 0 : i32
      %dma_wait3A_135 = tpu.memref_slice %arg19[%mul3A_2, %dma_wait3A_134] : memref<10000x128xf32, #tpu.memory_space<vmem_shared>> -> memref<624x128xf32, #tpu.memory_space<vmem_shared>>
      %dma_wait3A_136 = arith.constant 0 : i32
      %dma_wait3A_137 = tpu.memref_slice %arg2[%add3A_84, %dma_wait3A_136] : memref<20000x128xf32, #tpu.memory_space<hbm>> -> memref<624x128xf32, #tpu.memory_space<hbm>>
      tpu.wait_dma2 semaphore(%run_scoped3A_129 : memref<!tpu.dma_semaphore, #tpu.memory_space<semaphore_mem>>) src(%dma_wait3A_137 : memref<624x128xf32, #tpu.memory_space<hbm>>) dst(%dma_wait3A_135 : memref<624x128xf32, #tpu.memory_space<vmem_shared>>)
      tpu.yield
    }) : () -> ()
    %eq3A_85 = arith.constant 15 : i32
    %eq3A_86 = arith.cmpi eq, %arg1, %eq3A_85 : i32
    %convert_element_type3A_87 = arith.extui %eq3A_86 : i1 to i32
    %cond3A_88 = arith.constant 0 : i32
    %cond3A_89 = arith.cmpi ne, %convert_element_type3A_87, %cond3A_88 : i32
    scf.if %cond3A_89 {
      %add3A_129 = arith.constant 9984 : i32
      %add3A_130 = arith.addi %mul3A_4, %add3A_129 : i32
      "tpu.region"() ({
        %run_scoped3A_131 = tpu.sem_alloc : memref<!tpu.dma_semaphore, #tpu.memory_space<semaphore_mem>>
        %dma_start3A_132 = arith.constant 9984 : i32
        %dma_start3A_133 = arith.constant 0 : i32
        %dma_start3A_134 = tpu.memref_slice %arg19[%dma_start3A_132, %dma_start3A_133] : memref<10000x128xf32, #tpu.memory_space<vmem_shared>> -> memref<16x128xf32, #tpu.memory_space<vmem_shared>>
        %dma_start3A_135 = arith.constant 0 : i32
        %dma_start3A_136 = tpu.memref_slice %arg2[%add3A_130, %dma_start3A_135] : memref<20000x128xf32, #tpu.memory_space<hbm>> -> memref<16x128xf32, #tpu.memory_space<hbm>>
        tpu.enqueue_dma source(%dma_start3A_136 : memref<16x128xf32, #tpu.memory_space<hbm>>) target(%dma_start3A_134 : memref<16x128xf32, #tpu.memory_space<vmem_shared>>) target_semaphore(%run_scoped3A_131 : memref<!tpu.dma_semaphore, #tpu.memory_space<semaphore_mem>>)
        %dma_wait3A_137 = arith.constant 9984 : i32
        %dma_wait3A_138 = arith.constant 0 : i32
        %dma_wait3A_139 = tpu.memref_slice %arg19[%dma_wait3A_137, %dma_wait3A_138] : memref<10000x128xf32, #tpu.memory_space<vmem_shared>> -> memref<16x128xf32, #tpu.memory_space<vmem_shared>>
        %dma_wait3A_140 = arith.constant 0 : i32
        %dma_wait3A_141 = tpu.memref_slice %arg2[%add3A_130, %dma_wait3A_140] : memref<20000x128xf32, #tpu.memory_space<hbm>> -> memref<16x128xf32, #tpu.memory_space<hbm>>
        tpu.wait_dma2 semaphore(%run_scoped3A_131 : memref<!tpu.dma_semaphore, #tpu.memory_space<semaphore_mem>>) src(%dma_wait3A_141 : memref<16x128xf32, #tpu.memory_space<hbm>>) dst(%dma_wait3A_139 : memref<16x128xf32, #tpu.memory_space<vmem_shared>>)
        tpu.yield
      }) : () -> ()
    } else {
    }
    %barrier3A_90 = arith.constant 0 : index
    tpu.barrier barrier_id(%barrier3A_90)
    %scan3A_91 = arith.constant 0 : i32
    %scan3A_92 = arith.constant 0 : i32
    %scan3A_93 = arith.constant 39 : i32
    %scan3A_94 = arith.addi %scan3A_92, %scan3A_93 : i32
    %scan3A_95 = arith.constant 1 : i32
    %scan3A_96 = scf.for %scan3A_129 = %scan3A_92 to %scan3A_94 step %scan3A_95 iter_args(%scan3A_130 = %scan3A_91) -> (i32)  : i32 {
      %mul3A_131 = arith.constant 2 : i32
      %mul3A_132 = arith.muli %scan3A_129, %mul3A_131 : i32
      %add3A_133 = arith.constant 0 : i32
      %add3A_134 = arith.addi %mul3A_132, %add3A_133 : i32
      %mul3A_135 = arith.constant 128 : i32
      %mul3A_136 = arith.muli %add3A_134, %mul3A_135 : i32
      %add3A_137 = arith.addi %mul3A_0, %mul3A_136 : i32
      %gt3A = arith.constant 0 : i32
      %gt3A_138 = arith.cmpi sgt, %scan3A_129, %gt3A : i32
      %convert_element_type3A_139 = arith.extui %gt3A_138 : i1 to i32
      %cond3A_140 = arith.constant 0 : i32
      %cond3A_141 = arith.cmpi ne, %convert_element_type3A_139, %cond3A_140 : i32
      scf.if %cond3A_141 {
        %dma_wait3A_433 = arith.constant 0 : i32
        %dma_wait3A_434 = arith.constant 0 : i32
        %dma_wait3A_435 = tpu.memref_slice %arg19[%dma_wait3A_433, %dma_wait3A_434] : memref<10000x128xf32, #tpu.memory_space<vmem_shared>> -> memref<10000x128xf32, #tpu.memory_space<vmem_shared>>
        tpu.wait_indirect_dma semaphore(%arg21 : memref<!tpu.dma_semaphore, #tpu.memory_space<semaphore_mem>>) src(%arg14 : memref<128x128xf32, #tpu.memory_space<vmem>>) dst(%dma_wait3A_435 : memref<10000x128xf32, #tpu.memory_space<vmem_shared>>)
      } else {
      }
      %dma_start3A_142 = tpu.memref_slice %arg7[%add3A_137] : memref<160000xi32, #tpu.memory_space<hbm>> -> memref<128xi32, #tpu.memory_space<hbm>>
      %dma_start3A_143 = tpu.memref_slice %arg7[%add3A_137] : memref<160000xi32, #tpu.memory_space<hbm>> -> memref<128xi32, #tpu.memory_space<hbm>>
      tpu.enqueue_dma source(%dma_start3A_143 : memref<128xi32, #tpu.memory_space<hbm>>) target(%arg10 : memref<128xi32, #tpu.memory_space<vmem>>) target_semaphore(%arg20 : memref<!tpu.dma_semaphore, #tpu.memory_space<semaphore_mem>>)
      %dma_start3A_144 = tpu.memref_slice %arg8[%add3A_137] : memref<160000xi32, #tpu.memory_space<hbm>> -> memref<128xi32, #tpu.memory_space<hbm>>
      %dma_start3A_145 = tpu.memref_slice %arg8[%add3A_137] : memref<160000xi32, #tpu.memory_space<hbm>> -> memref<128xi32, #tpu.memory_space<hbm>>
      tpu.enqueue_dma source(%dma_start3A_145 : memref<128xi32, #tpu.memory_space<hbm>>) target(%arg12 : memref<128xi32, #tpu.memory_space<vmem>>) target_semaphore(%arg20 : memref<!tpu.dma_semaphore, #tpu.memory_space<semaphore_mem>>)
      %dma_wait3A_146 = tpu.memref_slice %arg7[%add3A_137] : memref<160000xi32, #tpu.memory_space<hbm>> -> memref<128xi32, #tpu.memory_space<hbm>>
      %dma_wait3A_147 = tpu.memref_slice %arg7[%add3A_137] : memref<160000xi32, #tpu.memory_space<hbm>> -> memref<128xi32, #tpu.memory_space<hbm>>
      tpu.wait_dma2 semaphore(%arg20 : memref<!tpu.dma_semaphore, #tpu.memory_space<semaphore_mem>>) src(%dma_wait3A_147 : memref<128xi32, #tpu.memory_space<hbm>>) dst(%arg10 : memref<128xi32, #tpu.memory_space<vmem>>)
      %dma_wait3A_148 = tpu.memref_slice %arg8[%add3A_137] : memref<160000xi32, #tpu.memory_space<hbm>> -> memref<128xi32, #tpu.memory_space<hbm>>
      %dma_wait3A_149 = tpu.memref_slice %arg8[%add3A_137] : memref<160000xi32, #tpu.memory_space<hbm>> -> memref<128xi32, #tpu.memory_space<hbm>>
      tpu.wait_dma2 semaphore(%arg20 : memref<!tpu.dma_semaphore, #tpu.memory_space<semaphore_mem>>) src(%dma_wait3A_149 : memref<128xi32, #tpu.memory_space<hbm>>) dst(%arg12 : memref<128xi32, #tpu.memory_space<vmem>>)
      %scan3A_150 = arith.constant 0 : i32
      %scan3A_151 = arith.constant 0 : i32
      %mul3A_152 = arith.constant 16 : i32
      %mul3A_153 = arith.muli %scan3A_151, %mul3A_152 : i32
      %get3A_154 = arith.index_cast %mul3A_153 : i32 to index
      %get3A_155 = tpu.vector_load %arg10[%get3A_154] {strides = array<i32>} : memref<128xi32, #tpu.memory_space<vmem>>, vector<16xi32>,
      %get3A_156 = vector.shape_cast %get3A_155 : vector<16xi32> to vector<16xi32>
      %add3A_157 = vector.broadcast %mul3A_4 : i32 to vector<16xi32>
      %add3A_158 = arith.addi %get3A_156, %add3A_157 : vector<16xi32>
      %mul3A_159 = arith.constant 16 : i32
      %mul3A_160 = arith.muli %scan3A_151, %mul3A_159 : i32
      %swap3A_161 = arith.index_cast %mul3A_160 : i32 to index
      %swap3A_162 = tpu.vector_load %arg10[%swap3A_161] {strides = array<i32>} : memref<128xi32, #tpu.memory_space<vmem>>, vector<16xi32>,
      %swap3A_163 = vector.shape_cast %swap3A_162 : vector<16xi32> to vector<16xi32>
      %swap3A_164 = vector.shape_cast %add3A_158 : vector<16xi32> to vector<16xi32>
      tpu.vector_store %arg10[%swap3A_161], %swap3A_164 {strides = array<i32>} : memref<128xi32, #tpu.memory_space<vmem>>, vector<16xi32>,
      %scan3A_165 = arith.constant 0 : i32
      %scan3A_166 = arith.constant 1 : i32
      %mul3A_167 = arith.constant 16 : i32
      %mul3A_168 = arith.muli %scan3A_166, %mul3A_167 : i32
      %get3A_169 = arith.index_cast %mul3A_168 : i32 to index
      %get3A_170 = tpu.vector_load %arg10[%get3A_169] {strides = array<i32>} : memref<128xi32, #tpu.memory_space<vmem>>, vector<16xi32>,
      %get3A_171 = vector.shape_cast %get3A_170 : vector<16xi32> to vector<16xi32>
      %add3A_172 = vector.broadcast %mul3A_4 : i32 to vector<16xi32>
      %add3A_173 = arith.addi %get3A_171, %add3A_172 : vector<16xi32>
      %mul3A_174 = arith.constant 16 : i32
      %mul3A_175 = arith.muli %scan3A_166, %mul3A_174 : i32
      %swap3A_176 = arith.index_cast %mul3A_175 : i32 to index
      %swap3A_177 = tpu.vector_load %arg10[%swap3A_176] {strides = array<i32>} : memref<128xi32, #tpu.memory_space<vmem>>, vector<16xi32>,
      %swap3A_178 = vector.shape_cast %swap3A_177 : vector<16xi32> to vector<16xi32>
      %swap3A_179 = vector.shape_cast %add3A_173 : vector<16xi32> to vector<16xi32>
      tpu.vector_store %arg10[%swap3A_176], %swap3A_179 {strides = array<i32>} : memref<128xi32, #tpu.memory_space<vmem>>, vector<16xi32>,
      %scan3A_180 = arith.constant 0 : i32
      %scan3A_181 = arith.constant 2 : i32
      %mul3A_182 = arith.constant 16 : i32
      %mul3A_183 = arith.muli %scan3A_181, %mul3A_182 : i32
      %get3A_184 = arith.index_cast %mul3A_183 : i32 to index
      %get3A_185 = tpu.vector_load %arg10[%get3A_184] {strides = array<i32>} : memref<128xi32, #tpu.memory_space<vmem>>, vector<16xi32>,
      %get3A_186 = vector.shape_cast %get3A_185 : vector<16xi32> to vector<16xi32>
      %add3A_187 = vector.broadcast %mul3A_4 : i32 to vector<16xi32>
      %add3A_188 = arith.addi %get3A_186, %add3A_187 : vector<16xi32>
      %mul3A_189 = arith.constant 16 : i32
      %mul3A_190 = arith.muli %scan3A_181, %mul3A_189 : i32
      %swap3A_191 = arith.index_cast %mul3A_190 : i32 to index
      %swap3A_192 = tpu.vector_load %arg10[%swap3A_191] {strides = array<i32>} : memref<128xi32, #tpu.memory_space<vmem>>, vector<16xi32>,
      %swap3A_193 = vector.shape_cast %swap3A_192 : vector<16xi32> to vector<16xi32>
      %swap3A_194 = vector.shape_cast %add3A_188 : vector<16xi32> to vector<16xi32>
      tpu.vector_store %arg10[%swap3A_191], %swap3A_194 {strides = array<i32>} : memref<128xi32, #tpu.memory_space<vmem>>, vector<16xi32>,
      %scan3A_195 = arith.constant 0 : i32
      %scan3A_196 = arith.constant 3 : i32
      %mul3A_197 = arith.constant 16 : i32
      %mul3A_198 = arith.muli %scan3A_196, %mul3A_197 : i32
      %get3A_199 = arith.index_cast %mul3A_198 : i32 to index
      %get3A_200 = tpu.vector_load %arg10[%get3A_199] {strides = array<i32>} : memref<128xi32, #tpu.memory_space<vmem>>, vector<16xi32>,
      %get3A_201 = vector.shape_cast %get3A_200 : vector<16xi32> to vector<16xi32>
      %add3A_202 = vector.broadcast %mul3A_4 : i32 to vector<16xi32>
      %add3A_203 = arith.addi %get3A_201, %add3A_202 : vector<16xi32>
      %mul3A_204 = arith.constant 16 : i32
      %mul3A_205 = arith.muli %scan3A_196, %mul3A_204 : i32
      %swap3A_206 = arith.index_cast %mul3A_205 : i32 to index
      %swap3A_207 = tpu.vector_load %arg10[%swap3A_206] {strides = array<i32>} : memref<128xi32, #tpu.memory_space<vmem>>, vector<16xi32>,
      %swap3A_208 = vector.shape_cast %swap3A_207 : vector<16xi32> to vector<16xi32>
      %swap3A_209 = vector.shape_cast %add3A_203 : vector<16xi32> to vector<16xi32>
      tpu.vector_store %arg10[%swap3A_206], %swap3A_209 {strides = array<i32>} : memref<128xi32, #tpu.memory_space<vmem>>, vector<16xi32>,
      %scan3A_210 = arith.constant 0 : i32
      %scan3A_211 = arith.constant 4 : i32
      %mul3A_212 = arith.constant 16 : i32
      %mul3A_213 = arith.muli %scan3A_211, %mul3A_212 : i32
      %get3A_214 = arith.index_cast %mul3A_213 : i32 to index
      %get3A_215 = tpu.vector_load %arg10[%get3A_214] {strides = array<i32>} : memref<128xi32, #tpu.memory_space<vmem>>, vector<16xi32>,
      %get3A_216 = vector.shape_cast %get3A_215 : vector<16xi32> to vector<16xi32>
      %add3A_217 = vector.broadcast %mul3A_4 : i32 to vector<16xi32>
      %add3A_218 = arith.addi %get3A_216, %add3A_217 : vector<16xi32>
      %mul3A_219 = arith.constant 16 : i32
      %mul3A_220 = arith.muli %scan3A_211, %mul3A_219 : i32
      %swap3A_221 = arith.index_cast %mul3A_220 : i32 to index
      %swap3A_222 = tpu.vector_load %arg10[%swap3A_221] {strides = array<i32>} : memref<128xi32, #tpu.memory_space<vmem>>, vector<16xi32>,
      %swap3A_223 = vector.shape_cast %swap3A_222 : vector<16xi32> to vector<16xi32>
      %swap3A_224 = vector.shape_cast %add3A_218 : vector<16xi32> to vector<16xi32>
      tpu.vector_store %arg10[%swap3A_221], %swap3A_224 {strides = array<i32>} : memref<128xi32, #tpu.memory_space<vmem>>, vector<16xi32>,
      %scan3A_225 = arith.constant 0 : i32
      %scan3A_226 = arith.constant 5 : i32
      %mul3A_227 = arith.constant 16 : i32
      %mul3A_228 = arith.muli %scan3A_226, %mul3A_227 : i32
      %get3A_229 = arith.index_cast %mul3A_228 : i32 to index
      %get3A_230 = tpu.vector_load %arg10[%get3A_229] {strides = array<i32>} : memref<128xi32, #tpu.memory_space<vmem>>, vector<16xi32>,
      %get3A_231 = vector.shape_cast %get3A_230 : vector<16xi32> to vector<16xi32>
      %add3A_232 = vector.broadcast %mul3A_4 : i32 to vector<16xi32>
      %add3A_233 = arith.addi %get3A_231, %add3A_232 : vector<16xi32>
      %mul3A_234 = arith.constant 16 : i32
      %mul3A_235 = arith.muli %scan3A_226, %mul3A_234 : i32
      %swap3A_236 = arith.index_cast %mul3A_235 : i32 to index
      %swap3A_237 = tpu.vector_load %arg10[%swap3A_236] {strides = array<i32>} : memref<128xi32, #tpu.memory_space<vmem>>, vector<16xi32>,
      %swap3A_238 = vector.shape_cast %swap3A_237 : vector<16xi32> to vector<16xi32>
      %swap3A_239 = vector.shape_cast %add3A_233 : vector<16xi32> to vector<16xi32>
      tpu.vector_store %arg10[%swap3A_236], %swap3A_239 {strides = array<i32>} : memref<128xi32, #tpu.memory_space<vmem>>, vector<16xi32>,
      %scan3A_240 = arith.constant 0 : i32
      %scan3A_241 = arith.constant 6 : i32
      %mul3A_242 = arith.constant 16 : i32
      %mul3A_243 = arith.muli %scan3A_241, %mul3A_242 : i32
      %get3A_244 = arith.index_cast %mul3A_243 : i32 to index
      %get3A_245 = tpu.vector_load %arg10[%get3A_244] {strides = array<i32>} : memref<128xi32, #tpu.memory_space<vmem>>, vector<16xi32>,
      %get3A_246 = vector.shape_cast %get3A_245 : vector<16xi32> to vector<16xi32>
      %add3A_247 = vector.broadcast %mul3A_4 : i32 to vector<16xi32>
      %add3A_248 = arith.addi %get3A_246, %add3A_247 : vector<16xi32>
      %mul3A_249 = arith.constant 16 : i32
      %mul3A_250 = arith.muli %scan3A_241, %mul3A_249 : i32
      %swap3A_251 = arith.index_cast %mul3A_250 : i32 to index
      %swap3A_252 = tpu.vector_load %arg10[%swap3A_251] {strides = array<i32>} : memref<128xi32, #tpu.memory_space<vmem>>, vector<16xi32>,
      %swap3A_253 = vector.shape_cast %swap3A_252 : vector<16xi32> to vector<16xi32>
      %swap3A_254 = vector.shape_cast %add3A_248 : vector<16xi32> to vector<16xi32>
      tpu.vector_store %arg10[%swap3A_251], %swap3A_254 {strides = array<i32>} : memref<128xi32, #tpu.memory_space<vmem>>, vector<16xi32>,
      %scan3A_255 = arith.constant 0 : i32
      %scan3A_256 = arith.constant 7 : i32
      %mul3A_257 = arith.constant 16 : i32
      %mul3A_258 = arith.muli %scan3A_256, %mul3A_257 : i32
      %get3A_259 = arith.index_cast %mul3A_258 : i32 to index
      %get3A_260 = tpu.vector_load %arg10[%get3A_259] {strides = array<i32>} : memref<128xi32, #tpu.memory_space<vmem>>, vector<16xi32>,
      %get3A_261 = vector.shape_cast %get3A_260 : vector<16xi32> to vector<16xi32>
      %add3A_262 = vector.broadcast %mul3A_4 : i32 to vector<16xi32>
      %add3A_263 = arith.addi %get3A_261, %add3A_262 : vector<16xi32>
      %mul3A_264 = arith.constant 16 : i32
      %mul3A_265 = arith.muli %scan3A_256, %mul3A_264 : i32
      %swap3A_266 = arith.index_cast %mul3A_265 : i32 to index
      %swap3A_267 = tpu.vector_load %arg10[%swap3A_266] {strides = array<i32>} : memref<128xi32, #tpu.memory_space<vmem>>, vector<16xi32>,
      %swap3A_268 = vector.shape_cast %swap3A_267 : vector<16xi32> to vector<16xi32>
      %swap3A_269 = vector.shape_cast %add3A_263 : vector<16xi32> to vector<16xi32>
      tpu.vector_store %arg10[%swap3A_266], %swap3A_269 {strides = array<i32>} : memref<128xi32, #tpu.memory_space<vmem>>, vector<16xi32>,
      %scan3A_270 = arith.constant 0 : i32
      %scan3A_271 = arith.constant 8 : i32
      %dma_start3A_272 = arith.constant 0 : i32
      %dma_start3A_273 = arith.constant 0 : i32
      %dma_start3A_274 = tpu.memref_slice %arg2[%dma_start3A_272, %dma_start3A_273] : memref<20000x128xf32, #tpu.memory_space<hbm>> -> memref<20000x128xf32, #tpu.memory_space<hbm>>
      tpu.enqueue_indirect_dma source(%dma_start3A_274 : memref<20000x128xf32, #tpu.memory_space<hbm>>) target(%arg14 : memref<128x128xf32, #tpu.memory_space<vmem>>) offsets(%arg10 : memref<128xi32, #tpu.memory_space<vmem>>) semaphore(%arg20 : memref<!tpu.dma_semaphore, #tpu.memory_space<semaphore_mem>>)
      %dma_wait3A_275 = arith.constant 0 : i32
      %dma_wait3A_276 = arith.constant 0 : i32
      %dma_wait3A_277 = tpu.memref_slice %arg2[%dma_wait3A_275, %dma_wait3A_276] : memref<20000x128xf32, #tpu.memory_space<hbm>> -> memref<20000x128xf32, #tpu.memory_space<hbm>>
      tpu.wait_indirect_dma semaphore(%arg20 : memref<!tpu.dma_semaphore, #tpu.memory_space<semaphore_mem>>) src(%dma_wait3A_277 : memref<20000x128xf32, #tpu.memory_space<hbm>>) dst(%arg14 : memref<128x128xf32, #tpu.memory_space<vmem>>)
      %dma_start3A_278 = arith.constant 0 : i32
      %dma_start3A_279 = arith.constant 0 : i32
      %dma_start3A_280 = tpu.memref_slice %arg19[%dma_start3A_278, %dma_start3A_279] : memref<10000x128xf32, #tpu.memory_space<vmem_shared>> -> memref<10000x128xf32, #tpu.memory_space<vmem_shared>>
      tpu.enqueue_indirect_dma source(%arg14 : memref<128x128xf32, #tpu.memory_space<vmem>>) target(%dma_start3A_280 : memref<10000x128xf32, #tpu.memory_space<vmem_shared>>) offsets(%arg12 : memref<128xi32, #tpu.memory_space<vmem>>) semaphore(%arg21 : memref<!tpu.dma_semaphore, #tpu.memory_space<semaphore_mem>>) {add = true}
      %mul3A_281 = arith.constant 2 : i32
      %mul3A_282 = arith.muli %scan3A_129, %mul3A_281 : i32
      %add3A_283 = arith.constant 1 : i32
      %add3A_284 = arith.addi %mul3A_282, %add3A_283 : i32
      %mul3A_285 = arith.constant 128 : i32
      %mul3A_286 = arith.muli %add3A_284, %mul3A_285 : i32
      %add3A_287 = arith.addi %mul3A_0, %mul3A_286 : i32
      %gt3A_288 = arith.constant 0 : i32
      %gt3A_289 = arith.cmpi sgt, %scan3A_129, %gt3A_288 : i32
      %convert_element_type3A_290 = arith.extui %gt3A_289 : i1 to i32
      %cond3A_291 = arith.constant 0 : i32
      %cond3A_292 = arith.cmpi ne, %convert_element_type3A_290, %cond3A_291 : i32
      scf.if %cond3A_292 {
        %dma_wait3A_433 = arith.constant 0 : i32
        %dma_wait3A_434 = arith.constant 0 : i32
        %dma_wait3A_435 = tpu.memref_slice %arg19[%dma_wait3A_433, %dma_wait3A_434] : memref<10000x128xf32, #tpu.memory_space<vmem_shared>> -> memref<10000x128xf32, #tpu.memory_space<vmem_shared>>
        tpu.wait_indirect_dma semaphore(%arg22 : memref<!tpu.dma_semaphore, #tpu.memory_space<semaphore_mem>>) src(%arg15 : memref<128x128xf32, #tpu.memory_space<vmem>>) dst(%dma_wait3A_435 : memref<10000x128xf32, #tpu.memory_space<vmem_shared>>)
      } else {
      }
      %dma_start3A_293 = tpu.memref_slice %arg7[%add3A_287] : memref<160000xi32, #tpu.memory_space<hbm>> -> memref<128xi32, #tpu.memory_space<hbm>>
      %dma_start3A_294 = tpu.memref_slice %arg7[%add3A_287] : memref<160000xi32, #tpu.memory_space<hbm>> -> memref<128xi32, #tpu.memory_space<hbm>>
      tpu.enqueue_dma source(%dma_start3A_294 : memref<128xi32, #tpu.memory_space<hbm>>) target(%arg11 : memref<128xi32, #tpu.memory_space<vmem>>) target_semaphore(%arg20 : memref<!tpu.dma_semaphore, #tpu.memory_space<semaphore_mem>>)
      %dma_start3A_295 = tpu.memref_slice %arg8[%add3A_287] : memref<160000xi32, #tpu.memory_space<hbm>> -> memref<128xi32, #tpu.memory_space<hbm>>
      %dma_start3A_296 = tpu.memref_slice %arg8[%add3A_287] : memref<160000xi32, #tpu.memory_space<hbm>> -> memref<128xi32, #tpu.memory_space<hbm>>
      tpu.enqueue_dma source(%dma_start3A_296 : memref<128xi32, #tpu.memory_space<hbm>>) target(%arg13 : memref<128xi32, #tpu.memory_space<vmem>>) target_semaphore(%arg20 : memref<!tpu.dma_semaphore, #tpu.memory_space<semaphore_mem>>)
      %dma_wait3A_297 = tpu.memref_slice %arg7[%add3A_287] : memref<160000xi32, #tpu.memory_space<hbm>> -> memref<128xi32, #tpu.memory_space<hbm>>
      %dma_wait3A_298 = tpu.memref_slice %arg7[%add3A_287] : memref<160000xi32, #tpu.memory_space<hbm>> -> memref<128xi32, #tpu.memory_space<hbm>>
      tpu.wait_dma2 semaphore(%arg20 : memref<!tpu.dma_semaphore, #tpu.memory_space<semaphore_mem>>) src(%dma_wait3A_298 : memref<128xi32, #tpu.memory_space<hbm>>) dst(%arg11 : memref<128xi32, #tpu.memory_space<vmem>>)
      %dma_wait3A_299 = tpu.memref_slice %arg8[%add3A_287] : memref<160000xi32, #tpu.memory_space<hbm>> -> memref<128xi32, #tpu.memory_space<hbm>>
      %dma_wait3A_300 = tpu.memref_slice %arg8[%add3A_287] : memref<160000xi32, #tpu.memory_space<hbm>> -> memref<128xi32, #tpu.memory_space<hbm>>
      tpu.wait_dma2 semaphore(%arg20 : memref<!tpu.dma_semaphore, #tpu.memory_space<semaphore_mem>>) src(%dma_wait3A_300 : memref<128xi32, #tpu.memory_space<hbm>>) dst(%arg13 : memref<128xi32, #tpu.memory_space<vmem>>)
      %scan3A_301 = arith.constant 0 : i32
      %scan3A_302 = arith.constant 0 : i32
      %mul3A_303 = arith.constant 16 : i32
      %mul3A_304 = arith.muli %scan3A_302, %mul3A_303 : i32
      %get3A_305 = arith.index_cast %mul3A_304 : i32 to index
      %get3A_306 = tpu.vector_load %arg11[%get3A_305] {strides = array<i32>} : memref<128xi32, #tpu.memory_space<vmem>>, vector<16xi32>,
      %get3A_307 = vector.shape_cast %get3A_306 : vector<16xi32> to vector<16xi32>
      %add3A_308 = vector.broadcast %mul3A_4 : i32 to vector<16xi32>
      %add3A_309 = arith.addi %get3A_307, %add3A_308 : vector<16xi32>
      %mul3A_310 = arith.constant 16 : i32
      %mul3A_311 = arith.muli %scan3A_302, %mul3A_310 : i32
      %swap3A_312 = arith.index_cast %mul3A_311 : i32 to index
      %swap3A_313 = tpu.vector_load %arg11[%swap3A_312] {strides = array<i32>} : memref<128xi32, #tpu.memory_space<vmem>>, vector<16xi32>,
      %swap3A_314 = vector.shape_cast %swap3A_313 : vector<16xi32> to vector<16xi32>
      %swap3A_315 = vector.shape_cast %add3A_309 : vector<16xi32> to vector<16xi32>
      tpu.vector_store %arg11[%swap3A_312], %swap3A_315 {strides = array<i32>} : memref<128xi32, #tpu.memory_space<vmem>>, vector<16xi32>,
      %scan3A_316 = arith.constant 0 : i32
      %scan3A_317 = arith.constant 1 : i32
      %mul3A_318 = arith.constant 16 : i32
      %mul3A_319 = arith.muli %scan3A_317, %mul3A_318 : i32
      %get3A_320 = arith.index_cast %mul3A_319 : i32 to index
      %get3A_321 = tpu.vector_load %arg11[%get3A_320] {strides = array<i32>} : memref<128xi32, #tpu.memory_space<vmem>>, vector<16xi32>,
      %get3A_322 = vector.shape_cast %get3A_321 : vector<16xi32> to vector<16xi32>
      %add3A_323 = vector.broadcast %mul3A_4 : i32 to vector<16xi32>
      %add3A_324 = arith.addi %get3A_322, %add3A_323 : vector<16xi32>
      %mul3A_325 = arith.constant 16 : i32
      %mul3A_326 = arith.muli %scan3A_317, %mul3A_325 : i32
      %swap3A_327 = arith.index_cast %mul3A_326 : i32 to index
      %swap3A_328 = tpu.vector_load %arg11[%swap3A_327] {strides = array<i32>} : memref<128xi32, #tpu.memory_space<vmem>>, vector<16xi32>,
      %swap3A_329 = vector.shape_cast %swap3A_328 : vector<16xi32> to vector<16xi32>
      %swap3A_330 = vector.shape_cast %add3A_324 : vector<16xi32> to vector<16xi32>
      tpu.vector_store %arg11[%swap3A_327], %swap3A_330 {strides = array<i32>} : memref<128xi32, #tpu.memory_space<vmem>>, vector<16xi32>,
      %scan3A_331 = arith.constant 0 : i32
      %scan3A_332 = arith.constant 2 : i32
      %mul3A_333 = arith.constant 16 : i32
      %mul3A_334 = arith.muli %scan3A_332, %mul3A_333 : i32
      %get3A_335 = arith.index_cast %mul3A_334 : i32 to index
      %get3A_336 = tpu.vector_load %arg11[%get3A_335] {strides = array<i32>} : memref<128xi32, #tpu.memory_space<vmem>>, vector<16xi32>,
      %get3A_337 = vector.shape_cast %get3A_336 : vector<16xi32> to vector<16xi32>
      %add3A_338 = vector.broadcast %mul3A_4 : i32 to vector<16xi32>
      %add3A_339 = arith.addi %get3A_337, %add3A_338 : vector<16xi32>
      %mul3A_340 = arith.constant 16 : i32
      %mul3A_341 = arith.muli %scan3A_332, %mul3A_340 : i32
      %swap3A_342 = arith.index_cast %mul3A_341 : i32 to index
      %swap3A_343 = tpu.vector_load %arg11[%swap3A_342] {strides = array<i32>} : memref<128xi32, #tpu.memory_space<vmem>>, vector<16xi32>,
      %swap3A_344 = vector.shape_cast %swap3A_343 : vector<16xi32> to vector<16xi32>
      %swap3A_345 = vector.shape_cast %add3A_339 : vector<16xi32> to vector<16xi32>
      tpu.vector_store %arg11[%swap3A_342], %swap3A_345 {strides = array<i32>} : memref<128xi32, #tpu.memory_space<vmem>>, vector<16xi32>,
      %scan3A_346 = arith.constant 0 : i32
      %scan3A_347 = arith.constant 3 : i32
      %mul3A_348 = arith.constant 16 : i32
      %mul3A_349 = arith.muli %scan3A_347, %mul3A_348 : i32
      %get3A_350 = arith.index_cast %mul3A_349 : i32 to index
      %get3A_351 = tpu.vector_load %arg11[%get3A_350] {strides = array<i32>} : memref<128xi32, #tpu.memory_space<vmem>>, vector<16xi32>,
      %get3A_352 = vector.shape_cast %get3A_351 : vector<16xi32> to vector<16xi32>
      %add3A_353 = vector.broadcast %mul3A_4 : i32 to vector<16xi32>
      %add3A_354 = arith.addi %get3A_352, %add3A_353 : vector<16xi32>
      %mul3A_355 = arith.constant 16 : i32
      %mul3A_356 = arith.muli %scan3A_347, %mul3A_355 : i32
      %swap3A_357 = arith.index_cast %mul3A_356 : i32 to index
      %swap3A_358 = tpu.vector_load %arg11[%swap3A_357] {strides = array<i32>} : memref<128xi32, #tpu.memory_space<vmem>>, vector<16xi32>,
      %swap3A_359 = vector.shape_cast %swap3A_358 : vector<16xi32> to vector<16xi32>
      %swap3A_360 = vector.shape_cast %add3A_354 : vector<16xi32> to vector<16xi32>
      tpu.vector_store %arg11[%swap3A_357], %swap3A_360 {strides = array<i32>} : memref<128xi32, #tpu.memory_space<vmem>>, vector<16xi32>,
      %scan3A_361 = arith.constant 0 : i32
      %scan3A_362 = arith.constant 4 : i32
      %mul3A_363 = arith.constant 16 : i32
      %mul3A_364 = arith.muli %scan3A_362, %mul3A_363 : i32
      %get3A_365 = arith.index_cast %mul3A_364 : i32 to index
      %get3A_366 = tpu.vector_load %arg11[%get3A_365] {strides = array<i32>} : memref<128xi32, #tpu.memory_space<vmem>>, vector<16xi32>,
      %get3A_367 = vector.shape_cast %get3A_366 : vector<16xi32> to vector<16xi32>
      %add3A_368 = vector.broadcast %mul3A_4 : i32 to vector<16xi32>
      %add3A_369 = arith.addi %get3A_367, %add3A_368 : vector<16xi32>
      %mul3A_370 = arith.constant 16 : i32
      %mul3A_371 = arith.muli %scan3A_362, %mul3A_370 : i32
      %swap3A_372 = arith.index_cast %mul3A_371 : i32 to index
      %swap3A_373 = tpu.vector_load %arg11[%swap3A_372] {strides = array<i32>} : memref<128xi32, #tpu.memory_space<vmem>>, vector<16xi32>,
      %swap3A_374 = vector.shape_cast %swap3A_373 : vector<16xi32> to vector<16xi32>
      %swap3A_375 = vector.shape_cast %add3A_369 : vector<16xi32> to vector<16xi32>
      tpu.vector_store %arg11[%swap3A_372], %swap3A_375 {strides = array<i32>} : memref<128xi32, #tpu.memory_space<vmem>>, vector<16xi32>,
      %scan3A_376 = arith.constant 0 : i32
      %scan3A_377 = arith.constant 5 : i32
      %mul3A_378 = arith.constant 16 : i32
      %mul3A_379 = arith.muli %scan3A_377, %mul3A_378 : i32
      %get3A_380 = arith.index_cast %mul3A_379 : i32 to index
      %get3A_381 = tpu.vector_load %arg11[%get3A_380] {strides = array<i32>} : memref<128xi32, #tpu.memory_space<vmem>>, vector<16xi32>,
      %get3A_382 = vector.shape_cast %get3A_381 : vector<16xi32> to vector<16xi32>
      %add3A_383 = vector.broadcast %mul3A_4 : i32 to vector<16xi32>
      %add3A_384 = arith.addi %get3A_382, %add3A_383 : vector<16xi32>
      %mul3A_385 = arith.constant 16 : i32
      %mul3A_386 = arith.muli %scan3A_377, %mul3A_385 : i32
      %swap3A_387 = arith.index_cast %mul3A_386 : i32 to index
      %swap3A_388 = tpu.vector_load %arg11[%swap3A_387] {strides = array<i32>} : memref<128xi32, #tpu.memory_space<vmem>>, vector<16xi32>,
      %swap3A_389 = vector.shape_cast %swap3A_388 : vector<16xi32> to vector<16xi32>
      %swap3A_390 = vector.shape_cast %add3A_384 : vector<16xi32> to vector<16xi32>
      tpu.vector_store %arg11[%swap3A_387], %swap3A_390 {strides = array<i32>} : memref<128xi32, #tpu.memory_space<vmem>>, vector<16xi32>,
      %scan3A_391 = arith.constant 0 : i32
      %scan3A_392 = arith.constant 6 : i32
      %mul3A_393 = arith.constant 16 : i32
      %mul3A_394 = arith.muli %scan3A_392, %mul3A_393 : i32
      %get3A_395 = arith.index_cast %mul3A_394 : i32 to index
      %get3A_396 = tpu.vector_load %arg11[%get3A_395] {strides = array<i32>} : memref<128xi32, #tpu.memory_space<vmem>>, vector<16xi32>,
      %get3A_397 = vector.shape_cast %get3A_396 : vector<16xi32> to vector<16xi32>
      %add3A_398 = vector.broadcast %mul3A_4 : i32 to vector<16xi32>
      %add3A_399 = arith.addi %get3A_397, %add3A_398 : vector<16xi32>
      %mul3A_400 = arith.constant 16 : i32
      %mul3A_401 = arith.muli %scan3A_392, %mul3A_400 : i32
      %swap3A_402 = arith.index_cast %mul3A_401 : i32 to index
      %swap3A_403 = tpu.vector_load %arg11[%swap3A_402] {strides = array<i32>} : memref<128xi32, #tpu.memory_space<vmem>>, vector<16xi32>,
      %swap3A_404 = vector.shape_cast %swap3A_403 : vector<16xi32> to vector<16xi32>
      %swap3A_405 = vector.shape_cast %add3A_399 : vector<16xi32> to vector<16xi32>
      tpu.vector_store %arg11[%swap3A_402], %swap3A_405 {strides = array<i32>} : memref<128xi32, #tpu.memory_space<vmem>>, vector<16xi32>,
      %scan3A_406 = arith.constant 0 : i32
      %scan3A_407 = arith.constant 7 : i32
      %mul3A_408 = arith.constant 16 : i32
      %mul3A_409 = arith.muli %scan3A_407, %mul3A_408 : i32
      %get3A_410 = arith.index_cast %mul3A_409 : i32 to index
      %get3A_411 = tpu.vector_load %arg11[%get3A_410] {strides = array<i32>} : memref<128xi32, #tpu.memory_space<vmem>>, vector<16xi32>,
      %get3A_412 = vector.shape_cast %get3A_411 : vector<16xi32> to vector<16xi32>
      %add3A_413 = vector.broadcast %mul3A_4 : i32 to vector<16xi32>
      %add3A_414 = arith.addi %get3A_412, %add3A_413 : vector<16xi32>
      %mul3A_415 = arith.constant 16 : i32
      %mul3A_416 = arith.muli %scan3A_407, %mul3A_415 : i32
      %swap3A_417 = arith.index_cast %mul3A_416 : i32 to index
      %swap3A_418 = tpu.vector_load %arg11[%swap3A_417] {strides = array<i32>} : memref<128xi32, #tpu.memory_space<vmem>>, vector<16xi32>,
      %swap3A_419 = vector.shape_cast %swap3A_418 : vector<16xi32> to vector<16xi32>
      %swap3A_420 = vector.shape_cast %add3A_414 : vector<16xi32> to vector<16xi32>
      tpu.vector_store %arg11[%swap3A_417], %swap3A_420 {strides = array<i32>} : memref<128xi32, #tpu.memory_space<vmem>>, vector<16xi32>,
      %scan3A_421 = arith.constant 0 : i32
      %scan3A_422 = arith.constant 8 : i32
      %dma_start3A_423 = arith.constant 0 : i32
      %dma_start3A_424 = arith.constant 0 : i32
      %dma_start3A_425 = tpu.memref_slice %arg2[%dma_start3A_423, %dma_start3A_424] : memref<20000x128xf32, #tpu.memory_space<hbm>> -> memref<20000x128xf32, #tpu.memory_space<hbm>>
      tpu.enqueue_indirect_dma source(%dma_start3A_425 : memref<20000x128xf32, #tpu.memory_space<hbm>>) target(%arg15 : memref<128x128xf32, #tpu.memory_space<vmem>>) offsets(%arg11 : memref<128xi32, #tpu.memory_space<vmem>>) semaphore(%arg20 : memref<!tpu.dma_semaphore, #tpu.memory_space<semaphore_mem>>)
      %dma_wait3A_426 = arith.constant 0 : i32
      %dma_wait3A_427 = arith.constant 0 : i32
      %dma_wait3A_428 = tpu.memref_slice %arg2[%dma_wait3A_426, %dma_wait3A_427] : memref<20000x128xf32, #tpu.memory_space<hbm>> -> memref<20000x128xf32, #tpu.memory_space<hbm>>
      tpu.wait_indirect_dma semaphore(%arg20 : memref<!tpu.dma_semaphore, #tpu.memory_space<semaphore_mem>>) src(%dma_wait3A_428 : memref<20000x128xf32, #tpu.memory_space<hbm>>) dst(%arg15 : memref<128x128xf32, #tpu.memory_space<vmem>>)
      %dma_start3A_429 = arith.constant 0 : i32
      %dma_start3A_430 = arith.constant 0 : i32
      %dma_start3A_431 = tpu.memref_slice %arg19[%dma_start3A_429, %dma_start3A_430] : memref<10000x128xf32, #tpu.memory_space<vmem_shared>> -> memref<10000x128xf32, #tpu.memory_space<vmem_shared>>
      tpu.enqueue_indirect_dma source(%arg15 : memref<128x128xf32, #tpu.memory_space<vmem>>) target(%dma_start3A_431 : memref<10000x128xf32, #tpu.memory_space<vmem_shared>>) offsets(%arg13 : memref<128xi32, #tpu.memory_space<vmem>>) semaphore(%arg22 : memref<!tpu.dma_semaphore, #tpu.memory_space<semaphore_mem>>) {add = true}
      %scan3A_432 = arith.constant 0 : i32
      scf.yield %scan3A_432 : i32
    }
    %scan3A_97 = arith.constant 39 : i32
    %dma_wait3A_98 = arith.constant 0 : i32
    %dma_wait3A_99 = arith.constant 0 : i32
    %dma_wait3A_100 = tpu.memref_slice %arg19[%dma_wait3A_98, %dma_wait3A_99] : memref<10000x128xf32, #tpu.memory_space<vmem_shared>> -> memref<10000x128xf32, #tpu.memory_space<vmem_shared>>
    tpu.wait_indirect_dma semaphore(%arg21 : memref<!tpu.dma_semaphore, #tpu.memory_space<semaphore_mem>>) src(%arg14 : memref<128x128xf32, #tpu.memory_space<vmem>>) dst(%dma_wait3A_100 : memref<10000x128xf32, #tpu.memory_space<vmem_shared>>)
    %dma_wait3A_101 = arith.constant 0 : i32
    %dma_wait3A_102 = arith.constant 0 : i32
    %dma_wait3A_103 = tpu.memref_slice %arg19[%dma_wait3A_101, %dma_wait3A_102] : memref<10000x128xf32, #tpu.memory_space<vmem_shared>> -> memref<10000x128xf32, #tpu.memory_space<vmem_shared>>
    tpu.wait_indirect_dma semaphore(%arg22 : memref<!tpu.dma_semaphore, #tpu.memory_space<semaphore_mem>>) src(%arg15 : memref<128x128xf32, #tpu.memory_space<vmem>>) dst(%dma_wait3A_103 : memref<10000x128xf32, #tpu.memory_space<vmem_shared>>)
    %add3A_104 = arith.constant 9984 : i32
    %add3A_105 = arith.addi %mul3A_0, %add3A_104 : i32
    "tpu.region"() ({
      %run_scoped3A_129 = tpu.sem_alloc : memref<!tpu.dma_semaphore, #tpu.memory_space<semaphore_mem>>
      %dma_start3A_130 = tpu.memref_slice %arg7[%add3A_105] : memref<160000xi32, #tpu.memory_space<hbm>> -> memref<16xi32, #tpu.memory_space<hbm>>
      %dma_start3A_131 = tpu.memref_slice %arg7[%add3A_105] : memref<160000xi32, #tpu.memory_space<hbm>> -> memref<16xi32, #tpu.memory_space<hbm>>
      tpu.enqueue_dma source(%dma_start3A_131 : memref<16xi32, #tpu.memory_space<hbm>>) target(%arg16 : memref<16xi32, #tpu.memory_space<vmem>>) target_semaphore(%run_scoped3A_129 : memref<!tpu.dma_semaphore, #tpu.memory_space<semaphore_mem>>)
      %dma_wait3A_132 = tpu.memref_slice %arg7[%add3A_105] : memref<160000xi32, #tpu.memory_space<hbm>> -> memref<16xi32, #tpu.memory_space<hbm>>
      %dma_wait3A_133 = tpu.memref_slice %arg7[%add3A_105] : memref<160000xi32, #tpu.memory_space<hbm>> -> memref<16xi32, #tpu.memory_space<hbm>>
      tpu.wait_dma2 semaphore(%run_scoped3A_129 : memref<!tpu.dma_semaphore, #tpu.memory_space<semaphore_mem>>) src(%dma_wait3A_133 : memref<16xi32, #tpu.memory_space<hbm>>) dst(%arg16 : memref<16xi32, #tpu.memory_space<vmem>>)
      tpu.yield
    }) : () -> ()
    "tpu.region"() ({
      %run_scoped3A_129 = tpu.sem_alloc : memref<!tpu.dma_semaphore, #tpu.memory_space<semaphore_mem>>
      %dma_start3A_130 = tpu.memref_slice %arg8[%add3A_105] : memref<160000xi32, #tpu.memory_space<hbm>> -> memref<16xi32, #tpu.memory_space<hbm>>
      %dma_start3A_131 = tpu.memref_slice %arg8[%add3A_105] : memref<160000xi32, #tpu.memory_space<hbm>> -> memref<16xi32, #tpu.memory_space<hbm>>
      tpu.enqueue_dma source(%dma_start3A_131 : memref<16xi32, #tpu.memory_space<hbm>>) target(%arg17 : memref<16xi32, #tpu.memory_space<vmem>>) target_semaphore(%run_scoped3A_129 : memref<!tpu.dma_semaphore, #tpu.memory_space<semaphore_mem>>)
      %dma_wait3A_132 = tpu.memref_slice %arg8[%add3A_105] : memref<160000xi32, #tpu.memory_space<hbm>> -> memref<16xi32, #tpu.memory_space<hbm>>
      %dma_wait3A_133 = tpu.memref_slice %arg8[%add3A_105] : memref<160000xi32, #tpu.memory_space<hbm>> -> memref<16xi32, #tpu.memory_space<hbm>>
      tpu.wait_dma2 semaphore(%run_scoped3A_129 : memref<!tpu.dma_semaphore, #tpu.memory_space<semaphore_mem>>) src(%dma_wait3A_133 : memref<16xi32, #tpu.memory_space<hbm>>) dst(%arg17 : memref<16xi32, #tpu.memory_space<vmem>>)
      tpu.yield
    }) : () -> ()
    %get3A_106 = arith.constant 0 : index
    %get3A_107 = tpu.vector_load %arg16[%get3A_106] {strides = array<i32>} : memref<16xi32, #tpu.memory_space<vmem>>, vector<16xi32>,
    %get3A_108 = vector.shape_cast %get3A_107 : vector<16xi32> to vector<16xi32>
    %add3A_109 = vector.broadcast %mul3A_4 : i32 to vector<16xi32>
    %add3A_110 = arith.addi %get3A_108, %add3A_109 : vector<16xi32>
    %swap3A_111 = arith.constant 0 : index
    %swap3A_112 = tpu.vector_load %arg16[%swap3A_111] {strides = array<i32>} : memref<16xi32, #tpu.memory_space<vmem>>, vector<16xi32>,
    %swap3A_113 = vector.shape_cast %swap3A_112 : vector<16xi32> to vector<16xi32>
    %swap3A_114 = vector.shape_cast %add3A_110 : vector<16xi32> to vector<16xi32>
    tpu.vector_store %arg16[%swap3A_111], %swap3A_114 {strides = array<i32>} : memref<16xi32, #tpu.memory_space<vmem>>, vector<16xi32>,
    %dma_start3A_115 = arith.constant 0 : i32
    %dma_start3A_116 = arith.constant 0 : i32
    %dma_start3A_117 = tpu.memref_slice %arg2[%dma_start3A_115, %dma_start3A_116] : memref<20000x128xf32, #tpu.memory_space<hbm>> -> memref<20000x128xf32, #tpu.memory_space<hbm>>
    tpu.enqueue_indirect_dma source(%dma_start3A_117 : memref<20000x128xf32, #tpu.memory_space<hbm>>) target(%arg18 : memref<16x128xf32, #tpu.memory_space<vmem>>) offsets(%arg16 : memref<16xi32, #tpu.memory_space<vmem>>) semaphore(%arg20 : memref<!tpu.dma_semaphore, #tpu.memory_space<semaphore_mem>>)
    %dma_wait3A_118 = arith.constant 0 : i32
    %dma_wait3A_119 = arith.constant 0 : i32
    %dma_wait3A_120 = tpu.memref_slice %arg2[%dma_wait3A_118, %dma_wait3A_119] : memref<20000x128xf32, #tpu.memory_space<hbm>> -> memref<20000x128xf32, #tpu.memory_space<hbm>>
    tpu.wait_indirect_dma semaphore(%arg20 : memref<!tpu.dma_semaphore, #tpu.memory_space<semaphore_mem>>) src(%dma_wait3A_120 : memref<20000x128xf32, #tpu.memory_space<hbm>>) dst(%arg18 : memref<16x128xf32, #tpu.memory_space<vmem>>)
    "tpu.region"() ({
      %run_scoped3A_129 = tpu.sem_alloc : memref<!tpu.dma_semaphore, #tpu.memory_space<semaphore_mem>>
      %dma_start3A_130 = arith.constant 0 : i32
      %dma_start3A_131 = arith.constant 0 : i32
      %dma_start3A_132 = tpu.memref_slice %arg19[%dma_start3A_130, %dma_start3A_131] : memref<10000x128xf32, #tpu.memory_space<vmem_shared>> -> memref<10000x128xf32, #tpu.memory_space<vmem_shared>>
      tpu.enqueue_indirect_dma source(%arg18 : memref<16x128xf32, #tpu.memory_space<vmem>>) target(%dma_start3A_132 : memref<10000x128xf32, #tpu.memory_space<vmem_shared>>) offsets(%arg17 : memref<16xi32, #tpu.memory_space<vmem>>) semaphore(%run_scoped3A_129 : memref<!tpu.dma_semaphore, #tpu.memory_space<semaphore_mem>>) {add = true}
      %dma_wait3A_133 = arith.constant 0 : i32
      %dma_wait3A_134 = arith.constant 0 : i32
      %dma_wait3A_135 = tpu.memref_slice %arg19[%dma_wait3A_133, %dma_wait3A_134] : memref<10000x128xf32, #tpu.memory_space<vmem_shared>> -> memref<10000x128xf32, #tpu.memory_space<vmem_shared>>
      tpu.wait_indirect_dma semaphore(%run_scoped3A_129 : memref<!tpu.dma_semaphore, #tpu.memory_space<semaphore_mem>>) src(%arg18 : memref<16x128xf32, #tpu.memory_space<vmem>>) dst(%dma_wait3A_135 : memref<10000x128xf32, #tpu.memory_space<vmem_shared>>)
      tpu.yield
    }) : () -> ()
    %barrier3A_121 = arith.constant 0 : index
    tpu.barrier barrier_id(%barrier3A_121)
    %run_scoped3A_122 = arith.constant 2 : i32
    "tpu.region"() ({
      %run_scoped3A_129 = tpu.sem_alloc : memref<!tpu.dma_semaphore, #tpu.memory_space<semaphore_mem>>
      %dma_start3A_130 = arith.constant 0 : i32
      %dma_start3A_131 = tpu.memref_slice %arg9[%run_scoped3A_122, %arg0, %mul3A_2, %dma_start3A_130] : memref<3x2x10000x128xf32, #tpu.memory_space<hbm>> -> memref<1x1x624x128xf32, #tpu.memory_space<hbm>>
      %dma_start3A_132 = tpu.memref_squeeze %dma_start3A_131 : memref<1x1x624x128xf32, #tpu.memory_space<hbm>> -> memref<624x128xf32, #tpu.memory_space<hbm>>
      %dma_start3A_133 = arith.constant 0 : i32
      %dma_start3A_134 = tpu.memref_slice %arg19[%mul3A_2, %dma_start3A_133] : memref<10000x128xf32, #tpu.memory_space<vmem_shared>> -> memref<624x128xf32, #tpu.memory_space<vmem_shared>>
      tpu.enqueue_dma source(%dma_start3A_134 : memref<624x128xf32, #tpu.memory_space<vmem_shared>>) target(%dma_start3A_132 : memref<624x128xf32, #tpu.memory_space<hbm>>) target_semaphore(%run_scoped3A_129 : memref<!tpu.dma_semaphore, #tpu.memory_space<semaphore_mem>>)
      %dma_wait3A_135 = arith.constant 0 : i32
      %dma_wait3A_136 = tpu.memref_slice %arg9[%run_scoped3A_122, %arg0, %mul3A_2, %dma_wait3A_135] : memref<3x2x10000x128xf32, #tpu.memory_space<hbm>> -> memref<1x1x624x128xf32, #tpu.memory_space<hbm>>
      %dma_wait3A_137 = tpu.memref_squeeze %dma_wait3A_136 : memref<1x1x624x128xf32, #tpu.memory_space<hbm>> -> memref<624x128xf32, #tpu.memory_space<hbm>>
      %dma_wait3A_138 = arith.constant 0 : i32
      %dma_wait3A_139 = tpu.memref_slice %arg19[%mul3A_2, %dma_wait3A_138] : memref<10000x128xf32, #tpu.memory_space<vmem_shared>> -> memref<624x128xf32, #tpu.memory_space<vmem_shared>>
      tpu.wait_dma2 semaphore(%run_scoped3A_129 : memref<!tpu.dma_semaphore, #tpu.memory_space<semaphore_mem>>) src(%dma_wait3A_139 : memref<624x128xf32, #tpu.memory_space<vmem_shared>>) dst(%dma_wait3A_137 : memref<624x128xf32, #tpu.memory_space<hbm>>)
      tpu.yield
    }) : () -> ()
    %eq3A_123 = arith.constant 15 : i32
    %eq3A_124 = arith.cmpi eq, %arg1, %eq3A_123 : i32
    %convert_element_type3A_125 = arith.extui %eq3A_124 : i1 to i32
    %cond3A_126 = arith.constant 0 : i32
    %cond3A_127 = arith.cmpi ne, %convert_element_type3A_125, %cond3A_126 : i32
    scf.if %cond3A_127 {
      %run_scoped3A_129 = arith.constant 2 : i32
      "tpu.region"() ({
        %run_scoped3A_130 = tpu.sem_alloc : memref<!tpu.dma_semaphore, #tpu.memory_space<semaphore_mem>>
        %dma_start3A_131 = arith.constant 9984 : i32
        %dma_start3A_132 = arith.constant 0 : i32
        %dma_start3A_133 = tpu.memref_slice %arg9[%run_scoped3A_129, %arg0, %dma_start3A_131, %dma_start3A_132] : memref<3x2x10000x128xf32, #tpu.memory_space<hbm>> -> memref<1x1x16x128xf32, #tpu.memory_space<hbm>>
        %dma_start3A_134 = tpu.memref_squeeze %dma_start3A_133 : memref<1x1x16x128xf32, #tpu.memory_space<hbm>> -> memref<16x128xf32, #tpu.memory_space<hbm>>
        %dma_start3A_135 = arith.constant 9984 : i32
        %dma_start3A_136 = arith.constant 0 : i32
        %dma_start3A_137 = tpu.memref_slice %arg19[%dma_start3A_135, %dma_start3A_136] : memref<10000x128xf32, #tpu.memory_space<vmem_shared>> -> memref<16x128xf32, #tpu.memory_space<vmem_shared>>
        tpu.enqueue_dma source(%dma_start3A_137 : memref<16x128xf32, #tpu.memory_space<vmem_shared>>) target(%dma_start3A_134 : memref<16x128xf32, #tpu.memory_space<hbm>>) target_semaphore(%run_scoped3A_130 : memref<!tpu.dma_semaphore, #tpu.memory_space<semaphore_mem>>)
        %dma_wait3A_138 = arith.constant 9984 : i32
        %dma_wait3A_139 = arith.constant 0 : i32
        %dma_wait3A_140 = tpu.memref_slice %arg9[%run_scoped3A_129, %arg0, %dma_wait3A_138, %dma_wait3A_139] : memref<3x2x10000x128xf32, #tpu.memory_space<hbm>> -> memref<1x1x16x128xf32, #tpu.memory_space<hbm>>
        %dma_wait3A_141 = tpu.memref_squeeze %dma_wait3A_140 : memref<1x1x16x128xf32, #tpu.memory_space<hbm>> -> memref<16x128xf32, #tpu.memory_space<hbm>>
        %dma_wait3A_142 = arith.constant 9984 : i32
        %dma_wait3A_143 = arith.constant 0 : i32
        %dma_wait3A_144 = tpu.memref_slice %arg19[%dma_wait3A_142, %dma_wait3A_143] : memref<10000x128xf32, #tpu.memory_space<vmem_shared>> -> memref<16x128xf32, #tpu.memory_space<vmem_shared>>
        tpu.wait_dma2 semaphore(%run_scoped3A_130 : memref<!tpu.dma_semaphore, #tpu.memory_space<semaphore_mem>>) src(%dma_wait3A_144 : memref<16x128xf32, #tpu.memory_space<vmem_shared>>) dst(%dma_wait3A_141 : memref<16x128xf32, #tpu.memory_space<hbm>>)
        tpu.yield
      }) : () -> ()
    } else {
    }
    %barrier3A_128 = arith.constant 0 : index
    tpu.barrier barrier_id(%barrier3A_128)
    return
  }
}

module attributes {stable_mosaic.version = 14 : i64} {
  func.func @_k1_body(%arg0: i32, %arg1: memref<3x256xf32, #tpu.memory_space<vmem>>, %arg2: memref<3x2x1000x128xf32, #tpu.memory_space<vmem>>, %arg3: memref<256x256xf32, #tpu.memory_space<vmem>>, %arg4: memref<256x256xf32, #tpu.memory_space<vmem>>, %arg5: memref<256x256xf32, #tpu.memory_space<vmem>>, %arg6: memref<3x256xf32, #tpu.memory_space<vmem>>, %arg7: memref<128x256xf32, #tpu.memory_space<vmem>>, %arg8: memref<1x128xf32, #tpu.memory_space<vmem>>, %arg9: memref<1x128xf32, #tpu.memory_space<vmem>>, %arg10: memref<3x1000x256xf32, #tpu.memory_space<vmem>>, %arg11: memref<1000x3xf32, #tpu.memory_space<vmem>>) attributes {dimension_semantics = [#tpu.dimension_semantics<arbitrary>], iteration_bounds = array<i64: 10>, scalar_prefetch = 0 : i64, scratch_operands = 0 : i64, tpu.core_type = #tpu.core_type<tc>, window_params = [{pipeline_mode = #tpu.pipeline_mode<synchronous>, transform_indices = @transform_0, window_bounds = array<i64: 3, 256>}, {transform_indices = @transform_1, window_bounds = array<i64: 3, 2, 1000, 128>}, {pipeline_mode = #tpu.pipeline_mode<synchronous>, transform_indices = @transform_2, window_bounds = array<i64: 256, 256>}, {pipeline_mode = #tpu.pipeline_mode<synchronous>, transform_indices = @transform_3, window_bounds = array<i64: 256, 256>}, {pipeline_mode = #tpu.pipeline_mode<synchronous>, transform_indices = @transform_4, window_bounds = array<i64: 256, 256>}, {pipeline_mode = #tpu.pipeline_mode<synchronous>, transform_indices = @transform_5, window_bounds = array<i64: 3, 256>}, {pipeline_mode = #tpu.pipeline_mode<synchronous>, transform_indices = @transform_6, window_bounds = array<i64: 128, 256>}, {pipeline_mode = #tpu.pipeline_mode<synchronous>, transform_indices = @transform_7, window_bounds = array<i64: 1, 128>}, {pipeline_mode = #tpu.pipeline_mode<synchronous>, transform_indices = @transform_8, window_bounds = array<i64: 1, 128>}, {transform_indices = @transform_9, window_bounds = array<i64: 3, 1000, 256>}, {transform_indices = @transform_10, window_bounds = array<i64: 1000, 3>}]} {
    %get3A = arith.constant 0 : index
    %get3A_0 = arith.constant 0 : index
    %get3A_1 = vector.load %arg1[%get3A, %get3A_0] : memref<3x256xf32, #tpu.memory_space<vmem>>, vector<3x256xf32>
    %slice3A = vector.extract_strided_slice %get3A_1 {offsets = [0, 0], sizes = [3, 128], strides = [1, 1]} : vector<3x256xf32> to vector<3x128xf32>
    %slice3A_2 = vector.extract_strided_slice %get3A_1 {offsets = [0, 128], sizes = [3, 128], strides = [1, 1]} : vector<3x256xf32> to vector<3x128xf32>
    %mul3A = arith.mulf %slice3A, %slice3A : vector<3x128xf32>
    %mul3A_3 = arith.mulf %slice3A_2, %slice3A_2 : vector<3x128xf32>
    %add3A = arith.addf %mul3A, %mul3A_3 : vector<3x128xf32>
    %sqrt3A = math.sqrt %add3A : vector<3x128xf32>
    %max3A = arith.constant 9.99999996E-13 : f32
    %max3A_4 = vector.broadcast %max3A : f32 to vector<3x128xf32>
    %max3A_5 = arith.maximumf %sqrt3A, %max3A_4 : vector<3x128xf32>
    %div3A = arith.divf %slice3A, %max3A_5 : vector<3x128xf32>
    %div3A_6 = arith.divf %slice3A_2, %max3A_5 : vector<3x128xf32>
    %neg3A = arith.constant 0.000000e+00 : f32
    %neg3A_7 = vector.broadcast %neg3A : f32 to vector<3x128xf32>
    %neg3A_8 = arith.subf %neg3A_7, %div3A_6 : vector<3x128xf32>
    %mul3A_9 = arith.mulf %div3A_6, %div3A : vector<3x128xf32>
    %mul3A_10 = arith.mulf %div3A_6, %div3A_6 : vector<3x128xf32>
    %sub3A = arith.subf %div3A, %mul3A_10 : vector<3x128xf32>
    %broadcast_in_dim3A = arith.constant 1.000000e+00 : f32
    %broadcast_in_dim3A_11 = vector.broadcast %broadcast_in_dim3A : f32 to vector<128xf32>
    %broadcast_in_dim3A_12 = arith.constant 0.000000e+00 : f32
    %broadcast_in_dim3A_13 = vector.broadcast %broadcast_in_dim3A_12 : f32 to vector<128xf32>
    %broadcast_in_dim3A_14 = arith.constant 0.000000e+00 : f32
    %broadcast_in_dim3A_15 = vector.broadcast %broadcast_in_dim3A_14 : f32 to vector<128xf32>
    %broadcast_in_dim3A_16 = arith.constant 1.000000e+00 : f32
    %broadcast_in_dim3A_17 = vector.broadcast %broadcast_in_dim3A_16 : f32 to vector<128xf32>
    %slice3A_18 = vector.extract_strided_slice %div3A {offsets = [0, 0], sizes = [1, 128], strides = [1, 1]} : vector<3x128xf32> to vector<1x128xf32>
    %squeeze3A = vector.shape_cast %slice3A_18 : vector<1x128xf32> to vector<128xf32>
    %mul3A_19 = arith.mulf %squeeze3A, %broadcast_in_dim3A_11 : vector<128xf32>
    %slice3A_20 = vector.extract_strided_slice %neg3A_8 {offsets = [0, 0], sizes = [1, 128], strides = [1, 1]} : vector<3x128xf32> to vector<1x128xf32>
    %squeeze3A_21 = vector.shape_cast %slice3A_20 : vector<1x128xf32> to vector<128xf32>
    %mul3A_22 = arith.mulf %squeeze3A_21, %broadcast_in_dim3A_15 : vector<128xf32>
    %add3A_23 = arith.addf %mul3A_19, %mul3A_22 : vector<128xf32>
    %slice3A_24 = vector.extract_strided_slice %div3A {offsets = [0, 0], sizes = [1, 128], strides = [1, 1]} : vector<3x128xf32> to vector<1x128xf32>
    %squeeze3A_25 = vector.shape_cast %slice3A_24 : vector<1x128xf32> to vector<128xf32>
    %mul3A_26 = arith.mulf %squeeze3A_25, %broadcast_in_dim3A_13 : vector<128xf32>
    %slice3A_27 = vector.extract_strided_slice %neg3A_8 {offsets = [0, 0], sizes = [1, 128], strides = [1, 1]} : vector<3x128xf32> to vector<1x128xf32>
    %squeeze3A_28 = vector.shape_cast %slice3A_27 : vector<1x128xf32> to vector<128xf32>
    %mul3A_29 = arith.mulf %squeeze3A_28, %broadcast_in_dim3A_17 : vector<128xf32>
    %add3A_30 = arith.addf %mul3A_26, %mul3A_29 : vector<128xf32>
    %slice3A_31 = vector.extract_strided_slice %mul3A_9 {offsets = [0, 0], sizes = [1, 128], strides = [1, 1]} : vector<3x128xf32> to vector<1x128xf32>
    %squeeze3A_32 = vector.shape_cast %slice3A_31 : vector<1x128xf32> to vector<128xf32>
    %mul3A_33 = arith.mulf %squeeze3A_32, %broadcast_in_dim3A_11 : vector<128xf32>
    %slice3A_34 = vector.extract_strided_slice %sub3A {offsets = [0, 0], sizes = [1, 128], strides = [1, 1]} : vector<3x128xf32> to vector<1x128xf32>
    %squeeze3A_35 = vector.shape_cast %slice3A_34 : vector<1x128xf32> to vector<128xf32>
    %mul3A_36 = arith.mulf %squeeze3A_35, %broadcast_in_dim3A_15 : vector<128xf32>
    %add3A_37 = arith.addf %mul3A_33, %mul3A_36 : vector<128xf32>
    %slice3A_38 = vector.extract_strided_slice %mul3A_9 {offsets = [0, 0], sizes = [1, 128], strides = [1, 1]} : vector<3x128xf32> to vector<1x128xf32>
    %squeeze3A_39 = vector.shape_cast %slice3A_38 : vector<1x128xf32> to vector<128xf32>
    %mul3A_40 = arith.mulf %squeeze3A_39, %broadcast_in_dim3A_13 : vector<128xf32>
    %slice3A_41 = vector.extract_strided_slice %sub3A {offsets = [0, 0], sizes = [1, 128], strides = [1, 1]} : vector<3x128xf32> to vector<1x128xf32>
    %squeeze3A_42 = vector.shape_cast %slice3A_41 : vector<1x128xf32> to vector<128xf32>
    %mul3A_43 = arith.mulf %squeeze3A_42, %broadcast_in_dim3A_17 : vector<128xf32>
    %add3A_44 = arith.addf %mul3A_40, %mul3A_43 : vector<128xf32>
    %broadcast_in_dim3A_45 = arith.constant 1.000000e+00 : f32
    %broadcast_in_dim3A_46 = vector.broadcast %broadcast_in_dim3A_45 : f32 to vector<128xf32>
    %broadcast_in_dim3A_47 = arith.constant 0.000000e+00 : f32
    %broadcast_in_dim3A_48 = vector.broadcast %broadcast_in_dim3A_47 : f32 to vector<128xf32>
    %broadcast_in_dim3A_49 = arith.constant 0.000000e+00 : f32
    %broadcast_in_dim3A_50 = vector.broadcast %broadcast_in_dim3A_49 : f32 to vector<128xf32>
    %broadcast_in_dim3A_51 = arith.constant 1.000000e+00 : f32
    %broadcast_in_dim3A_52 = vector.broadcast %broadcast_in_dim3A_51 : f32 to vector<128xf32>
    %slice3A_53 = vector.extract_strided_slice %div3A {offsets = [0, 0], sizes = [1, 128], strides = [1, 1]} : vector<3x128xf32> to vector<1x128xf32>
    %squeeze3A_54 = vector.shape_cast %slice3A_53 : vector<1x128xf32> to vector<128xf32>
    %mul3A_55 = arith.mulf %squeeze3A_54, %broadcast_in_dim3A_46 : vector<128xf32>
    %slice3A_56 = vector.extract_strided_slice %neg3A_8 {offsets = [0, 0], sizes = [1, 128], strides = [1, 1]} : vector<3x128xf32> to vector<1x128xf32>
    %squeeze3A_57 = vector.shape_cast %slice3A_56 : vector<1x128xf32> to vector<128xf32>
    %mul3A_58 = arith.mulf %squeeze3A_57, %broadcast_in_dim3A_50 : vector<128xf32>
    %add3A_59 = arith.addf %mul3A_55, %mul3A_58 : vector<128xf32>
    %slice3A_60 = vector.extract_strided_slice %div3A {offsets = [0, 0], sizes = [1, 128], strides = [1, 1]} : vector<3x128xf32> to vector<1x128xf32>
    %squeeze3A_61 = vector.shape_cast %slice3A_60 : vector<1x128xf32> to vector<128xf32>
    %mul3A_62 = arith.mulf %squeeze3A_61, %broadcast_in_dim3A_48 : vector<128xf32>
    %slice3A_63 = vector.extract_strided_slice %neg3A_8 {offsets = [0, 0], sizes = [1, 128], strides = [1, 1]} : vector<3x128xf32> to vector<1x128xf32>
    %squeeze3A_64 = vector.shape_cast %slice3A_63 : vector<1x128xf32> to vector<128xf32>
    %mul3A_65 = arith.mulf %squeeze3A_64, %broadcast_in_dim3A_52 : vector<128xf32>
    %add3A_66 = arith.addf %mul3A_62, %mul3A_65 : vector<128xf32>
    %slice3A_67 = vector.extract_strided_slice %mul3A_9 {offsets = [0, 0], sizes = [1, 128], strides = [1, 1]} : vector<3x128xf32> to vector<1x128xf32>
    %squeeze3A_68 = vector.shape_cast %slice3A_67 : vector<1x128xf32> to vector<128xf32>
    %mul3A_69 = arith.mulf %squeeze3A_68, %broadcast_in_dim3A_46 : vector<128xf32>
    %slice3A_70 = vector.extract_strided_slice %sub3A {offsets = [0, 0], sizes = [1, 128], strides = [1, 1]} : vector<3x128xf32> to vector<1x128xf32>
    %squeeze3A_71 = vector.shape_cast %slice3A_70 : vector<1x128xf32> to vector<128xf32>
    %mul3A_72 = arith.mulf %squeeze3A_71, %broadcast_in_dim3A_50 : vector<128xf32>
    %add3A_73 = arith.addf %mul3A_69, %mul3A_72 : vector<128xf32>
    %slice3A_74 = vector.extract_strided_slice %mul3A_9 {offsets = [0, 0], sizes = [1, 128], strides = [1, 1]} : vector<3x128xf32> to vector<1x128xf32>
    %squeeze3A_75 = vector.shape_cast %slice3A_74 : vector<1x128xf32> to vector<128xf32>
    %mul3A_76 = arith.mulf %squeeze3A_75, %broadcast_in_dim3A_48 : vector<128xf32>
    %slice3A_77 = vector.extract_strided_slice %sub3A {offsets = [0, 0], sizes = [1, 128], strides = [1, 1]} : vector<3x128xf32> to vector<1x128xf32>
    %squeeze3A_78 = vector.shape_cast %slice3A_77 : vector<1x128xf32> to vector<128xf32>
    %mul3A_79 = arith.mulf %squeeze3A_78, %broadcast_in_dim3A_52 : vector<128xf32>
    %add3A_80 = arith.addf %mul3A_76, %mul3A_79 : vector<128xf32>
    %slice3A_81 = vector.extract_strided_slice %div3A {offsets = [1, 0], sizes = [1, 128], strides = [1, 1]} : vector<3x128xf32> to vector<1x128xf32>
    %squeeze3A_82 = vector.shape_cast %slice3A_81 : vector<1x128xf32> to vector<128xf32>
    %mul3A_83 = arith.mulf %squeeze3A_82, %add3A_59 : vector<128xf32>
    %slice3A_84 = vector.extract_strided_slice %neg3A_8 {offsets = [1, 0], sizes = [1, 128], strides = [1, 1]} : vector<3x128xf32> to vector<1x128xf32>
    %squeeze3A_85 = vector.shape_cast %slice3A_84 : vector<1x128xf32> to vector<128xf32>
    %mul3A_86 = arith.mulf %squeeze3A_85, %add3A_73 : vector<128xf32>
    %add3A_87 = arith.addf %mul3A_83, %mul3A_86 : vector<128xf32>
    %slice3A_88 = vector.extract_strided_slice %div3A {offsets = [1, 0], sizes = [1, 128], strides = [1, 1]} : vector<3x128xf32> to vector<1x128xf32>
    %squeeze3A_89 = vector.shape_cast %slice3A_88 : vector<1x128xf32> to vector<128xf32>
    %mul3A_90 = arith.mulf %squeeze3A_89, %add3A_66 : vector<128xf32>
    %slice3A_91 = vector.extract_strided_slice %neg3A_8 {offsets = [1, 0], sizes = [1, 128], strides = [1, 1]} : vector<3x128xf32> to vector<1x128xf32>
    %squeeze3A_92 = vector.shape_cast %slice3A_91 : vector<1x128xf32> to vector<128xf32>
    %mul3A_93 = arith.mulf %squeeze3A_92, %add3A_80 : vector<128xf32>
    %add3A_94 = arith.addf %mul3A_90, %mul3A_93 : vector<128xf32>
    %slice3A_95 = vector.extract_strided_slice %mul3A_9 {offsets = [1, 0], sizes = [1, 128], strides = [1, 1]} : vector<3x128xf32> to vector<1x128xf32>
    %squeeze3A_96 = vector.shape_cast %slice3A_95 : vector<1x128xf32> to vector<128xf32>
    %mul3A_97 = arith.mulf %squeeze3A_96, %add3A_59 : vector<128xf32>
    %slice3A_98 = vector.extract_strided_slice %sub3A {offsets = [1, 0], sizes = [1, 128], strides = [1, 1]} : vector<3x128xf32> to vector<1x128xf32>
    %squeeze3A_99 = vector.shape_cast %slice3A_98 : vector<1x128xf32> to vector<128xf32>
    %mul3A_100 = arith.mulf %squeeze3A_99, %add3A_73 : vector<128xf32>
    %add3A_101 = arith.addf %mul3A_97, %mul3A_100 : vector<128xf32>
    %slice3A_102 = vector.extract_strided_slice %mul3A_9 {offsets = [1, 0], sizes = [1, 128], strides = [1, 1]} : vector<3x128xf32> to vector<1x128xf32>
    %squeeze3A_103 = vector.shape_cast %slice3A_102 : vector<1x128xf32> to vector<128xf32>
    %mul3A_104 = arith.mulf %squeeze3A_103, %add3A_66 : vector<128xf32>
    %slice3A_105 = vector.extract_strided_slice %sub3A {offsets = [1, 0], sizes = [1, 128], strides = [1, 1]} : vector<3x128xf32> to vector<1x128xf32>
    %squeeze3A_106 = vector.shape_cast %slice3A_105 : vector<1x128xf32> to vector<128xf32>
    %mul3A_107 = arith.mulf %squeeze3A_106, %add3A_80 : vector<128xf32>
    %add3A_108 = arith.addf %mul3A_104, %mul3A_107 : vector<128xf32>
    %broadcast_in_dim3A_109 = arith.constant 1.000000e+00 : f32
    %broadcast_in_dim3A_110 = vector.broadcast %broadcast_in_dim3A_109 : f32 to vector<128xf32>
    %broadcast_in_dim3A_111 = arith.constant 0.000000e+00 : f32
    %broadcast_in_dim3A_112 = vector.broadcast %broadcast_in_dim3A_111 : f32 to vector<128xf32>
    %broadcast_in_dim3A_113 = arith.constant 0.000000e+00 : f32
    %broadcast_in_dim3A_114 = vector.broadcast %broadcast_in_dim3A_113 : f32 to vector<128xf32>
    %broadcast_in_dim3A_115 = arith.constant 1.000000e+00 : f32
    %broadcast_in_dim3A_116 = vector.broadcast %broadcast_in_dim3A_115 : f32 to vector<128xf32>
    %slice3A_117 = vector.extract_strided_slice %div3A {offsets = [0, 0], sizes = [1, 128], strides = [1, 1]} : vector<3x128xf32> to vector<1x128xf32>
    %squeeze3A_118 = vector.shape_cast %slice3A_117 : vector<1x128xf32> to vector<128xf32>
    %mul3A_119 = arith.mulf %squeeze3A_118, %broadcast_in_dim3A_110 : vector<128xf32>
    %slice3A_120 = vector.extract_strided_slice %neg3A_8 {offsets = [0, 0], sizes = [1, 128], strides = [1, 1]} : vector<3x128xf32> to vector<1x128xf32>
    %squeeze3A_121 = vector.shape_cast %slice3A_120 : vector<1x128xf32> to vector<128xf32>
    %mul3A_122 = arith.mulf %squeeze3A_121, %broadcast_in_dim3A_114 : vector<128xf32>
    %add3A_123 = arith.addf %mul3A_119, %mul3A_122 : vector<128xf32>
    %slice3A_124 = vector.extract_strided_slice %div3A {offsets = [0, 0], sizes = [1, 128], strides = [1, 1]} : vector<3x128xf32> to vector<1x128xf32>
    %squeeze3A_125 = vector.shape_cast %slice3A_124 : vector<1x128xf32> to vector<128xf32>
    %mul3A_126 = arith.mulf %squeeze3A_125, %broadcast_in_dim3A_112 : vector<128xf32>
    %slice3A_127 = vector.extract_strided_slice %neg3A_8 {offsets = [0, 0], sizes = [1, 128], strides = [1, 1]} : vector<3x128xf32> to vector<1x128xf32>
    %squeeze3A_128 = vector.shape_cast %slice3A_127 : vector<1x128xf32> to vector<128xf32>
    %mul3A_129 = arith.mulf %squeeze3A_128, %broadcast_in_dim3A_116 : vector<128xf32>
    %add3A_130 = arith.addf %mul3A_126, %mul3A_129 : vector<128xf32>
    %slice3A_131 = vector.extract_strided_slice %mul3A_9 {offsets = [0, 0], sizes = [1, 128], strides = [1, 1]} : vector<3x128xf32> to vector<1x128xf32>
    %squeeze3A_132 = vector.shape_cast %slice3A_131 : vector<1x128xf32> to vector<128xf32>
    %mul3A_133 = arith.mulf %squeeze3A_132, %broadcast_in_dim3A_110 : vector<128xf32>
    %slice3A_134 = vector.extract_strided_slice %sub3A {offsets = [0, 0], sizes = [1, 128], strides = [1, 1]} : vector<3x128xf32> to vector<1x128xf32>
    %squeeze3A_135 = vector.shape_cast %slice3A_134 : vector<1x128xf32> to vector<128xf32>
    %mul3A_136 = arith.mulf %squeeze3A_135, %broadcast_in_dim3A_114 : vector<128xf32>
    %add3A_137 = arith.addf %mul3A_133, %mul3A_136 : vector<128xf32>
    %slice3A_138 = vector.extract_strided_slice %mul3A_9 {offsets = [0, 0], sizes = [1, 128], strides = [1, 1]} : vector<3x128xf32> to vector<1x128xf32>
    %squeeze3A_139 = vector.shape_cast %slice3A_138 : vector<1x128xf32> to vector<128xf32>
    %mul3A_140 = arith.mulf %squeeze3A_139, %broadcast_in_dim3A_112 : vector<128xf32>
    %slice3A_141 = vector.extract_strided_slice %sub3A {offsets = [0, 0], sizes = [1, 128], strides = [1, 1]} : vector<3x128xf32> to vector<1x128xf32>
    %squeeze3A_142 = vector.shape_cast %slice3A_141 : vector<1x128xf32> to vector<128xf32>
    %mul3A_143 = arith.mulf %squeeze3A_142, %broadcast_in_dim3A_116 : vector<128xf32>
    %add3A_144 = arith.addf %mul3A_140, %mul3A_143 : vector<128xf32>
    %slice3A_145 = vector.extract_strided_slice %div3A {offsets = [1, 0], sizes = [1, 128], strides = [1, 1]} : vector<3x128xf32> to vector<1x128xf32>
    %squeeze3A_146 = vector.shape_cast %slice3A_145 : vector<1x128xf32> to vector<128xf32>
    %mul3A_147 = arith.mulf %squeeze3A_146, %add3A_123 : vector<128xf32>
    %slice3A_148 = vector.extract_strided_slice %neg3A_8 {offsets = [1, 0], sizes = [1, 128], strides = [1, 1]} : vector<3x128xf32> to vector<1x128xf32>
    %squeeze3A_149 = vector.shape_cast %slice3A_148 : vector<1x128xf32> to vector<128xf32>
    %mul3A_150 = arith.mulf %squeeze3A_149, %add3A_137 : vector<128xf32>
    %add3A_151 = arith.addf %mul3A_147, %mul3A_150 : vector<128xf32>
    %slice3A_152 = vector.extract_strided_slice %div3A {offsets = [1, 0], sizes = [1, 128], strides = [1, 1]} : vector<3x128xf32> to vector<1x128xf32>
    %squeeze3A_153 = vector.shape_cast %slice3A_152 : vector<1x128xf32> to vector<128xf32>
    %mul3A_154 = arith.mulf %squeeze3A_153, %add3A_130 : vector<128xf32>
    %slice3A_155 = vector.extract_strided_slice %neg3A_8 {offsets = [1, 0], sizes = [1, 128], strides = [1, 1]} : vector<3x128xf32> to vector<1x128xf32>
    %squeeze3A_156 = vector.shape_cast %slice3A_155 : vector<1x128xf32> to vector<128xf32>
    %mul3A_157 = arith.mulf %squeeze3A_156, %add3A_144 : vector<128xf32>
    %add3A_158 = arith.addf %mul3A_154, %mul3A_157 : vector<128xf32>
    %slice3A_159 = vector.extract_strided_slice %mul3A_9 {offsets = [1, 0], sizes = [1, 128], strides = [1, 1]} : vector<3x128xf32> to vector<1x128xf32>
    %squeeze3A_160 = vector.shape_cast %slice3A_159 : vector<1x128xf32> to vector<128xf32>
    %mul3A_161 = arith.mulf %squeeze3A_160, %add3A_123 : vector<128xf32>
    %slice3A_162 = vector.extract_strided_slice %sub3A {offsets = [1, 0], sizes = [1, 128], strides = [1, 1]} : vector<3x128xf32> to vector<1x128xf32>
    %squeeze3A_163 = vector.shape_cast %slice3A_162 : vector<1x128xf32> to vector<128xf32>
    %mul3A_164 = arith.mulf %squeeze3A_163, %add3A_137 : vector<128xf32>
    %add3A_165 = arith.addf %mul3A_161, %mul3A_164 : vector<128xf32>
    %slice3A_166 = vector.extract_strided_slice %mul3A_9 {offsets = [1, 0], sizes = [1, 128], strides = [1, 1]} : vector<3x128xf32> to vector<1x128xf32>
    %squeeze3A_167 = vector.shape_cast %slice3A_166 : vector<1x128xf32> to vector<128xf32>
    %mul3A_168 = arith.mulf %squeeze3A_167, %add3A_130 : vector<128xf32>
    %slice3A_169 = vector.extract_strided_slice %sub3A {offsets = [1, 0], sizes = [1, 128], strides = [1, 1]} : vector<3x128xf32> to vector<1x128xf32>
    %squeeze3A_170 = vector.shape_cast %slice3A_169 : vector<1x128xf32> to vector<128xf32>
    %mul3A_171 = arith.mulf %squeeze3A_170, %add3A_144 : vector<128xf32>
    %add3A_172 = arith.addf %mul3A_168, %mul3A_171 : vector<128xf32>
    %slice3A_173 = vector.extract_strided_slice %div3A {offsets = [2, 0], sizes = [1, 128], strides = [1, 1]} : vector<3x128xf32> to vector<1x128xf32>
    %squeeze3A_174 = vector.shape_cast %slice3A_173 : vector<1x128xf32> to vector<128xf32>
    %mul3A_175 = arith.mulf %squeeze3A_174, %add3A_151 : vector<128xf32>
    %slice3A_176 = vector.extract_strided_slice %neg3A_8 {offsets = [2, 0], sizes = [1, 128], strides = [1, 1]} : vector<3x128xf32> to vector<1x128xf32>
    %squeeze3A_177 = vector.shape_cast %slice3A_176 : vector<1x128xf32> to vector<128xf32>
    %mul3A_178 = arith.mulf %squeeze3A_177, %add3A_165 : vector<128xf32>
    %add3A_179 = arith.addf %mul3A_175, %mul3A_178 : vector<128xf32>
    %slice3A_180 = vector.extract_strided_slice %div3A {offsets = [2, 0], sizes = [1, 128], strides = [1, 1]} : vector<3x128xf32> to vector<1x128xf32>
    %squeeze3A_181 = vector.shape_cast %slice3A_180 : vector<1x128xf32> to vector<128xf32>
    %mul3A_182 = arith.mulf %squeeze3A_181, %add3A_158 : vector<128xf32>
    %slice3A_183 = vector.extract_strided_slice %neg3A_8 {offsets = [2, 0], sizes = [1, 128], strides = [1, 1]} : vector<3x128xf32> to vector<1x128xf32>
    %squeeze3A_184 = vector.shape_cast %slice3A_183 : vector<1x128xf32> to vector<128xf32>
    %mul3A_185 = arith.mulf %squeeze3A_184, %add3A_172 : vector<128xf32>
    %add3A_186 = arith.addf %mul3A_182, %mul3A_185 : vector<128xf32>
    %slice3A_187 = vector.extract_strided_slice %mul3A_9 {offsets = [2, 0], sizes = [1, 128], strides = [1, 1]} : vector<3x128xf32> to vector<1x128xf32>
    %squeeze3A_188 = vector.shape_cast %slice3A_187 : vector<1x128xf32> to vector<128xf32>
    %mul3A_189 = arith.mulf %squeeze3A_188, %add3A_151 : vector<128xf32>
    %slice3A_190 = vector.extract_strided_slice %sub3A {offsets = [2, 0], sizes = [1, 128], strides = [1, 1]} : vector<3x128xf32> to vector<1x128xf32>
    %squeeze3A_191 = vector.shape_cast %slice3A_190 : vector<1x128xf32> to vector<128xf32>
    %mul3A_192 = arith.mulf %squeeze3A_191, %add3A_165 : vector<128xf32>
    %add3A_193 = arith.addf %mul3A_189, %mul3A_192 : vector<128xf32>
    %slice3A_194 = vector.extract_strided_slice %mul3A_9 {offsets = [2, 0], sizes = [1, 128], strides = [1, 1]} : vector<3x128xf32> to vector<1x128xf32>
    %squeeze3A_195 = vector.shape_cast %slice3A_194 : vector<1x128xf32> to vector<128xf32>
    %mul3A_196 = arith.mulf %squeeze3A_195, %add3A_158 : vector<128xf32>
    %slice3A_197 = vector.extract_strided_slice %sub3A {offsets = [2, 0], sizes = [1, 128], strides = [1, 1]} : vector<3x128xf32> to vector<1x128xf32>
    %squeeze3A_198 = vector.shape_cast %slice3A_197 : vector<1x128xf32> to vector<128xf32>
    %mul3A_199 = arith.mulf %squeeze3A_198, %add3A_172 : vector<128xf32>
    %add3A_200 = arith.addf %mul3A_196, %mul3A_199 : vector<128xf32>
    %get3A_201 = arith.constant 0 : index
    %get3A_202 = arith.constant 0 : index
    %get3A_203 = arith.constant 0 : index
    %get3A_204 = arith.constant 0 : index
    %get3A_205 = vector.load %arg2[%get3A_201, %get3A_202, %get3A_203, %get3A_204] : memref<3x2x1000x128xf32, #tpu.memory_space<vmem>>, vector<1x1x1000x128xf32>
    %get3A_206 = vector.shape_cast %get3A_205 : vector<1x1x1000x128xf32> to vector<1000x128xf32>
    %get3A_207 = arith.constant 0 : index
    %get3A_208 = arith.constant 1 : index
    %get3A_209 = arith.constant 0 : index
    %get3A_210 = arith.constant 0 : index
    %get3A_211 = vector.load %arg2[%get3A_207, %get3A_208, %get3A_209, %get3A_210] : memref<3x2x1000x128xf32, #tpu.memory_space<vmem>>, vector<1x1x1000x128xf32>
    %get3A_212 = vector.shape_cast %get3A_211 : vector<1x1x1000x128xf32> to vector<1000x128xf32>
    %broadcast_in_dim3A_213 = vector.shape_cast %add3A_23 : vector<128xf32> to vector<1x128xf32>
    %mul3A_214 = vector.broadcast %broadcast_in_dim3A_213 : vector<1x128xf32> to vector<1000x128xf32>
    %mul3A_215 = arith.mulf %get3A_206, %mul3A_214 : vector<1000x128xf32>
    %broadcast_in_dim3A_216 = vector.shape_cast %add3A_30 : vector<128xf32> to vector<1x128xf32>
    %mul3A_217 = vector.broadcast %broadcast_in_dim3A_216 : vector<1x128xf32> to vector<1000x128xf32>
    %mul3A_218 = arith.mulf %get3A_212, %mul3A_217 : vector<1000x128xf32>
    %add3A_219 = arith.addf %mul3A_215, %mul3A_218 : vector<1000x128xf32>
    %broadcast_in_dim3A_220 = vector.shape_cast %add3A_37 : vector<128xf32> to vector<1x128xf32>
    %mul3A_221 = vector.broadcast %broadcast_in_dim3A_220 : vector<1x128xf32> to vector<1000x128xf32>
    %mul3A_222 = arith.mulf %get3A_206, %mul3A_221 : vector<1000x128xf32>
    %broadcast_in_dim3A_223 = vector.shape_cast %add3A_44 : vector<128xf32> to vector<1x128xf32>
    %mul3A_224 = vector.broadcast %broadcast_in_dim3A_223 : vector<1x128xf32> to vector<1000x128xf32>
    %mul3A_225 = arith.mulf %get3A_212, %mul3A_224 : vector<1000x128xf32>
    %add3A_226 = arith.addf %mul3A_222, %mul3A_225 : vector<1000x128xf32>
    %get3A_227 = arith.constant 0 : index
    %get3A_228 = arith.constant 0 : index
    %get3A_229 = vector.load %arg3[%get3A_227, %get3A_228] : memref<256x256xf32, #tpu.memory_space<vmem>>, vector<256x256xf32>
    %slice3A_230 = vector.extract_strided_slice %get3A_229 {offsets = [0, 0], sizes = [256, 128], strides = [1, 1]} : vector<256x256xf32> to vector<256x128xf32>
    %dot_general3A = arith.constant dense<0.000000e+00> : vector<1000x256xf32>
    %dot_general3A_231 = tpu.matmul %add3A_219, %slice3A_230, %dot_general3A {dimension_numbers = #tpu.dot_dimension_numbers<[1], [1], [0], [0], [0, 0, 1, 0], [], []>, transpose_lhs_hint = false} : vector<1000x128xf32>, vector<256x128xf32>, vector<1000x256xf32> -> vector<1000x256xf32>
    %slice3A_232 = vector.extract_strided_slice %get3A_229 {offsets = [0, 128], sizes = [256, 128], strides = [1, 1]} : vector<256x256xf32> to vector<256x128xf32>
    %dot_general3A_233 = arith.constant dense<0.000000e+00> : vector<1000x256xf32>
    %dot_general3A_234 = tpu.matmul %add3A_226, %slice3A_232, %dot_general3A_233 {dimension_numbers = #tpu.dot_dimension_numbers<[1], [1], [0], [0], [0, 0, 1, 0], [], []>, transpose_lhs_hint = false} : vector<1000x128xf32>, vector<256x128xf32>, vector<1000x256xf32> -> vector<1000x256xf32>
    %add3A_235 = arith.addf %dot_general3A_231, %dot_general3A_234 : vector<1000x256xf32>
    %get3A_236 = arith.constant 0 : index
    %get3A_237 = arith.constant 0 : index
    %get3A_238 = vector.load %arg6[%get3A_236, %get3A_237] : memref<3x256xf32, #tpu.memory_space<vmem>>, vector<1x256xf32>
    %get3A_239 = vector.shape_cast %get3A_238 : vector<1x256xf32> to vector<256xf32>
    %broadcast_in_dim3A_240 = vector.shape_cast %get3A_239 : vector<256xf32> to vector<1x256xf32>
    %add3A_241 = vector.broadcast %broadcast_in_dim3A_240 : vector<1x256xf32> to vector<1000x256xf32>
    %add3A_242 = arith.addf %add3A_235, %add3A_241 : vector<1000x256xf32>
    %gt3A = arith.constant 0.000000e+00 : f32
    %gt3A_243 = vector.broadcast %gt3A : f32 to vector<1000x256xf32>
    %gt3A_244 = arith.cmpf ogt, %add3A_242, %gt3A_243 : vector<1000x256xf32>
    %min3A = arith.constant 0.000000e+00 : f32
    %min3A_245 = vector.broadcast %min3A : f32 to vector<1000x256xf32>
    %min3A_246 = arith.minimumf %add3A_242, %min3A_245 : vector<1000x256xf32>
    %exp3A = math.exp %min3A_246 : vector<1000x256xf32>
    %sub3A_247 = arith.constant 1.000000e+00 : f32
    %sub3A_248 = vector.broadcast %sub3A_247 : f32 to vector<1000x256xf32>
    %sub3A_249 = arith.subf %exp3A, %sub3A_248 : vector<1000x256xf32>
    %select_n3A = arith.select %gt3A_244, %add3A_242, %sub3A_249 : vector<1000x256xi1>, vector<1000x256xf32>
    %swap3A = arith.constant 0 : index
    %swap3A_250 = arith.constant 0 : index
    %swap3A_251 = arith.constant 0 : index
    %swap3A_252 = vector.load %arg10[%swap3A, %swap3A_250, %swap3A_251] : memref<3x1000x256xf32, #tpu.memory_space<vmem>>, vector<1x1000x256xf32>
    %swap3A_253 = vector.shape_cast %swap3A_252 : vector<1x1000x256xf32> to vector<1000x256xf32>
    %swap3A_254 = vector.shape_cast %select_n3A : vector<1000x256xf32> to vector<1x1000x256xf32>
    tpu.vector_store %arg10[%swap3A, %swap3A_250, %swap3A_251], %swap3A_254 {strides = array<i32>} : memref<3x1000x256xf32, #tpu.memory_space<vmem>>, vector<1x1000x256xf32>,
    %get3A_255 = arith.constant 0 : index
    %get3A_256 = arith.constant 0 : index
    %get3A_257 = vector.load %arg7[%get3A_255, %get3A_256] : memref<128x256xf32, #tpu.memory_space<vmem>>, vector<128x256xf32>
    %dot_general3A_258 = arith.constant dense<0.000000e+00> : vector<1000x128xf32>
    %dot_general3A_259 = tpu.matmul %select_n3A, %get3A_257, %dot_general3A_258 {dimension_numbers = #tpu.dot_dimension_numbers<[1], [1], [0], [0], [0, 0, 1, 0], [], []>, transpose_lhs_hint = false} : vector<1000x256xf32>, vector<128x256xf32>, vector<1000x128xf32> -> vector<1000x128xf32>
    %get3A_260 = arith.constant 0 : index
    %get3A_261 = arith.constant 0 : index
    %get3A_262 = vector.load %arg8[%get3A_260, %get3A_261] : memref<1x128xf32, #tpu.memory_space<vmem>>, vector<1x128xf32>
    %get3A_263 = vector.shape_cast %get3A_262 : vector<1x128xf32> to vector<128xf32>
    %broadcast_in_dim3A_264 = vector.shape_cast %get3A_263 : vector<128xf32> to vector<1x128xf32>
    %add3A_265 = vector.broadcast %broadcast_in_dim3A_264 : vector<1x128xf32> to vector<1000x128xf32>
    %add3A_266 = arith.addf %dot_general3A_259, %add3A_265 : vector<1000x128xf32>
    %tanh3A = math.tanh %add3A_266 : vector<1000x128xf32>
    %get3A_267 = arith.constant 0 : index
    %get3A_268 = arith.constant 0 : index
    %get3A_269 = vector.load %arg9[%get3A_267, %get3A_268] : memref<1x128xf32, #tpu.memory_space<vmem>>, vector<1x128xf32>
    %get3A_270 = vector.shape_cast %get3A_269 : vector<1x128xf32> to vector<128xf32>
    %broadcast_in_dim3A_271 = vector.shape_cast %get3A_270 : vector<128xf32> to vector<1x128xf32>
    %mul3A_272 = vector.broadcast %broadcast_in_dim3A_271 : vector<1x128xf32> to vector<1000x128xf32>
    %mul3A_273 = arith.mulf %tanh3A, %mul3A_272 : vector<1000x128xf32>
    %reduce_sum3A = arith.constant dense<0.000000e+00> : vector<1000xf32>
    %reduce_sum3A_274 = vector.multi_reduction <add>, %mul3A_273, %reduce_sum3A [1] : vector<1000x128xf32> to vector<1000xf32>
    %get3A_275 = arith.constant 1 : index
    %get3A_276 = arith.constant 0 : index
    %get3A_277 = arith.constant 0 : index
    %get3A_278 = arith.constant 0 : index
    %get3A_279 = vector.load %arg2[%get3A_275, %get3A_276, %get3A_277, %get3A_278] : memref<3x2x1000x128xf32, #tpu.memory_space<vmem>>, vector<1x1x1000x128xf32>
    %get3A_280 = vector.shape_cast %get3A_279 : vector<1x1x1000x128xf32> to vector<1000x128xf32>
    %get3A_281 = arith.constant 1 : index
    %get3A_282 = arith.constant 1 : index
    %get3A_283 = arith.constant 0 : index
    %get3A_284 = arith.constant 0 : index
    %get3A_285 = vector.load %arg2[%get3A_281, %get3A_282, %get3A_283, %get3A_284] : memref<3x2x1000x128xf32, #tpu.memory_space<vmem>>, vector<1x1x1000x128xf32>
    %get3A_286 = vector.shape_cast %get3A_285 : vector<1x1x1000x128xf32> to vector<1000x128xf32>
    %broadcast_in_dim3A_287 = vector.shape_cast %add3A_87 : vector<128xf32> to vector<1x128xf32>
    %mul3A_288 = vector.broadcast %broadcast_in_dim3A_287 : vector<1x128xf32> to vector<1000x128xf32>
    %mul3A_289 = arith.mulf %get3A_280, %mul3A_288 : vector<1000x128xf32>
    %broadcast_in_dim3A_290 = vector.shape_cast %add3A_94 : vector<128xf32> to vector<1x128xf32>
    %mul3A_291 = vector.broadcast %broadcast_in_dim3A_290 : vector<1x128xf32> to vector<1000x128xf32>
    %mul3A_292 = arith.mulf %get3A_286, %mul3A_291 : vector<1000x128xf32>
    %add3A_293 = arith.addf %mul3A_289, %mul3A_292 : vector<1000x128xf32>
    %broadcast_in_dim3A_294 = vector.shape_cast %add3A_101 : vector<128xf32> to vector<1x128xf32>
    %mul3A_295 = vector.broadcast %broadcast_in_dim3A_294 : vector<1x128xf32> to vector<1000x128xf32>
    %mul3A_296 = arith.mulf %get3A_280, %mul3A_295 : vector<1000x128xf32>
    %broadcast_in_dim3A_297 = vector.shape_cast %add3A_108 : vector<128xf32> to vector<1x128xf32>
    %mul3A_298 = vector.broadcast %broadcast_in_dim3A_297 : vector<1x128xf32> to vector<1000x128xf32>
    %mul3A_299 = arith.mulf %get3A_286, %mul3A_298 : vector<1000x128xf32>
    %add3A_300 = arith.addf %mul3A_296, %mul3A_299 : vector<1000x128xf32>
    %get3A_301 = arith.constant 0 : index
    %get3A_302 = arith.constant 0 : index
    %get3A_303 = vector.load %arg4[%get3A_301, %get3A_302] : memref<256x256xf32, #tpu.memory_space<vmem>>, vector<256x256xf32>
    %slice3A_304 = vector.extract_strided_slice %get3A_303 {offsets = [0, 0], sizes = [256, 128], strides = [1, 1]} : vector<256x256xf32> to vector<256x128xf32>
    %dot_general3A_305 = arith.constant dense<0.000000e+00> : vector<1000x256xf32>
    %dot_general3A_306 = tpu.matmul %add3A_293, %slice3A_304, %dot_general3A_305 {dimension_numbers = #tpu.dot_dimension_numbers<[1], [1], [0], [0], [0, 0, 1, 0], [], []>, transpose_lhs_hint = false} : vector<1000x128xf32>, vector<256x128xf32>, vector<1000x256xf32> -> vector<1000x256xf32>
    %slice3A_307 = vector.extract_strided_slice %get3A_303 {offsets = [0, 128], sizes = [256, 128], strides = [1, 1]} : vector<256x256xf32> to vector<256x128xf32>
    %dot_general3A_308 = arith.constant dense<0.000000e+00> : vector<1000x256xf32>
    %dot_general3A_309 = tpu.matmul %add3A_300, %slice3A_307, %dot_general3A_308 {dimension_numbers = #tpu.dot_dimension_numbers<[1], [1], [0], [0], [0, 0, 1, 0], [], []>, transpose_lhs_hint = false} : vector<1000x128xf32>, vector<256x128xf32>, vector<1000x256xf32> -> vector<1000x256xf32>
    %add3A_310 = arith.addf %dot_general3A_306, %dot_general3A_309 : vector<1000x256xf32>
    %get3A_311 = arith.constant 1 : index
    %get3A_312 = arith.constant 0 : index
    %get3A_313 = vector.load %arg6[%get3A_311, %get3A_312] : memref<3x256xf32, #tpu.memory_space<vmem>>, vector<1x256xf32>
    %get3A_314 = vector.shape_cast %get3A_313 : vector<1x256xf32> to vector<256xf32>
    %broadcast_in_dim3A_315 = vector.shape_cast %get3A_314 : vector<256xf32> to vector<1x256xf32>
    %add3A_316 = vector.broadcast %broadcast_in_dim3A_315 : vector<1x256xf32> to vector<1000x256xf32>
    %add3A_317 = arith.addf %add3A_310, %add3A_316 : vector<1000x256xf32>
    %gt3A_318 = arith.constant 0.000000e+00 : f32
    %gt3A_319 = vector.broadcast %gt3A_318 : f32 to vector<1000x256xf32>
    %gt3A_320 = arith.cmpf ogt, %add3A_317, %gt3A_319 : vector<1000x256xf32>
    %min3A_321 = arith.constant 0.000000e+00 : f32
    %min3A_322 = vector.broadcast %min3A_321 : f32 to vector<1000x256xf32>
    %min3A_323 = arith.minimumf %add3A_317, %min3A_322 : vector<1000x256xf32>
    %exp3A_324 = math.exp %min3A_323 : vector<1000x256xf32>
    %sub3A_325 = arith.constant 1.000000e+00 : f32
    %sub3A_326 = vector.broadcast %sub3A_325 : f32 to vector<1000x256xf32>
    %sub3A_327 = arith.subf %exp3A_324, %sub3A_326 : vector<1000x256xf32>
    %select_n3A_328 = arith.select %gt3A_320, %add3A_317, %sub3A_327 : vector<1000x256xi1>, vector<1000x256xf32>
    %swap3A_329 = arith.constant 1 : index
    %swap3A_330 = arith.constant 0 : index
    %swap3A_331 = arith.constant 0 : index
    %swap3A_332 = vector.load %arg10[%swap3A_329, %swap3A_330, %swap3A_331] : memref<3x1000x256xf32, #tpu.memory_space<vmem>>, vector<1x1000x256xf32>
    %swap3A_333 = vector.shape_cast %swap3A_332 : vector<1x1000x256xf32> to vector<1000x256xf32>
    %swap3A_334 = vector.shape_cast %select_n3A_328 : vector<1000x256xf32> to vector<1x1000x256xf32>
    tpu.vector_store %arg10[%swap3A_329, %swap3A_330, %swap3A_331], %swap3A_334 {strides = array<i32>} : memref<3x1000x256xf32, #tpu.memory_space<vmem>>, vector<1x1000x256xf32>,
    %get3A_335 = arith.constant 0 : index
    %get3A_336 = arith.constant 0 : index
    %get3A_337 = vector.load %arg7[%get3A_335, %get3A_336] : memref<128x256xf32, #tpu.memory_space<vmem>>, vector<128x256xf32>
    %dot_general3A_338 = arith.constant dense<0.000000e+00> : vector<1000x128xf32>
    %dot_general3A_339 = tpu.matmul %select_n3A_328, %get3A_337, %dot_general3A_338 {dimension_numbers = #tpu.dot_dimension_numbers<[1], [1], [0], [0], [0, 0, 1, 0], [], []>, transpose_lhs_hint = false} : vector<1000x256xf32>, vector<128x256xf32>, vector<1000x128xf32> -> vector<1000x128xf32>
    %get3A_340 = arith.constant 0 : index
    %get3A_341 = arith.constant 0 : index
    %get3A_342 = vector.load %arg8[%get3A_340, %get3A_341] : memref<1x128xf32, #tpu.memory_space<vmem>>, vector<1x128xf32>
    %get3A_343 = vector.shape_cast %get3A_342 : vector<1x128xf32> to vector<128xf32>
    %broadcast_in_dim3A_344 = vector.shape_cast %get3A_343 : vector<128xf32> to vector<1x128xf32>
    %add3A_345 = vector.broadcast %broadcast_in_dim3A_344 : vector<1x128xf32> to vector<1000x128xf32>
    %add3A_346 = arith.addf %dot_general3A_339, %add3A_345 : vector<1000x128xf32>
    %tanh3A_347 = math.tanh %add3A_346 : vector<1000x128xf32>
    %get3A_348 = arith.constant 0 : index
    %get3A_349 = arith.constant 0 : index
    %get3A_350 = vector.load %arg9[%get3A_348, %get3A_349] : memref<1x128xf32, #tpu.memory_space<vmem>>, vector<1x128xf32>
    %get3A_351 = vector.shape_cast %get3A_350 : vector<1x128xf32> to vector<128xf32>
    %broadcast_in_dim3A_352 = vector.shape_cast %get3A_351 : vector<128xf32> to vector<1x128xf32>
    %mul3A_353 = vector.broadcast %broadcast_in_dim3A_352 : vector<1x128xf32> to vector<1000x128xf32>
    %mul3A_354 = arith.mulf %tanh3A_347, %mul3A_353 : vector<1000x128xf32>
    %reduce_sum3A_355 = arith.constant dense<0.000000e+00> : vector<1000xf32>
    %reduce_sum3A_356 = vector.multi_reduction <add>, %mul3A_354, %reduce_sum3A_355 [1] : vector<1000x128xf32> to vector<1000xf32>
    %get3A_357 = arith.constant 2 : index
    %get3A_358 = arith.constant 0 : index
    %get3A_359 = arith.constant 0 : index
    %get3A_360 = arith.constant 0 : index
    %get3A_361 = vector.load %arg2[%get3A_357, %get3A_358, %get3A_359, %get3A_360] : memref<3x2x1000x128xf32, #tpu.memory_space<vmem>>, vector<1x1x1000x128xf32>
    %get3A_362 = vector.shape_cast %get3A_361 : vector<1x1x1000x128xf32> to vector<1000x128xf32>
    %get3A_363 = arith.constant 2 : index
    %get3A_364 = arith.constant 1 : index
    %get3A_365 = arith.constant 0 : index
    %get3A_366 = arith.constant 0 : index
    %get3A_367 = vector.load %arg2[%get3A_363, %get3A_364, %get3A_365, %get3A_366] : memref<3x2x1000x128xf32, #tpu.memory_space<vmem>>, vector<1x1x1000x128xf32>
    %get3A_368 = vector.shape_cast %get3A_367 : vector<1x1x1000x128xf32> to vector<1000x128xf32>
    %broadcast_in_dim3A_369 = vector.shape_cast %add3A_179 : vector<128xf32> to vector<1x128xf32>
    %mul3A_370 = vector.broadcast %broadcast_in_dim3A_369 : vector<1x128xf32> to vector<1000x128xf32>
    %mul3A_371 = arith.mulf %get3A_362, %mul3A_370 : vector<1000x128xf32>
    %broadcast_in_dim3A_372 = vector.shape_cast %add3A_186 : vector<128xf32> to vector<1x128xf32>
    %mul3A_373 = vector.broadcast %broadcast_in_dim3A_372 : vector<1x128xf32> to vector<1000x128xf32>
    %mul3A_374 = arith.mulf %get3A_368, %mul3A_373 : vector<1000x128xf32>
    %add3A_375 = arith.addf %mul3A_371, %mul3A_374 : vector<1000x128xf32>
    %broadcast_in_dim3A_376 = vector.shape_cast %add3A_193 : vector<128xf32> to vector<1x128xf32>
    %mul3A_377 = vector.broadcast %broadcast_in_dim3A_376 : vector<1x128xf32> to vector<1000x128xf32>
    %mul3A_378 = arith.mulf %get3A_362, %mul3A_377 : vector<1000x128xf32>
    %broadcast_in_dim3A_379 = vector.shape_cast %add3A_200 : vector<128xf32> to vector<1x128xf32>
    %mul3A_380 = vector.broadcast %broadcast_in_dim3A_379 : vector<1x128xf32> to vector<1000x128xf32>
    %mul3A_381 = arith.mulf %get3A_368, %mul3A_380 : vector<1000x128xf32>
    %add3A_382 = arith.addf %mul3A_378, %mul3A_381 : vector<1000x128xf32>
    %get3A_383 = arith.constant 0 : index
    %get3A_384 = arith.constant 0 : index
    %get3A_385 = vector.load %arg5[%get3A_383, %get3A_384] : memref<256x256xf32, #tpu.memory_space<vmem>>, vector<256x256xf32>
    %slice3A_386 = vector.extract_strided_slice %get3A_385 {offsets = [0, 0], sizes = [256, 128], strides = [1, 1]} : vector<256x256xf32> to vector<256x128xf32>
    %dot_general3A_387 = arith.constant dense<0.000000e+00> : vector<1000x256xf32>
    %dot_general3A_388 = tpu.matmul %add3A_375, %slice3A_386, %dot_general3A_387 {dimension_numbers = #tpu.dot_dimension_numbers<[1], [1], [0], [0], [0, 0, 1, 0], [], []>, transpose_lhs_hint = false} : vector<1000x128xf32>, vector<256x128xf32>, vector<1000x256xf32> -> vector<1000x256xf32>
    %slice3A_389 = vector.extract_strided_slice %get3A_385 {offsets = [0, 128], sizes = [256, 128], strides = [1, 1]} : vector<256x256xf32> to vector<256x128xf32>
    %dot_general3A_390 = arith.constant dense<0.000000e+00> : vector<1000x256xf32>
    %dot_general3A_391 = tpu.matmul %add3A_382, %slice3A_389, %dot_general3A_390 {dimension_numbers = #tpu.dot_dimension_numbers<[1], [1], [0], [0], [0, 0, 1, 0], [], []>, transpose_lhs_hint = false} : vector<1000x128xf32>, vector<256x128xf32>, vector<1000x256xf32> -> vector<1000x256xf32>
    %add3A_392 = arith.addf %dot_general3A_388, %dot_general3A_391 : vector<1000x256xf32>
    %get3A_393 = arith.constant 2 : index
    %get3A_394 = arith.constant 0 : index
    %get3A_395 = vector.load %arg6[%get3A_393, %get3A_394] : memref<3x256xf32, #tpu.memory_space<vmem>>, vector<1x256xf32>
    %get3A_396 = vector.shape_cast %get3A_395 : vector<1x256xf32> to vector<256xf32>
    %broadcast_in_dim3A_397 = vector.shape_cast %get3A_396 : vector<256xf32> to vector<1x256xf32>
    %add3A_398 = vector.broadcast %broadcast_in_dim3A_397 : vector<1x256xf32> to vector<1000x256xf32>
    %add3A_399 = arith.addf %add3A_392, %add3A_398 : vector<1000x256xf32>
    %gt3A_400 = arith.constant 0.000000e+00 : f32
    %gt3A_401 = vector.broadcast %gt3A_400 : f32 to vector<1000x256xf32>
    %gt3A_402 = arith.cmpf ogt, %add3A_399, %gt3A_401 : vector<1000x256xf32>
    %min3A_403 = arith.constant 0.000000e+00 : f32
    %min3A_404 = vector.broadcast %min3A_403 : f32 to vector<1000x256xf32>
    %min3A_405 = arith.minimumf %add3A_399, %min3A_404 : vector<1000x256xf32>
    %exp3A_406 = math.exp %min3A_405 : vector<1000x256xf32>
    %sub3A_407 = arith.constant 1.000000e+00 : f32
    %sub3A_408 = vector.broadcast %sub3A_407 : f32 to vector<1000x256xf32>
    %sub3A_409 = arith.subf %exp3A_406, %sub3A_408 : vector<1000x256xf32>
    %select_n3A_410 = arith.select %gt3A_402, %add3A_399, %sub3A_409 : vector<1000x256xi1>, vector<1000x256xf32>
    %swap3A_411 = arith.constant 2 : index
    %swap3A_412 = arith.constant 0 : index
    %swap3A_413 = arith.constant 0 : index
    %swap3A_414 = vector.load %arg10[%swap3A_411, %swap3A_412, %swap3A_413] : memref<3x1000x256xf32, #tpu.memory_space<vmem>>, vector<1x1000x256xf32>
    %swap3A_415 = vector.shape_cast %swap3A_414 : vector<1x1000x256xf32> to vector<1000x256xf32>
    %swap3A_416 = vector.shape_cast %select_n3A_410 : vector<1000x256xf32> to vector<1x1000x256xf32>
    tpu.vector_store %arg10[%swap3A_411, %swap3A_412, %swap3A_413], %swap3A_416 {strides = array<i32>} : memref<3x1000x256xf32, #tpu.memory_space<vmem>>, vector<1x1000x256xf32>,
    %get3A_417 = arith.constant 0 : index
    %get3A_418 = arith.constant 0 : index
    %get3A_419 = vector.load %arg7[%get3A_417, %get3A_418] : memref<128x256xf32, #tpu.memory_space<vmem>>, vector<128x256xf32>
    %dot_general3A_420 = arith.constant dense<0.000000e+00> : vector<1000x128xf32>
    %dot_general3A_421 = tpu.matmul %select_n3A_410, %get3A_419, %dot_general3A_420 {dimension_numbers = #tpu.dot_dimension_numbers<[1], [1], [0], [0], [0, 0, 1, 0], [], []>, transpose_lhs_hint = false} : vector<1000x256xf32>, vector<128x256xf32>, vector<1000x128xf32> -> vector<1000x128xf32>
    %get3A_422 = arith.constant 0 : index
    %get3A_423 = arith.constant 0 : index
    %get3A_424 = vector.load %arg8[%get3A_422, %get3A_423] : memref<1x128xf32, #tpu.memory_space<vmem>>, vector<1x128xf32>
    %get3A_425 = vector.shape_cast %get3A_424 : vector<1x128xf32> to vector<128xf32>
    %broadcast_in_dim3A_426 = vector.shape_cast %get3A_425 : vector<128xf32> to vector<1x128xf32>
    %add3A_427 = vector.broadcast %broadcast_in_dim3A_426 : vector<1x128xf32> to vector<1000x128xf32>
    %add3A_428 = arith.addf %dot_general3A_421, %add3A_427 : vector<1000x128xf32>
    %tanh3A_429 = math.tanh %add3A_428 : vector<1000x128xf32>
    %get3A_430 = arith.constant 0 : index
    %get3A_431 = arith.constant 0 : index
    %get3A_432 = vector.load %arg9[%get3A_430, %get3A_431] : memref<1x128xf32, #tpu.memory_space<vmem>>, vector<1x128xf32>
    %get3A_433 = vector.shape_cast %get3A_432 : vector<1x128xf32> to vector<128xf32>
    %broadcast_in_dim3A_434 = vector.shape_cast %get3A_433 : vector<128xf32> to vector<1x128xf32>
    %mul3A_435 = vector.broadcast %broadcast_in_dim3A_434 : vector<1x128xf32> to vector<1000x128xf32>
    %mul3A_436 = arith.mulf %tanh3A_429, %mul3A_435 : vector<1000x128xf32>
    %reduce_sum3A_437 = arith.constant dense<0.000000e+00> : vector<1000xf32>
    %reduce_sum3A_438 = vector.multi_reduction <add>, %mul3A_436, %reduce_sum3A_437 [1] : vector<1000x128xf32> to vector<1000xf32>
    %stack3A = vector.shape_cast %reduce_sum3A_274 : vector<1000xf32> to vector<1000x1xf32>
    %stack3A_439 = vector.shape_cast %reduce_sum3A_356 : vector<1000xf32> to vector<1000x1xf32>
    %stack3A_440 = vector.shape_cast %reduce_sum3A_438 : vector<1000xf32> to vector<1000x1xf32>
    %stack3A_441 = tpu.concatenate %stack3A, %stack3A_439, %stack3A_440 in 1 : vector<1000x1xf32>, vector<1000x1xf32>, vector<1000x1xf32> -> vector<1000x3xf32>
    %swap3A_442 = arith.constant 0 : index
    %swap3A_443 = arith.constant 0 : index
    %swap3A_444 = vector.load %arg11[%swap3A_442, %swap3A_443] : memref<1000x3xf32, #tpu.memory_space<vmem>>, vector<1000x3xf32>
    tpu.vector_store %arg11[%swap3A_442, %swap3A_443], %stack3A_441 {strides = array<i32>} : memref<1000x3xf32, #tpu.memory_space<vmem>>, vector<1000x3xf32>,
    return
  }
  func.func @transform_0(%arg0: i32) -> (i32, i32) {
    %c0_i32 = arith.constant 0 : i32
    %c0_i32_0 = arith.constant 0 : i32
    %c0_i32_1 = arith.constant 0 : i32
    return %c0_i32, %c0_i32_0 : i32, i32
  }
  func.func @transform_1(%arg0: i32) -> (i32, i32, i32, i32) {
    %c0_i32 = arith.constant 0 : i32
    %c0_i32_0 = arith.constant 0 : i32
    %c0_i32_1 = arith.constant 0 : i32
    %c0_i32_2 = arith.constant 0 : i32
    return %c0_i32, %c0_i32_0, %arg0, %c0_i32_1 : i32, i32, i32, i32
  }
  func.func @transform_2(%arg0: i32) -> (i32, i32) {
    %c0_i32 = arith.constant 0 : i32
    %c0_i32_0 = arith.constant 0 : i32
    %c0_i32_1 = arith.constant 0 : i32
    return %c0_i32, %c0_i32_0 : i32, i32
  }
  func.func @transform_3(%arg0: i32) -> (i32, i32) {
    %c0_i32 = arith.constant 0 : i32
    %c0_i32_0 = arith.constant 0 : i32
    %c0_i32_1 = arith.constant 0 : i32
    return %c0_i32, %c0_i32_0 : i32, i32
  }
  func.func @transform_4(%arg0: i32) -> (i32, i32) {
    %c0_i32 = arith.constant 0 : i32
    %c0_i32_0 = arith.constant 0 : i32
    %c0_i32_1 = arith.constant 0 : i32
    return %c0_i32, %c0_i32_0 : i32, i32
  }
  func.func @transform_5(%arg0: i32) -> (i32, i32) {
    %c0_i32 = arith.constant 0 : i32
    %c0_i32_0 = arith.constant 0 : i32
    %c0_i32_1 = arith.constant 0 : i32
    return %c0_i32, %c0_i32_0 : i32, i32
  }
  func.func @transform_6(%arg0: i32) -> (i32, i32) {
    %c0_i32 = arith.constant 0 : i32
    %c0_i32_0 = arith.constant 0 : i32
    %c0_i32_1 = arith.constant 0 : i32
    return %c0_i32, %c0_i32_0 : i32, i32
  }
  func.func @transform_7(%arg0: i32) -> (i32, i32) {
    %c0_i32 = arith.constant 0 : i32
    %c0_i32_0 = arith.constant 0 : i32
    %c0_i32_1 = arith.constant 0 : i32
    return %c0_i32, %c0_i32_0 : i32, i32
  }
  func.func @transform_8(%arg0: i32) -> (i32, i32) {
    %c0_i32 = arith.constant 0 : i32
    %c0_i32_0 = arith.constant 0 : i32
    %c0_i32_1 = arith.constant 0 : i32
    return %c0_i32, %c0_i32_0 : i32, i32
  }
  func.func @transform_9(%arg0: i32) -> (i32, i32, i32) {
    %c0_i32 = arith.constant 0 : i32
    %c0_i32_0 = arith.constant 0 : i32
    %c0_i32_1 = arith.constant 0 : i32
    return %c0_i32, %arg0, %c0_i32_0 : i32, i32, i32
  }
  func.func @transform_10(%arg0: i32) -> (i32, i32) {
    %c0_i32 = arith.constant 0 : i32
    %c0_i32_0 = arith.constant 0 : i32
    return %arg0, %c0_i32 : i32, i32
  }
}

module attributes {stable_mosaic.version = 14 : i64} {
  func.func @_k2_body(%arg0: i32, %arg1: memref<3x1000x256xf32, #tpu.memory_space<vmem>>, %arg2: memref<10000x3xf32, #tpu.memory_space<vmem>>, %arg3: memref<1000x256xf32, #tpu.memory_space<vmem>>) attributes {dimension_semantics = [#tpu.dimension_semantics<arbitrary>], iteration_bounds = array<i64: 10>, scalar_prefetch = 0 : i64, scratch_operands = 0 : i64, tpu.core_type = #tpu.core_type<tc>, window_params = [{transform_indices = @transform_0, window_bounds = array<i64: 3, 1000, 256>}, {pipeline_mode = #tpu.pipeline_mode<synchronous>, transform_indices = @transform_1, window_bounds = array<i64: 10000, 3>}, {transform_indices = @transform_2, window_bounds = array<i64: 1000, 256>}]} {
    %get3A = arith.constant 0 : index
    %get3A_0 = arith.constant 0 : index
    %get3A_1 = vector.load %arg2[%get3A, %get3A_0] : memref<10000x3xf32, #tpu.memory_space<vmem>>, vector<10000x3xf32>
    %reduce_sum3A = arith.constant dense<0.000000e+00> : vector<3xf32>
    %reduce_sum3A_2 = vector.multi_reduction <add>, %get3A_1, %reduce_sum3A [0] : vector<10000x3xf32> to vector<3xf32>
    %div3A = arith.constant 1.000000e+04 : f32
    %div3A_3 = vector.broadcast %div3A : f32 to vector<3xf32>
    %div3A_4 = arith.divf %reduce_sum3A_2, %div3A_3 : vector<3xf32>
    %reduce_max3A = vector.shape_cast %div3A_4 : vector<3xf32> to vector<1x3xf32>
    %reduce_max3A_5 = arith.constant dense<0xFF800000> : vector<1xf32>
    %reduce_max3A_6 = vector.multi_reduction <maximumf>, %reduce_max3A, %reduce_max3A_5 [1] : vector<1x3xf32> to vector<1xf32>
    %reduce_max3A_7 = vector.shape_cast %reduce_max3A_6 : vector<1xf32> to vector<1x1xf32>
    %reduce_max3A_8 = vector.extract %reduce_max3A_7[0, 0] : f32 from vector<1x1xf32>
    %sub3A = vector.broadcast %reduce_max3A_8 : f32 to vector<3xf32>
    %sub3A_9 = arith.subf %div3A_4, %sub3A : vector<3xf32>
    %exp3A = math.exp %sub3A_9 : vector<3xf32>
    %reduce_sum3A_10 = vector.shape_cast %exp3A : vector<3xf32> to vector<1x3xf32>
    %reduce_sum3A_11 = arith.constant dense<0.000000e+00> : vector<1xf32>
    %reduce_sum3A_12 = vector.multi_reduction <add>, %reduce_sum3A_10, %reduce_sum3A_11 [1] : vector<1x3xf32> to vector<1xf32>
    %reduce_sum3A_13 = vector.shape_cast %reduce_sum3A_12 : vector<1xf32> to vector<1x1xf32>
    %reduce_sum3A_14 = vector.extract %reduce_sum3A_13[0, 0] : f32 from vector<1x1xf32>
    %div3A_15 = vector.broadcast %reduce_sum3A_14 : f32 to vector<3xf32>
    %div3A_16 = arith.divf %exp3A, %div3A_15 : vector<3xf32>
    %slice3A = vector.extract_strided_slice %div3A_16 {offsets = [0], sizes = [1], strides = [1]} : vector<3xf32> to vector<1xf32>
    %squeeze3A = vector.extract %slice3A[0] : f32 from vector<1xf32>
    %get3A_17 = arith.constant 0 : index
    %get3A_18 = arith.constant 0 : index
    %get3A_19 = arith.constant 0 : index
    %get3A_20 = vector.load %arg1[%get3A_17, %get3A_18, %get3A_19] : memref<3x1000x256xf32, #tpu.memory_space<vmem>>, vector<1x1000x256xf32>
    %get3A_21 = vector.shape_cast %get3A_20 : vector<1x1000x256xf32> to vector<1000x256xf32>
    %mul3A = vector.broadcast %squeeze3A : f32 to vector<1000x256xf32>
    %mul3A_22 = arith.mulf %mul3A, %get3A_21 : vector<1000x256xf32>
    %slice3A_23 = vector.extract_strided_slice %div3A_16 {offsets = [1], sizes = [1], strides = [1]} : vector<3xf32> to vector<1xf32>
    %squeeze3A_24 = vector.extract %slice3A_23[0] : f32 from vector<1xf32>
    %get3A_25 = arith.constant 1 : index
    %get3A_26 = arith.constant 0 : index
    %get3A_27 = arith.constant 0 : index
    %get3A_28 = vector.load %arg1[%get3A_25, %get3A_26, %get3A_27] : memref<3x1000x256xf32, #tpu.memory_space<vmem>>, vector<1x1000x256xf32>
    %get3A_29 = vector.shape_cast %get3A_28 : vector<1x1000x256xf32> to vector<1000x256xf32>
    %mul3A_30 = vector.broadcast %squeeze3A_24 : f32 to vector<1000x256xf32>
    %mul3A_31 = arith.mulf %mul3A_30, %get3A_29 : vector<1000x256xf32>
    %add3A = arith.addf %mul3A_22, %mul3A_31 : vector<1000x256xf32>
    %slice3A_32 = vector.extract_strided_slice %div3A_16 {offsets = [2], sizes = [1], strides = [1]} : vector<3xf32> to vector<1xf32>
    %squeeze3A_33 = vector.extract %slice3A_32[0] : f32 from vector<1xf32>
    %get3A_34 = arith.constant 2 : index
    %get3A_35 = arith.constant 0 : index
    %get3A_36 = arith.constant 0 : index
    %get3A_37 = vector.load %arg1[%get3A_34, %get3A_35, %get3A_36] : memref<3x1000x256xf32, #tpu.memory_space<vmem>>, vector<1x1000x256xf32>
    %get3A_38 = vector.shape_cast %get3A_37 : vector<1x1000x256xf32> to vector<1000x256xf32>
    %mul3A_39 = vector.broadcast %squeeze3A_33 : f32 to vector<1000x256xf32>
    %mul3A_40 = arith.mulf %mul3A_39, %get3A_38 : vector<1000x256xf32>
    %add3A_41 = arith.addf %add3A, %mul3A_40 : vector<1000x256xf32>
    %swap3A = arith.constant 0 : index
    %swap3A_42 = arith.constant 0 : index
    %swap3A_43 = vector.load %arg3[%swap3A, %swap3A_42] : memref<1000x256xf32, #tpu.memory_space<vmem>>, vector<1000x256xf32>
    tpu.vector_store %arg3[%swap3A, %swap3A_42], %add3A_41 {strides = array<i32>} : memref<1000x256xf32, #tpu.memory_space<vmem>>, vector<1000x256xf32>,
    return
  }
  func.func @transform_0(%arg0: i32) -> (i32, i32, i32) {
    %c0_i32 = arith.constant 0 : i32
    %c0_i32_0 = arith.constant 0 : i32
    %c0_i32_1 = arith.constant 0 : i32
    return %c0_i32, %arg0, %c0_i32_0 : i32, i32, i32
  }
  func.func @transform_1(%arg0: i32) -> (i32, i32) {
    %c0_i32 = arith.constant 0 : i32
    %c0_i32_0 = arith.constant 0 : i32
    %c0_i32_1 = arith.constant 0 : i32
    return %c0_i32, %c0_i32_0 : i32, i32
  }
  func.func @transform_2(%arg0: i32) -> (i32, i32) {
    %c0_i32 = arith.constant 0 : i32
    %c0_i32_0 = arith.constant 0 : i32
    return %arg0, %c0_i32 : i32, i32
  }
}

</mosaic_0001>

<sc_bundles>
// kernel: kernel.5.cloned.1.call-start
scs
__scs_entry_jumppad:
0x0: {  	(pc) =	sbr.rel $0x88, $3  }
0x1: {  	(tag) =	ssettag $0x0;
	lr =	simm.s32 $0x1  }
0x2: {  	[smem:$0x3F93] =	sst lr;
	_ =	strace $0xD0000000  }
0x3: {  	_ = 	snop  }
0x4: {  	_ = 	snop  }
0x5: {  	_ = 	snop  }
0x6: {  	_ = 	snop  }
0x7: {  	_ = 	snop  }
__scs_overlays_trampoline_lowered:
0x8: {  	[smem:$0x3FA2] =	sst s0  }
0x9: {  	[smem:$0x3FA3] =	sst s1  }
0xa: {  	[smem:$0x3FA4] =	sst s2  }
0xb: {  	[smem:$0x3FA5] =	sst s3  }
0xc: {  	[smem:$0x3FA6] =	sst s4  }
0xd: {  	[smem:$0x3FA7] =	sst s5  }
0xe: {  	[smem:$0x3FA8] =	sst s6  }
0xf: {  	[smem:$0x3FA9] =	sst s7  }
0x10: {  	[smem:$0x3FAA] =	sst s8  }
0x11: {  	[smem:$0x3FAB] =	sst s9;
	s0 =	simm.s32 @!p0 $0x0  }
0x12: {  	s1 =	sld [smem:$0x3F91];
	s0 =	simm.s32 @p0 $0x1  }
0x13: {  	[smem:$0x3FAC] =	sst s0;
	s0 =	simm.s32 @!p1 $0x0  }
0x14: {  	s2 =	sld [smem:$0x3F90];
	s0 =	simm.s32 @p1 $0x1  }
0x15: {  	[smem:$0x3FAD] =	sst s0;
	s0 =	simm.s32 @!p2 $0x0  }
0x16: {  	s3 =	sld [smem:$0x3FDB];
	s0 =	simm.s32 @p2 $0x1  }
0x17: {  	s4 =	simm.s32 $0x1BF5;
	[smem:$0x3FAF] =	sst s0  }
0x18: {  	s0 =	sld [smem:$0x3F92];
	_ =	swait.ge [sflag:s4], $0x0  }
0x19: {  	s7 =	sld [smem:$0x3F93]  }
0x1a: {  	s8 =	sadd.s32 $0xFFFFE003, lr  }
0x1b: {  	s9 =	sadd.s32 $0xFFFFFEF7, lr;
	s5 =	simm.s32 $0xFFFFFFFF;
	p2 =	slt.u32 s8, $0xFFFFF086  }
0x1c: {  	p1 =	slt.u32 s9, $0xF7A;
	s5 =	simm.s32 @!p2 $0x0  }
0x1d: {  	s5 =	simm.s32 @p1 $0x1;
	p0 =	seq.s32 s7, s2  }
0x1e: {  	s7 =	smul.u32 @!p0 $0xF7A, s2;
	p2 =	seq.s32 @!p0 s5, $0x0  }
0x1f: {  	s9 =	smul.u32 $0xF7A, s1;
	s8 =	simm.s32 @!p0 $0x1BF5;
	p2 =	por !p2, p0  }
0x20: {  	[sflag:s8] =	ssyncset.s32 @!p0 $0xFFFFF086;
	s6 =	sadd.s32 @!p0 s3, s7;
	s7 =	simm.s32 @!p0 $0x108  }
0x21: {  	s3 =	sadd.s32 s3, s9;
	s6 =	sadd.s32 @!p0 $0x88, s6;
	s7 =	simm.s32 @p2 $0x1082  }
0x22: {  	[simem:s7], [sflag:s8] =	dma.local @!p0 [hbm:s6], $0xF7A  }
0x23: {  	s9 =	sor.u32 $0xD0000000, s2;
	s6 =	simm.s32 $0x108;
	_ =	swait.ge @!p0 [sflag:s8], $0x0  }
0x24: {  	s3 =	sadd.s32 $0x88, s3;
	s6 =	simm.s32 @!p1 $0x1082;
	[sflag:s4] =	ssyncset.s32 $0xFFFFF086  }
0x25: {  	[simem:s6], [sflag:s4] =	dma.local [hbm:s3], $0xF7A  }
0x26: {  	[smem:$0x3F93] =	sst s1;
	(tag) =	ssettag s2;
	_ =	strace s9  }
0x27: {  	s1 =	sld [smem:$0x3FA3]  }
0x28: {  	s2 =	sld [smem:$0x3FA4]  }
0x29: {  	s4 =	sld [smem:$0x3FA6]  }
0x2a: {  	p0 =	seq.s32 s5, $0x0;
	s5 =	sld [smem:$0x3FA7]  }
0x2b: {  	s6 =	sld [smem:$0x3FA8]  }
0x2c: {  	s7 =	sld [smem:$0x3FA9]  }
0x2d: {  	s3 =	simm.s32 $0x108;
	s8 =	sld [smem:$0x3FAA]  }
0x2e: {  	s3 =	simm.s32 @!p0 $0x1082;
	s9 =	sld [smem:$0x3FAB]  }
0x2f: {  	lr =	sadd.s32 s0, s3;
	s0 =	sld [smem:$0x3FA2]  }
0x30: {  	s3 =	sld [smem:$0x3FA5]  }
0x31: {  	[smem:$0x3FAE] =	sst s10  }
0x32: {  	s10 =	sld [smem:$0x3FAC];
	_ =	sdelay $0x3  }
0x33: {  	p0 =	seq.s32 s10, $0x1;
	s10 =	sld [smem:$0x3FAE];
	_ =	sdelay $0x3  }
0x34: {  	[smem:$0x3FAE] =	sst s10  }
0x35: {  	s10 =	sld [smem:$0x3FAD];
	_ =	sdelay $0x3  }
0x36: {  	p1 =	seq.s32 s10, $0x1;
	s10 =	sld [smem:$0x3FAE];
	_ =	sdelay $0x3  }
0x37: {  	[smem:$0x3FAE] =	sst s10  }
0x38: {  	s10 =	sld [smem:$0x3FAF]  }
0x39: {  	_ = 	snop;
	(pc) =	sbr.ind lr, $3  }
0x3a: {  	_ = 	snop  }
0x3b: {  	_ = 	snop  }
0x3c: {  	p2 =	seq.s32 s10, $0x1;
	s10 =	sld [smem:$0x3FAE]  }
0x3d: {  	_ =	shalt  }
0x3e: {  	_ =	shalt  }
0x3f: {  	_ =	shalt  }
0x40: {  	_ =	shalt  }
0x41: {  	_ =	shalt  }
0x42: {  	_ =	shalt  }
0x43: {  	_ =	shalt  }
0x44: {  	_ =	shalt  }
0x45: {  	_ =	shalt  }
0x46: {  	_ =	shalt  }
0x47: {  	_ =	shalt  }
0x48: {  	_ =	shalt  }
0x49: {  	_ =	shalt  }
0x4a: {  	_ =	shalt  }
0x4b: {  	_ =	shalt  }
0x4c: {  	_ =	shalt  }
0x4d: {  	_ =	shalt  }
0x4e: {  	_ =	shalt  }
0x4f: {  	_ =	shalt  }
0x50: {  	_ =	shalt  }
0x51: {  	_ =	shalt  }
0x52: {  	_ =	shalt  }
0x53: {  	_ =	shalt  }
0x54: {  	_ =	shalt  }
0x55: {  	_ =	shalt  }
0x56: {  	_ =	shalt  }
0x57: {  	_ =	shalt  }
0x58: {  	_ =	shalt  }
0x59: {  	_ =	shalt  }
0x5a: {  	_ =	shalt  }
0x5b: {  	_ =	shalt  }
0x5c: {  	_ =	shalt  }
0x5d: {  	_ =	shalt  }
0x5e: {  	_ =	shalt  }
0x5f: {  	_ =	shalt  }
0x60: {  	_ =	shalt  }
0x61: {  	_ =	shalt  }
0x62: {  	_ =	shalt  }
0x63: {  	_ =	shalt  }
0x64: {  	_ =	shalt  }
0x65: {  	_ =	shalt  }
0x66: {  	_ =	shalt  }
0x67: {  	_ =	shalt  }
0x68: {  	_ =	shalt  }
0x69: {  	_ =	shalt  }
0x6a: {  	_ =	shalt  }
0x6b: {  	_ =	shalt  }
0x6c: {  	_ =	shalt  }
0x6d: {  	_ =	shalt  }
0x6e: {  	_ =	shalt  }
0x6f: {  	_ =	shalt  }
0x70: {  	_ =	shalt  }
0x71: {  	_ =	shalt  }
0x72: {  	_ =	shalt  }
0x73: {  	_ =	shalt  }
0x74: {  	_ =	shalt  }
0x75: {  	_ =	shalt  }
0x76: {  	_ =	shalt  }
0x77: {  	_ =	shalt  }
0x78: {  	_ =	shalt  }
0x79: {  	_ =	shalt  }
0x7a: {  	_ =	shalt  }
0x7b: {  	_ =	shalt  }
0x7c: {  	_ =	shalt  }
0x7d: {  	_ =	shalt  }
0x7e: {  	_ =	shalt  }
0x7f: {  	_ =	shalt  }
0x80: {  	_ =	shalt  }
0x81: {  	_ =	shalt  }
0x82: {  	_ =	shalt  }
0x83: {  	_ =	shalt  }
0x84: {  	_ =	shalt  }
0x85: {  	_ =	shalt  }
0x86: {  	_ =	shalt  }
0x87: {  	_ =	shalt  }
.Lfunc_end0:
.L_simem_size_0:
called_computation_lowered:
.L_overlay_start_0:
0x88: {  	s2 =	sld [smem:$0x3FD9]  }
0x89: {  	s3 =	sld [smem:$0x3FFE];
	_ =	sdelay $0x1  }
0x8a: {  	s1 =	srdreg.scid  }
0x8b: {  	s0 =	sand.u32 $0x1, s1  }
0x8c: {  	s17 =	sshll.u32 s0, $0xA;
	s2 =	sadd.s32 s3, s2  }
0x8d: {  	s2 =	sadd.s32 s2, s17  }
0x8e: {  	[smem:$0x3FBA] =	sst s2  }
0x8f: {  	_ = 	snop  }
0x90: {  	s2 =	sld [smem:$0x3FD0];
	(tm) =	ssettm $0x1  }
0x91: {  	s18 =	sld [smem:$0x3FFB];
	_ =	sdelay $0x3  }
0x92: {  	_ =	strace s18  }
0x93: {  	s3 =	sld [smem:$0x3FFC];
	_ =	sdelay $0x3  }
0x94: {  	_ =	strace s3  }
0x95: {  	s3 =	sld [smem:$0x3FFD];
	_ =	sdelay $0x3  }
0x96: {  	_ =	strace s3  }
0x97: {  	_ =	strace $0x8FFFFFFF  }
0x98: {  	s19 =	sld [smem:$0x3FDB];
	_ =	sdelay $0x1  }
0x99: {  	s4 =	simm.s32 $_scs_section_size  }
0x9a: {  	s5 =	simm.s32 $_size__tile_overlayer_lowered;
	s6 =	simm.s32 $_tile_overlayer_lowered  }
0x9b: {  	s22 =	simm.s32 $0x1BFF;
	s21 =	sshll.u32 s6, $0x1;
	s3 =	sadd.s32 s4, s19  }
0x9c: {  	s7 =	simm.s32 $0x0;
	s20 =	sshll.u32 s5, $0x1;
	s5 =	sadd.s32 s21, s3  }
0x9d: {  	[timem:s7], [sflag:s22] =	dma.local [hbm:s5], s20  }
0x9e: {  	_ =	swait.ge [sflag:s22], s20  }
0x9f: {  	s4 =	ssub.s32 $0x0, s20;
	[sflag:s22] =	ssyncset.done $0x0  }
0xa0: {  	[sflag:s22] =	ssyncadd.s32 s4;
	_ =	sdelay $0x1  }
0xa1: {  	s23 =	simm.s32 $0x1B8B  }
0xa2: {  	_ =	swait.ge [sflag:s23], $0x1  }
0xa3: {  	[sflag:s23] =	ssyncset.done $0x0  }
0xa4: {  	s25 =	simm.s32 $0x1B8E;
	s24 =	sld [smem:$0x3FFE];
	[sflag:s23] =	ssyncadd.s32 $0xFFFFFFFF  }
0xa5: {  	s26 =	simm.s32 $execute0_lowered;
	[smem:$0x3FD2] =	sst s25  }
0xa6: {  	s5 =	sshll.u32 s26, $0x1;
	_ =	strace $0x80000046;
	[dreg:$0x1] =	wrdreg $0xFFFFFFFF  }
0xa7: {  	s28 =	simm.s32 $_size_execute0_lowered;
	s3 =	sadd.s32 s3, s5;
	[dreg:$0x0] =	wrdreg $0x0  }
0xa8: {  	s5 =	sshll.u32 s28, $0x1;
	[dreg:$0x2] =	wrdreg s3  }
0xa9: {  	[dreg:$0x3] =	wrdreg s5  }
0xaa: {  	[dreg:$0x4] =	wrdreg $0xC0  }
0xab: {  	_ =	task [dreg:s7], $0x5FFFF  }
0xac: {  	[dreg:$0x1] =	wrdreg $0xFFFFFFFF  }
0xad: {  	[dreg:$0x0] =	wrdreg $0x60  }
0xae: {  	[dreg:$0x2] =	wrdreg s2  }
0xaf: {  	[dreg:$0x3] =	wrdreg s24  }
0xb0: {  	[dreg:$0x4] =	wrdreg $0x8B000  }
0xb1: {  	[dreg:$0x5] =	wrdreg $0x9  }
0xb2: {  	_ =	task.clear_ibuf [dreg:s7], $0x6FFFF;
	_ =	strace $0x90000046  }
0xb3: {  	s29 =	simm.s32 $0x9;
	_ =	strace $0x80000048  }
0xb4: {  	_ =	swait.ge [sflag:s29], $0x1  }
0xb5: {  	[sflag:s29] =	ssyncadd.s32 $0xFFFFFFFF  }
0xb6: {  	_ =	strace $0x90000048  }
0xb7: {  	_ =	sfence  }
0xb8: {  	s30 =	sld [smem:$0x0];
	_ =	sdelay $0x2  }
0xb9: {  	s31 =	sshll.u32 s1, $0xD;
	s1 =	sshrl.u32 s1, $0x2  }
0xba: {  	s3 =	sand.u32 $0x4000, s31;
	s1 =	sadd.s32 s1, s30  }
0xbb: {  	s0 =	sor.u32 s3, s0;
	s1 =	sshll.u32 s1, $0x11  }
0xbc: {  	s0 =	sor.u32 s1, s0  }
0xbd: {  	s0 =	sadd.s32 $0x8F2B, s0  }
0xbe: {  	[sflag:s0] =	ssyncadd.remote.s32 $0x1  }
0xbf: {  	_ =	sfence.sel $0xFFFF  }
0xc0: {  	[dreg:$0x0] =	wrdreg $0xFFFFFFFF;
	(pc) =	sbr.abs _section_cstart, $3  }
0xc1: {  	[dreg:$0x1] =	wrdreg $0xFFFFFFFF  }
0xc2: {  	_ =	task.clear_ibuf [dreg:s7], $0x2FFFF;
	_ =	strace $0x9FFFFFFF  }
0xc3: {  	(tm) =	ssettm $0x7FFFFFFF  }
tec
execute0_lowered:
.L_overlay_start_1:
0x0: {  	(tag) =	ssettag $0x1  }
0x1: {  	s1 =	rddreg [dreg:$0x0]  }
0x2: {  	s0 =	rddreg [dreg:$0x1]  }
0x3: {  	s2 =	rddreg [dreg:$0x2];
	s3 =	simm.s32 $0x0;
	s4 =	srdreg.scid  }
0x4: {  	s22 =	stileid.u32;
	s30 =	simm.s32 $0x4;
	s31 =	simm.s32 $0x100  }
0x5: {  	[smem:$0x7FF] =	sst s3;
	s5 =	sadd.s32 $0x5000, s0;
	s7 =	smul.u32 $0x4E000, s22  }
0x6: {  	s4 =	sand.u32 $0x1, s4;
	s8 =	sadd.s32 $0x14000, s0;
	s12 =	smul.u32 $0x270, s22  }
0x7: {  	s9 =	sadd.s32 $0x19000, s0;
	s10 =	sadd.s32 $0xF000, s0;
	s19 =	smul.u32 $0x2710, s22  }
0x8: {  	s18 =	sadd.s32 $0xA000, s0;
	s20 =	sadd.s32 $0x1E000, s0;
	s15 =	smul.u32 $0x13800, s22  }
0x9: {  	s23 =	sshll.u32 s22, $0x6;
	p0 =	sne.s32 s22, $0xF;
	s13 =	smul.u32 $0x2710, s4  }
0xa: {  	_ =	strace $0x80000047;
	s6 =	ssub.s32 $0x2, s4;
	s4 =	smul.u32 $0x138800, s4  }
0xb: {  	s11 =	sshrl.u32 s6, $0x1;
	s7 =	sshrl.u32 s7, $0x2;
	s14 =	sshrl.u32 s19, $0x3  }
0xc: {  	s19 =	smul.u32 $0x4E2, s22;
	s11 =	ssub.s32 s6, s11;
	s7 =	sadd.s32 s7, s2  }
0xd: {  	s12 =	sadd.s32 s12, s13;
	s24 =	sadd.s32 $0x4E0, s14;
	[dreg:$0x4] =	wrdreg s7  }
0xe: {  	s21 =	sshll.u32 s12, $0x4;
	s7 =	sor.u32 $0x1C04, s23;
	s14 =	sadd.s32 s5, s24  }
0xf: {  	s25 =	sadd.s32 s0, s24;
	s26 =	sadd.s32 s8, s24;
	[dreg:$0x5] =	wrdreg s14  }
0x10: {  	s28 =	sadd.s32 s9, s24;
	s29 =	sadd.s32 s10, s24;
	[dreg:$0x6] =	wrdreg s25  }
0x11: {  	s12 =	sadd.s32 s18, s24;
	s16 =	sadd.s32 s19, s9;
	[dreg:$0x7] =	wrdreg s26  }
0x12: {  	s17 =	sadd.s32 s19, s8;
	s18 =	sadd.s32 s19, s18;
	[dreg:$0x8] =	wrdreg s28  }
0x13: {  	s8 =	simm.s32 $0x200;
	s6 =	sadd.s32 s1, s21;
	[dreg:$0x9] =	wrdreg s29  }
0x14: {  	s21 =	sshrl.u32 s4, $0x3;
	s4 =	sadd.s32 s15, s4;
	[dreg:$0xa] =	wrdreg s12  }
0x15: {  	s14 =	sadd.s32 s19, s0;
	s15 =	sadd.s32 s19, s5;
	s19 =	sadd.s32 s19, s10  }
0x16: {  	s25 =	smax.u32 s11, $0x1;
	s26 =	sadd.s32 $0x138000, s2;
	s11 =	simm.s32 $0x2  }
0x17: {  	s4 =	sshrl.u32 s4, $0x3;
	s9 =	sadd.s32 $0x27000, s21;
	[dreg:$0x10] =	wrdreg s25  }
0x18: {  	s12 =	sadd.s32 s20, s21;
	[dreg:$0x11] =	wrdreg s26;
	s21 =	sadd.s32 s20, s9  }
0x19: {  	s25 =	simm.s32 $0x0;
	s0 =	sadd.s32 s1, s9;
	[dreg:$0xc] =	wrdreg s21  }
0x1a: {  	s10 =	sadd.s32 s20, s4;
	s23 =	sadd.s32 $0x75200, s12;
	[dreg:$0xd] =	wrdreg s0  }
0x1b: {  	s24 =	sadd.s32 $0xC3400, s12;
	s4 =	simm.s32 $0x80;
	[dreg:$0xe] =	wrdreg s23  }
0x1c: {  	s9 =	simm.s32 $0x180;
	s12 =	simm.s32 $0x3;
	[dreg:$0xf] =	wrdreg s24  }
0x1d: {  	s28 =	sadd.s32 $0x4E200, s10;
	[dreg:$0xb] =	wrdreg s10;
	s29 =	sadd.s32 $0x9C400, s10  }
0x1e: {  	s0 =	simm.s32 $0x1;
	s10 =	simm.s32 $0x4200;
	[dreg:$0x12] =	wrdreg s28  }
0x1f: {  	v0 =	vmov s13;
	s23 =	simm.s32 $0x10;
	s24 =	simm.s32 $0x8300;
	[dreg:$0x13] =	wrdreg s29  }
.LBB2_1:
0x20: {  	s5 =	rddreg [dreg:$0x4]  }
0x21: {  	s26 =	sshrl.u32 s5, $0x3  }
0x22: {  	[spmem:s26], [sflag:s7] =	dma.local [hbm:s6], $0x2700  }
0x23: {  	_ =	swait.ge [sflag:s30], $0x2700  }
0x24: {  	[sflag:s30] =	ssyncset.done $0x0;
	s5 =	rddreg [dreg:$0x11]  }
0x25: {  	[sflag:s30] =	ssyncadd.s32 $0xFFFFD900;
	s28 =	sshrl.u32 @!p0 s5, $0x3;
	s5 =	rddreg [dreg:$0xd]  }
0x26: {  	[spmem:s28], [sflag:s7] =	dma.local @!p0 [hbm:s5], $0x100  }
0x27: {  	s5 =	simm.s32 @!p0 $0x4  }
0x28: {  	_ =	swait.ge @!p0 [sflag:s5], $0x100  }
0x29: {  	[sflag:s5] =	ssyncset.done @!p0 $0x0  }
0x2a: {  	p1 =	por $0x1, $0x1;
	[sflag:s5] =	ssyncadd.s32 @!p0 $0xFFFFFF00  }
0x2b: {  	s5 =	simm.s32 @!p1 $0x2;
	[bflag:$0x0] =	sbarrier.arrive $0xFFFF  }
0x2c: {  	_ =	swait.ge @!p1 [sflag:s5], $0x4000  }
0x2d: {  	[sflag:s5] =	ssyncset.done @!p1 $0x0  }
0x2e: {  	s29 =	sadd.s32 $0x0, s15;
	[sflag:s5] =	ssyncadd.s32 @!p1 $0xFFFFC000  }
0x2f: {  	[tilespmem:s3], [sflag:$0x1] =	stream.linear.gather [hbm4b:s29+s3], $0x80, $0x38;
	[tilespmem:$0x1C380] =	vst v63  }
0x30: {  	s13 =	sadd.s32 $0x0, s14  }
0x31: {  	[tilespmem:s31], [sflag:$0x1] =	stream.linear.gather [hbm4b:s13+s3], $0x80, $0x38;
	[tilespmem:$0x1C380] =	vst v63  }
0x32: {  	_ =	swait.ge [sflag:s0], $0x80  }
0x33: {  	[sflag:s0] =	ssyncset.done $0x0  }
0x34: {  	[sflag:s0] =	ssyncadd.s32 $0xFFFFFF80  }
0x35: {  	_ =	swait.ge [sflag:s0], $0x80  }
0x36: {  	[sflag:s0] =	ssyncset.done $0x0  }
0x37: {  	[sflag:s0] =	ssyncadd.s32 $0xFFFFFF80  }
0x38: {  	v1 =	vld [tilespmem:$0x0]  }
0x39: {  	v2 =	vld [tilespmem:$0x10]  }
0x3a: {  	v3 =	vld [tilespmem:$0x20]  }
0x3b: {  	v6 =	vld [tilespmem:$0x60];
	_ =	sdelay $0x1  }
0x3c: {  	v4 =	vld [tilespmem:$0x30]  }
0x3d: {  	v5 =	vld [tilespmem:$0x70];
	v1 =	vadd.s32 v0, v1  }
0x3e: {  	[tilespmem:$0x0] =	vst v1;
	v1 =	vadd.s32 v0, v2;
	v2 =	vld [tilespmem:$0x50]  }
0x3f: {  	v63 =	vadd.s32 v0, v6;
	[tilespmem:$0x10] =	vst v1;
	v1 =	vadd.s32 v0, v3;
	v3 =	vld [tilespmem:$0x40]  }
0x40: {  	[tilespmem:$0x60] =	vst v63  }
0x41: {  	[tilespmem:$0x20] =	vst v1;
	v1 =	vadd.s32 v0, v4  }
0x42: {  	[tilespmem:$0x30] =	vst v1;
	v1 =	vadd.s32 v0, v5  }
0x43: {  	[tilespmem:$0x70] =	vst v1;
	v1 =	vadd.s32 v0, v2  }
0x44: {  	v2 =	vadd.s32 v0, v3;
	[tilespmem:$0x50] =	vst v1  }
0x45: {  	[tilespmem:$0x40] =	vst v2  }
0x46: {  	[tilespmem:s8], [sflag:$0x1] =	stream.indirect.gather [hbm4b:s1+s4], $0x80, s3, s4, $0xb8;
	[tilespmem:$0x1C380] =	vst v63  }
0x47: {  	_ =	swait.ge [sflag:s0], $0x4000  }
0x48: {  	[sflag:s0] =	ssyncset.done $0x0  }
0x49: {  	s20 =	simm.s32 @!p1 $0x3;
	[sflag:s0] =	ssyncadd.s32 $0xFFFFC000  }
0x4a: {  	[spmem:s2] =	stream.indirect.scatter.add.f32 [tilespmem:s8], [sflag:$0x2], $0x80, s31, s4, $0xb8;
	[tilespmem:$0x1C380] =	vst v63  }
0x4b: {  	_ =	swait.ge @!p1 [sflag:s20], $0x4000  }
0x4c: {  	s22 =	sadd.s32 $0x10, s13;
	[sflag:s20] =	ssyncset.done @!p1 $0x0  }
0x4d: {  	s5 =	sadd.s32 $0x10, s29;
	[sflag:s20] =	ssyncadd.s32 @!p1 $0xFFFFC000;
	s20 =	simm.s32 $0x20  }
0x4e: {  	[tilespmem:s4], [sflag:$0x1] =	stream.linear.gather [hbm4b:s5+s3], $0x80, $0x38;
	[tilespmem:$0x1C380] =	vst v63  }
.LBB2_2:
0x4f: {  	s5 =	smov.u32 s20;
	s20 =	sadd.s32 $0x20, s20  }
0x50: {  	[tilespmem:s9], [sflag:$0x1] =	stream.linear.gather [hbm4b:s22+s3], $0x80, $0x38;
	[tilespmem:$0x1C380] =	vst v63  }
0x51: {  	p1 =	sne.s32 s20, $0x4E0;
	_ =	swait.ge [sflag:s0], $0x80  }
0x52: {  	[sflag:s0] =	ssyncset.done $0x0  }
0x53: {  	[sflag:s0] =	ssyncadd.s32 $0xFFFFFF80  }
0x54: {  	_ =	swait.ge [sflag:s0], $0x80  }
0x55: {  	[sflag:s0] =	ssyncset.done $0x0  }
0x56: {  	[sflag:s0] =	ssyncadd.s32 $0xFFFFFF80  }
0x57: {  	v1 =	vld [tilespmem:$0x80]  }
0x58: {  	v2 =	vld [tilespmem:$0x90]  }
0x59: {  	v3 =	vld [tilespmem:$0xB0]  }
0x5a: {  	v4 =	vld [tilespmem:$0xC0]  }
0x5b: {  	v5 =	vld [tilespmem:$0xD0]  }
0x5c: {  	v1 =	vadd.s32 v0, v1;
	v6 =	vld [tilespmem:$0xE0]  }
0x5d: {  	[tilespmem:$0x80] =	vst v1;
	v1 =	vadd.s32 v0, v2;
	v2 =	vld [tilespmem:$0xF0]  }
0x5e: {  	[tilespmem:$0x90] =	vst v1;
	v1 =	vld [tilespmem:$0xA0];
	v3 =	vadd.s32 v0, v3  }
0x5f: {  	[tilespmem:$0xB0] =	vst v3;
	v3 =	vadd.s32 v0, v4  }
0x60: {  	[tilespmem:$0xC0] =	vst v3;
	v3 =	vadd.s32 v0, v5  }
0x61: {  	[tilespmem:$0xD0] =	vst v3;
	v3 =	vadd.s32 v0, v6  }
0x62: {  	[tilespmem:$0xE0] =	vst v3;
	v2 =	vadd.s32 v0, v2  }
0x63: {  	v1 =	vadd.s32 v0, v1;
	[tilespmem:$0xF0] =	vst v2  }
0x64: {  	[tilespmem:$0xA0] =	vst v1  }
0x65: {  	[tilespmem:s10], [sflag:$0x1] =	stream.indirect.gather [hbm4b:s1+s4], $0x80, s4, s4, $0xb8;
	[tilespmem:$0x1C380] =	vst v63  }
0x66: {  	_ =	swait.ge [sflag:s0], $0x4000  }
0x67: {  	[sflag:s0] =	ssyncset.done $0x0  }
0x68: {  	p2 =	seq.s32 s5, $0x0;
	[sflag:s0] =	ssyncadd.s32 $0xFFFFC000  }
0x69: {  	[spmem:s2] =	stream.indirect.scatter.add.f32 [tilespmem:s10], [sflag:$0x3], $0x80, s9, s4, $0xb8;
	[tilespmem:$0x1C380] =	vst v63  }
0x6a: {  	s13 =	simm.s32 @!p2 $0x2  }
0x6b: {  	_ =	swait.ge @!p2 [sflag:s13], $0x4000  }
0x6c: {  	[sflag:s13] =	ssyncset.done @!p2 $0x0  }
0x6d: {  	[sflag:s13] =	ssyncadd.s32 @!p2 $0xFFFFC000;
	s13 =	sadd.s32 s5, s15  }
0x6e: {  	[tilespmem:s3], [sflag:$0x1] =	stream.linear.gather [hbm4b:s13+s3], $0x80, $0x38;
	[tilespmem:$0x1C380] =	vst v63  }
0x6f: {  	s5 =	sadd.s32 s5, s14  }
0x70: {  	[tilespmem:s31], [sflag:$0x1] =	stream.linear.gather [hbm4b:s5+s3], $0x80, $0x38;
	[tilespmem:$0x1C380] =	vst v63  }
0x71: {  	s22 =	sadd.s32 $0x10, s5;
	_ =	swait.ge [sflag:s0], $0x80  }
0x72: {  	[sflag:s0] =	ssyncset.done $0x0  }
0x73: {  	[sflag:s0] =	ssyncadd.s32 $0xFFFFFF80  }
0x74: {  	_ =	swait.ge [sflag:s0], $0x80  }
0x75: {  	[sflag:s0] =	ssyncset.done $0x0  }
0x76: {  	[sflag:s0] =	ssyncadd.s32 $0xFFFFFF80  }
0x77: {  	v1 =	vld [tilespmem:$0x0]  }
0x78: {  	v2 =	vld [tilespmem:$0x10]  }
0x79: {  	v3 =	vld [tilespmem:$0x20]  }
0x7a: {  	v4 =	vld [tilespmem:$0x30]  }
0x7b: {  	v5 =	vld [tilespmem:$0x70]  }
0x7c: {  	v1 =	vadd.s32 v0, v1;
	v6 =	vld [tilespmem:$0x60]  }
0x7d: {  	[tilespmem:$0x0] =	vst v1;
	v1 =	vadd.s32 v0, v2;
	v2 =	vld [tilespmem:$0x50]  }
0x7e: {  	[tilespmem:$0x10] =	vst v1;
	v1 =	vadd.s32 v0, v3;
	v3 =	vld [tilespmem:$0x40]  }
0x7f: {  	[tilespmem:$0x20] =	vst v1;
	v1 =	vadd.s32 v0, v4  }
0x80: {  	[tilespmem:$0x30] =	vst v1;
	v1 =	vadd.s32 v0, v5  }
0x81: {  	v4 =	vadd.s32 v0, v6;
	[tilespmem:$0x70] =	vst v1  }
0x82: {  	v1 =	vadd.s32 v0, v2;
	[tilespmem:$0x60] =	vst v4  }
0x83: {  	v2 =	vadd.s32 v0, v3;
	[tilespmem:$0x50] =	vst v1  }
0x84: {  	[tilespmem:$0x40] =	vst v2  }
0x85: {  	[tilespmem:s8], [sflag:$0x1] =	stream.indirect.gather [hbm4b:s1+s4], $0x80, s3, s4, $0xb8;
	[tilespmem:$0x1C380] =	vst v63  }
0x86: {  	_ =	swait.ge [sflag:s0], $0x4000  }
0x87: {  	[sflag:s0] =	ssyncset.done $0x0  }
0x88: {  	s5 =	simm.s32 @!p2 $0x3;
	[sflag:s0] =	ssyncadd.s32 $0xFFFFC000  }
0x89: {  	[spmem:s2] =	stream.indirect.scatter.add.f32 [tilespmem:s8], [sflag:$0x2], $0x80, s31, s4, $0xb8;
	[tilespmem:$0x1C380] =	vst v63  }
.Ltmp0:
0x8a: {  	_ = 	snop;
	(pc) =	sbr.rel @p1 .LBB2_2-.Ltmp0, $4  }
0x8b: {  	_ =	swait.ge @!p2 [sflag:s5], $0x4000  }
0x8c: {  	[sflag:s5] =	ssyncset.done @!p2 $0x0  }
0x8d: {  	[sflag:s5] =	ssyncadd.s32 @!p2 $0xFFFFC000;
	s5 =	sadd.s32 $0x10, s13  }
0x8e: {  	[tilespmem:s4], [sflag:$0x1] =	stream.linear.gather [hbm4b:s5+s3], $0x80, $0x38;
	[tilespmem:$0x1C380] =	vst v63  }
0x8f: {  	[tilespmem:s9], [sflag:$0x1] =	stream.linear.gather [hbm4b:s22+s3], $0x80, $0x38;
	[tilespmem:$0x1C380] =	vst v63  }
0x90: {  	_ =	swait.ge [sflag:s0], $0x80  }
0x91: {  	[sflag:s0] =	ssyncset.done $0x0  }
0x92: {  	[sflag:s0] =	ssyncadd.s32 $0xFFFFFF80  }
0x93: {  	_ =	swait.ge [sflag:s0], $0x80  }
0x94: {  	[sflag:s0] =	ssyncset.done $0x0  }
0x95: {  	[sflag:s0] =	ssyncadd.s32 $0xFFFFFF80  }
0x96: {  	v1 =	vld [tilespmem:$0x80]  }
0x97: {  	v2 =	vld [tilespmem:$0x90]  }
0x98: {  	v3 =	vld [tilespmem:$0xB0]  }
0x99: {  	v4 =	vld [tilespmem:$0xC0]  }
0x9a: {  	v5 =	vld [tilespmem:$0xD0]  }
0x9b: {  	v6 =	vld [tilespmem:$0xE0];
	v1 =	vadd.s32 v0, v1  }
0x9c: {  	[tilespmem:$0x80] =	vst v1;
	v1 =	vadd.s32 v0, v2;
	v2 =	vld [tilespmem:$0xF0]  }
0x9d: {  	v3 =	vadd.s32 v0, v3;
	[tilespmem:$0x90] =	vst v1;
	v1 =	vld [tilespmem:$0xA0]  }
0x9e: {  	[tilespmem:$0xB0] =	vst v3;
	v3 =	vadd.s32 v0, v4  }
0x9f: {  	[tilespmem:$0xC0] =	vst v3;
	v3 =	vadd.s32 v0, v5  }
0xa0: {  	[tilespmem:$0xD0] =	vst v3;
	v3 =	vadd.s32 v0, v6  }
0xa1: {  	[tilespmem:$0xE0] =	vst v3;
	v2 =	vadd.s32 v0, v2  }
0xa2: {  	v1 =	vadd.s32 v0, v1;
	[tilespmem:$0xF0] =	vst v2  }
0xa3: {  	[tilespmem:$0xA0] =	vst v1  }
0xa4: {  	[tilespmem:s10], [sflag:$0x1] =	stream.indirect.gather [hbm4b:s1+s4], $0x80, s4, s4, $0xb8;
	[tilespmem:$0x1C380] =	vst v63  }
0xa5: {  	_ =	swait.ge [sflag:s0], $0x4000  }
0xa6: {  	[sflag:s0] =	ssyncset.done $0x0  }
0xa7: {  	[sflag:s0] =	ssyncadd.s32 $0xFFFFC000  }
0xa8: {  	[spmem:s2] =	stream.indirect.scatter.add.f32 [tilespmem:s10], [sflag:$0x3], $0x80, s9, s4, $0xb8;
	[tilespmem:$0x1C380] =	vst v63  }
0xa9: {  	_ =	swait.ge [sflag:s11], $0x4000  }
0xaa: {  	[sflag:s11] =	ssyncset.done $0x0  }
0xab: {  	[sflag:s11] =	ssyncadd.s32 $0xFFFFC000  }
0xac: {  	_ =	swait.ge [sflag:s12], $0x4000  }
0xad: {  	[sflag:s12] =	ssyncset.done $0x0  }
0xae: {  	s13 =	simm.s32 $0x8200;
	s5 =	rddreg [dreg:$0x5];
	[sflag:s12] =	ssyncadd.s32 $0xFFFFC000  }
0xaf: {  	[tilespmem:s13], [sflag:$0x4] =	stream.linear.gather [hbm4b:s5+s3], $0x10, $0x38;
	[tilespmem:$0x1C380] =	vst v63  }
0xb0: {  	_ =	swait.ge [sflag:s30], $0x10  }
0xb1: {  	[sflag:s30] =	ssyncset.done $0x0  }
0xb2: {  	s20 =	simm.s32 $0x8280;
	s21 =	rddreg [dreg:$0x6];
	[sflag:s30] =	ssyncadd.s32 $0xFFFFFFF0  }
0xb3: {  	[tilespmem:s20], [sflag:$0x4] =	stream.linear.gather [hbm4b:s21+s3], $0x10, $0x38;
	[tilespmem:$0x1C380] =	vst v63  }
0xb4: {  	_ =	swait.ge [sflag:s30], $0x10  }
0xb5: {  	[sflag:s30] =	ssyncset.done $0x0  }
0xb6: {  	[sflag:s30] =	ssyncadd.s32 $0xFFFFFFF0  }
0xb7: {  	v1 =	vld [tilespmem:$0x8200];
	_ =	sdelay $0x4  }
0xb8: {  	v1 =	vadd.s32 v0, v1  }
0xb9: {  	[tilespmem:$0x8200] =	vst v1  }
0xba: {  	[tilespmem:s24], [sflag:$0x1] =	stream.indirect.gather [hbm4b:s1+s23], $0x80, s13, s23, $0xb8;
	[tilespmem:$0x1C380] =	vst v63  }
0xbb: {  	_ =	swait.ge [sflag:s0], $0x800  }
0xbc: {  	[sflag:s0] =	ssyncset.done $0x0  }
0xbd: {  	[sflag:s0] =	ssyncadd.s32 $0xFFFFF800  }
0xbe: {  	[spmem:s2] =	stream.indirect.scatter.add.f32 [tilespmem:s24], [sflag:$0x4], $0x80, s20, s23, $0xb8;
	[tilespmem:$0x1C380] =	vst v63  }
0xbf: {  	_ =	swait.ge [sflag:s30], $0x800  }
0xc0: {  	[sflag:s30] =	ssyncset.done $0x0  }
0xc1: {  	[sflag:s30] =	ssyncadd.s32 $0xFFFFF800  }
0xc2: {  	[bflag:$0x0] =	sbarrier.arrive $0xFFFF  }
0xc3: {  	s22 =	rddreg [dreg:$0xb]  }
0xc4: {  	[hbm:s22], [sflag:s7] =	dma.local [spmem:s26], $0x2700  }
0xc5: {  	_ =	swait.ge [sflag:s30], $0x2700  }
0xc6: {  	[sflag:s30] =	ssyncset.done $0x0  }
0xc7: {  	[sflag:s30] =	ssyncadd.s32 $0xFFFFD900  }
0xc8: {  	[bflag:$0x0] =	sbarrier.arrive @p0 $0xFFFF  }
0xc9: {  	s13 =	rddreg [dreg:$0x4]  }
0xca: {  	s5 =	simm.s32 @p0 $0x4;
	s29 =	sshrl.u32 @p0 s13, $0x3  }
0xcb: {  	[spmem:s29], [sflag:s7] =	dma.local @p0 [hbm:s6], $0x2700  }
0xcc: {  	_ =	swait.ge @p0 [sflag:s5], $0x2700  }
0xcd: {  	[sflag:s5] =	ssyncset.done @p0 $0x0  }
0xce: {  	[sflag:s5] =	ssyncadd.s32 @p0 $0xFFFFD900;
	s5 =	rddreg [dreg:$0xc]  }
0xcf: {  	[hbm:s5], [sflag:s7] =	dma.local @!p0 [spmem:s28], $0x100  }
0xd0: {  	s5 =	simm.s32 @!p0 $0x4  }
0xd1: {  	_ =	swait.ge @!p0 [sflag:s5], $0x100  }
0xd2: {  	[sflag:s5] =	ssyncset.done @!p0 $0x0  }
0xd3: {  	[sflag:s5] =	ssyncadd.s32 @!p0 $0xFFFFFF00  }
0xd4: {  	s20 =	sshrl.u32 @!p0 s13, $0x3;
	[bflag:$0x0] =	sbarrier.arrive @!p0 $0xFFFF  }
0xd5: {  	[spmem:s20], [sflag:s7] =	dma.local @!p0 [hbm:s6], $0x2700  }
0xd6: {  	_ =	swait.ge @!p0 [sflag:s5], $0x2700  }
0xd7: {  	[sflag:s5] =	ssyncset.done @!p0 $0x0  }
0xd8: {  	s13 =	rddreg [dreg:$0xd];
	[sflag:s5] =	ssyncadd.s32 @!p0 $0xFFFFD900  }
0xd9: {  	[spmem:s28], [sflag:s7] =	dma.local @!p0 [hbm:s13], $0x100  }
0xda: {  	_ =	swait.ge @!p0 [sflag:s5], $0x100  }
0xdb: {  	[sflag:s5] =	ssyncset.done @!p0 $0x0  }
0xdc: {  	p1 =	por $0x1, $0x1;
	[sflag:s5] =	ssyncadd.s32 @!p0 $0xFFFFFF00  }
0xdd: {  	s5 =	simm.s32 @!p1 $0x2;
	[bflag:$0x0] =	sbarrier.arrive $0xFFFF  }
0xde: {  	_ =	swait.ge @!p1 [sflag:s5], $0x4000  }
0xdf: {  	[sflag:s5] =	ssyncset.done @!p1 $0x0  }
0xe0: {  	s13 =	sadd.s32 $0x0, s17;
	[sflag:s5] =	ssyncadd.s32 @!p1 $0xFFFFC000  }
0xe1: {  	[tilespmem:s3], [sflag:$0x1] =	stream.linear.gather [hbm4b:s13+s3], $0x80, $0x38;
	[tilespmem:$0x1C380] =	vst v63  }
0xe2: {  	s22 =	sadd.s32 $0x0, s16  }
0xe3: {  	[tilespmem:s31], [sflag:$0x1] =	stream.linear.gather [hbm4b:s22+s3], $0x80, $0x38;
	[tilespmem:$0x1C380] =	vst v63  }
0xe4: {  	_ =	swait.ge [sflag:s0], $0x80  }
0xe5: {  	[sflag:s0] =	ssyncset.done $0x0  }
0xe6: {  	[sflag:s0] =	ssyncadd.s32 $0xFFFFFF80  }
0xe7: {  	_ =	swait.ge [sflag:s0], $0x80  }
0xe8: {  	[sflag:s0] =	ssyncset.done $0x0  }
0xe9: {  	[sflag:s0] =	ssyncadd.s32 $0xFFFFFF80  }
0xea: {  	v1 =	vld [tilespmem:$0x0]  }
0xeb: {  	v2 =	vld [tilespmem:$0x10]  }
0xec: {  	v3 =	vld [tilespmem:$0x20]  }
0xed: {  	v62 =	vld [tilespmem:$0x60];
	_ =	sdelay $0x1  }
0xee: {  	v60 =	vld [tilespmem:$0x30]  }
0xef: {  	v61 =	vld [tilespmem:$0x70];
	v1 =	vadd.s32 v0, v1  }
0xf0: {  	[tilespmem:$0x0] =	vst v1;
	v1 =	vadd.s32 v0, v2;
	v2 =	vld [tilespmem:$0x50]  }
0xf1: {  	v63 =	vadd.s32 v0, v62;
	[tilespmem:$0x10] =	vst v1;
	v1 =	vadd.s32 v0, v3;
	v3 =	vld [tilespmem:$0x40]  }
0xf2: {  	[tilespmem:$0x60] =	vst v63  }
0xf3: {  	[tilespmem:$0x20] =	vst v1;
	v1 =	vadd.s32 v0, v60  }
0xf4: {  	[tilespmem:$0x30] =	vst v1;
	v1 =	vadd.s32 v0, v61  }
0xf5: {  	[tilespmem:$0x70] =	vst v1;
	v1 =	vadd.s32 v0, v2  }
0xf6: {  	v2 =	vadd.s32 v0, v3;
	[tilespmem:$0x50] =	vst v1  }
0xf7: {  	[tilespmem:$0x40] =	vst v2  }
0xf8: {  	[tilespmem:s8], [sflag:$0x1] =	stream.indirect.gather [hbm4b:s1+s4], $0x80, s3, s4, $0xb8;
	[tilespmem:$0x1C380] =	vst v63  }
0xf9: {  	_ =	swait.ge [sflag:s0], $0x4000  }
0xfa: {  	[sflag:s0] =	ssyncset.done $0x0  }
0xfb: {  	s21 =	simm.s32 @!p1 $0x3;
	[sflag:s0] =	ssyncadd.s32 $0xFFFFC000  }
0xfc: {  	[spmem:s2] =	stream.indirect.scatter.add.f32 [tilespmem:s8], [sflag:$0x2], $0x80, s31, s4, $0xb8;
	[tilespmem:$0x1C380] =	vst v63  }
0xfd: {  	_ =	swait.ge @!p1 [sflag:s21], $0x4000  }
0xfe: {  	[sflag:s21] =	ssyncset.done @!p1 $0x0  }
0xff: {  	s5 =	sadd.s32 $0x10, s13;
	[sflag:s21] =	ssyncadd.s32 @!p1 $0xFFFFC000  }
0x100: {  	[tilespmem:s4], [sflag:$0x1] =	stream.linear.gather [hbm4b:s5+s3], $0x80, $0x38;
	[tilespmem:$0x1C380] =	vst v63  }
0x101: {  	s13 =	sadd.s32 $0x10, s22;
	s5 =	simm.s32 $0x20  }
.LBB2_4:
0x102: {  	s22 =	smov.u32 s5;
	s5 =	sadd.s32 $0x20, s5  }
0x103: {  	[tilespmem:s9], [sflag:$0x1] =	stream.linear.gather [hbm4b:s13+s3], $0x80, $0x38;
	[tilespmem:$0x1C380] =	vst v63  }
0x104: {  	p1 =	sne.s32 s5, $0x4E0;
	_ =	swait.ge [sflag:s0], $0x80  }
0x105: {  	[sflag:s0] =	ssyncset.done $0x0  }
0x106: {  	[sflag:s0] =	ssyncadd.s32 $0xFFFFFF80  }
0x107: {  	_ =	swait.ge [sflag:s0], $0x80  }
0x108: {  	[sflag:s0] =	ssyncset.done $0x0  }
0x109: {  	[sflag:s0] =	ssyncadd.s32 $0xFFFFFF80  }
0x10a: {  	v1 =	vld [tilespmem:$0x80]  }
0x10b: {  	v2 =	vld [tilespmem:$0x90]  }
0x10c: {  	v3 =	vld [tilespmem:$0xB0]  }
0x10d: {  	v4 =	vld [tilespmem:$0xC0]  }
0x10e: {  	v5 =	vld [tilespmem:$0xD0]  }
0x10f: {  	v1 =	vadd.s32 v0, v1;
	v6 =	vld [tilespmem:$0xE0]  }
0x110: {  	[tilespmem:$0x80] =	vst v1;
	v1 =	vadd.s32 v0, v2;
	v2 =	vld [tilespmem:$0xF0]  }
0x111: {  	[tilespmem:$0x90] =	vst v1;
	v1 =	vld [tilespmem:$0xA0];
	v3 =	vadd.s32 v0, v3  }
0x112: {  	[tilespmem:$0xB0] =	vst v3;
	v3 =	vadd.s32 v0, v4  }
0x113: {  	[tilespmem:$0xC0] =	vst v3;
	v3 =	vadd.s32 v0, v5  }
0x114: {  	[tilespmem:$0xD0] =	vst v3;
	v3 =	vadd.s32 v0, v6  }
0x115: {  	[tilespmem:$0xE0] =	vst v3;
	v2 =	vadd.s32 v0, v2  }
0x116: {  	v1 =	vadd.s32 v0, v1;
	[tilespmem:$0xF0] =	vst v2  }
0x117: {  	[tilespmem:$0xA0] =	vst v1  }
0x118: {  	[tilespmem:s10], [sflag:$0x1] =	stream.indirect.gather [hbm4b:s1+s4], $0x80, s4, s4, $0xb8;
	[tilespmem:$0x1C380] =	vst v63  }
0x119: {  	_ =	swait.ge [sflag:s0], $0x4000  }
0x11a: {  	[sflag:s0] =	ssyncset.done $0x0  }
0x11b: {  	p2 =	seq.s32 s22, $0x0;
	[sflag:s0] =	ssyncadd.s32 $0xFFFFC000  }
0x11c: {  	[spmem:s2] =	stream.indirect.scatter.add.f32 [tilespmem:s10], [sflag:$0x3], $0x80, s9, s4, $0xb8;
	[tilespmem:$0x1C380] =	vst v63  }
0x11d: {  	s13 =	simm.s32 @!p2 $0x2  }
0x11e: {  	_ =	swait.ge @!p2 [sflag:s13], $0x4000  }
0x11f: {  	[sflag:s13] =	ssyncset.done @!p2 $0x0  }
0x120: {  	s21 =	sadd.s32 s22, s17;
	[sflag:s13] =	ssyncadd.s32 @!p2 $0xFFFFC000  }
0x121: {  	[tilespmem:s3], [sflag:$0x1] =	stream.linear.gather [hbm4b:s21+s3], $0x80, $0x38;
	[tilespmem:$0x1C380] =	vst v63  }
0x122: {  	s13 =	sadd.s32 s22, s16  }
0x123: {  	[tilespmem:s31], [sflag:$0x1] =	stream.linear.gather [hbm4b:s13+s3], $0x80, $0x38;
	[tilespmem:$0x1C380] =	vst v63  }
0x124: {  	s13 =	sadd.s32 $0x10, s13;
	_ =	swait.ge [sflag:s0], $0x80  }
0x125: {  	[sflag:s0] =	ssyncset.done $0x0  }
0x126: {  	[sflag:s0] =	ssyncadd.s32 $0xFFFFFF80  }
0x127: {  	_ =	swait.ge [sflag:s0], $0x80  }
0x128: {  	[sflag:s0] =	ssyncset.done $0x0  }
0x129: {  	[sflag:s0] =	ssyncadd.s32 $0xFFFFFF80  }
0x12a: {  	v1 =	vld [tilespmem:$0x0]  }
0x12b: {  	v2 =	vld [tilespmem:$0x10]  }
0x12c: {  	v3 =	vld [tilespmem:$0x20]  }
0x12d: {  	v4 =	vld [tilespmem:$0x30]  }
0x12e: {  	v5 =	vld [tilespmem:$0x70]  }
0x12f: {  	v1 =	vadd.s32 v0, v1;
	v6 =	vld [tilespmem:$0x60]  }
0x130: {  	[tilespmem:$0x0] =	vst v1;
	v1 =	vadd.s32 v0, v2;
	v2 =	vld [tilespmem:$0x50]  }
0x131: {  	[tilespmem:$0x10] =	vst v1;
	v1 =	vadd.s32 v0, v3;
	v3 =	vld [tilespmem:$0x40]  }
0x132: {  	[tilespmem:$0x20] =	vst v1;
	v1 =	vadd.s32 v0, v4  }
0x133: {  	[tilespmem:$0x30] =	vst v1;
	v1 =	vadd.s32 v0, v5  }
0x134: {  	v4 =	vadd.s32 v0, v6;
	[tilespmem:$0x70] =	vst v1  }
0x135: {  	v1 =	vadd.s32 v0, v2;
	[tilespmem:$0x60] =	vst v4  }
0x136: {  	v2 =	vadd.s32 v0, v3;
	[tilespmem:$0x50] =	vst v1  }
0x137: {  	[tilespmem:$0x40] =	vst v2  }
0x138: {  	[tilespmem:s8], [sflag:$0x1] =	stream.indirect.gather [hbm4b:s1+s4], $0x80, s3, s4, $0xb8;
	[tilespmem:$0x1C380] =	vst v63  }
0x139: {  	_ =	swait.ge [sflag:s0], $0x4000  }
0x13a: {  	[sflag:s0] =	ssyncset.done $0x0  }
0x13b: {  	s22 =	simm.s32 @!p2 $0x3;
	[sflag:s0] =	ssyncadd.s32 $0xFFFFC000  }
0x13c: {  	[spmem:s2] =	stream.indirect.scatter.add.f32 [tilespmem:s8], [sflag:$0x2], $0x80, s31, s4, $0xb8;
	[tilespmem:$0x1C380] =	vst v63  }
.Ltmp1:
0x13d: {  	_ = 	snop;
	(pc) =	sbr.rel @p1 .LBB2_4-.Ltmp1, $4  }
0x13e: {  	_ =	swait.ge @!p2 [sflag:s22], $0x4000  }
0x13f: {  	[sflag:s22] =	ssyncset.done @!p2 $0x0  }
0x140: {  	s21 =	sadd.s32 $0x10, s21;
	[sflag:s22] =	ssyncadd.s32 @!p2 $0xFFFFC000  }
0x141: {  	[tilespmem:s4], [sflag:$0x1] =	stream.linear.gather [hbm4b:s21+s3], $0x80, $0x38;
	[tilespmem:$0x1C380] =	vst v63  }
0x142: {  	[tilespmem:s9], [sflag:$0x1] =	stream.linear.gather [hbm4b:s13+s3], $0x80, $0x38;
	[tilespmem:$0x1C380] =	vst v63  }
0x143: {  	_ =	swait.ge [sflag:s0], $0x80  }
0x144: {  	[sflag:s0] =	ssyncset.done $0x0  }
0x145: {  	[sflag:s0] =	ssyncadd.s32 $0xFFFFFF80  }
0x146: {  	_ =	swait.ge [sflag:s0], $0x80  }
0x147: {  	[sflag:s0] =	ssyncset.done $0x0  }
0x148: {  	[sflag:s0] =	ssyncadd.s32 $0xFFFFFF80  }
0x149: {  	v1 =	vld [tilespmem:$0x80]  }
0x14a: {  	v2 =	vld [tilespmem:$0x90]  }
0x14b: {  	v3 =	vld [tilespmem:$0xB0]  }
0x14c: {  	v4 =	vld [tilespmem:$0xC0]  }
0x14d: {  	v5 =	vld [tilespmem:$0xD0]  }
0x14e: {  	v6 =	vld [tilespmem:$0xE0];
	v1 =	vadd.s32 v0, v1  }
0x14f: {  	[tilespmem:$0x80] =	vst v1;
	v1 =	vadd.s32 v0, v2;
	v2 =	vld [tilespmem:$0xF0]  }
0x150: {  	v3 =	vadd.s32 v0, v3;
	[tilespmem:$0x90] =	vst v1;
	v1 =	vld [tilespmem:$0xA0]  }
0x151: {  	[tilespmem:$0xB0] =	vst v3;
	v3 =	vadd.s32 v0, v4  }
0x152: {  	[tilespmem:$0xC0] =	vst v3;
	v3 =	vadd.s32 v0, v5  }
0x153: {  	[tilespmem:$0xD0] =	vst v3;
	v3 =	vadd.s32 v0, v6  }
0x154: {  	[tilespmem:$0xE0] =	vst v3;
	v2 =	vadd.s32 v0, v2  }
0x155: {  	v1 =	vadd.s32 v0, v1;
	[tilespmem:$0xF0] =	vst v2  }
0x156: {  	[tilespmem:$0xA0] =	vst v1  }
0x157: {  	[tilespmem:s10], [sflag:$0x1] =	stream.indirect.gather [hbm4b:s1+s4], $0x80, s4, s4, $0xb8;
	[tilespmem:$0x1C380] =	vst v63  }
0x158: {  	_ =	swait.ge [sflag:s0], $0x4000  }
0x159: {  	[sflag:s0] =	ssyncset.done $0x0  }
0x15a: {  	[sflag:s0] =	ssyncadd.s32 $0xFFFFC000  }
0x15b: {  	[spmem:s2] =	stream.indirect.scatter.add.f32 [tilespmem:s10], [sflag:$0x3], $0x80, s9, s4, $0xb8;
	[tilespmem:$0x1C380] =	vst v63  }
0x15c: {  	_ =	swait.ge [sflag:s11], $0x4000  }
0x15d: {  	[sflag:s11] =	ssyncset.done $0x0  }
0x15e: {  	[sflag:s11] =	ssyncadd.s32 $0xFFFFC000  }
0x15f: {  	_ =	swait.ge [sflag:s12], $0x4000  }
0x160: {  	[sflag:s12] =	ssyncset.done $0x0  }
0x161: {  	s13 =	simm.s32 $0x8200;
	s5 =	rddreg [dreg:$0x7];
	[sflag:s12] =	ssyncadd.s32 $0xFFFFC000  }
0x162: {  	[tilespmem:s13], [sflag:$0x4] =	stream.linear.gather [hbm4b:s5+s3], $0x10, $0x38;
	[tilespmem:$0x1C380] =	vst v63  }
0x163: {  	_ =	swait.ge [sflag:s30], $0x10  }
0x164: {  	[sflag:s30] =	ssyncset.done $0x0  }
0x165: {  	s21 =	simm.s32 $0x8280;
	s22 =	rddreg [dreg:$0x8];
	[sflag:s30] =	ssyncadd.s32 $0xFFFFFFF0  }
0x166: {  	[tilespmem:s21], [sflag:$0x4] =	stream.linear.gather [hbm4b:s22+s3], $0x10, $0x38;
	[tilespmem:$0x1C380] =	vst v63  }
0x167: {  	_ =	swait.ge [sflag:s30], $0x10  }
0x168: {  	[sflag:s30] =	ssyncset.done $0x0  }
0x169: {  	[sflag:s30] =	ssyncadd.s32 $0xFFFFFFF0  }
0x16a: {  	v1 =	vld [tilespmem:$0x8200];
	_ =	sdelay $0x4  }
0x16b: {  	v1 =	vadd.s32 v0, v1  }
0x16c: {  	[tilespmem:$0x8200] =	vst v1  }
0x16d: {  	[tilespmem:s24], [sflag:$0x1] =	stream.indirect.gather [hbm4b:s1+s23], $0x80, s13, s23, $0xb8;
	[tilespmem:$0x1C380] =	vst v63  }
0x16e: {  	_ =	swait.ge [sflag:s0], $0x800  }
0x16f: {  	[sflag:s0] =	ssyncset.done $0x0  }
0x170: {  	[sflag:s0] =	ssyncadd.s32 $0xFFFFF800  }
0x171: {  	[spmem:s2] =	stream.indirect.scatter.add.f32 [tilespmem:s24], [sflag:$0x4], $0x80, s21, s23, $0xb8;
	[tilespmem:$0x1C380] =	vst v63  }
0x172: {  	_ =	swait.ge [sflag:s30], $0x800  }
0x173: {  	[sflag:s30] =	ssyncset.done $0x0  }
0x174: {  	[sflag:s30] =	ssyncadd.s32 $0xFFFFF800  }
0x175: {  	[bflag:$0x0] =	sbarrier.arrive $0xFFFF  }
0x176: {  	s21 =	rddreg [dreg:$0x12]  }
0x177: {  	[hbm:s21], [sflag:s7] =	dma.local [spmem:s26], $0x2700  }
0x178: {  	_ =	swait.ge [sflag:s30], $0x2700  }
0x179: {  	[sflag:s30] =	ssyncset.done $0x0  }
0x17a: {  	[sflag:s30] =	ssyncadd.s32 $0xFFFFD900  }
0x17b: {  	s5 =	simm.s32 @p0 $0x4;
	[bflag:$0x0] =	sbarrier.arrive @p0 $0xFFFF  }
0x17c: {  	[spmem:s29], [sflag:s7] =	dma.local @p0 [hbm:s6], $0x2700  }
0x17d: {  	_ =	swait.ge @p0 [sflag:s5], $0x2700  }
0x17e: {  	[sflag:s5] =	ssyncset.done @p0 $0x0  }
0x17f: {  	[sflag:s5] =	ssyncadd.s32 @p0 $0xFFFFD900;
	s5 =	rddreg [dreg:$0xe]  }
0x180: {  	[hbm:s5], [sflag:s7] =	dma.local @!p0 [spmem:s28], $0x100  }
0x181: {  	s5 =	simm.s32 @!p0 $0x4  }
0x182: {  	_ =	swait.ge @!p0 [sflag:s5], $0x100  }
0x183: {  	[sflag:s5] =	ssyncset.done @!p0 $0x0  }
0x184: {  	[sflag:s5] =	ssyncadd.s32 @!p0 $0xFFFFFF00  }
0x185: {  	[bflag:$0x0] =	sbarrier.arrive @!p0 $0xFFFF  }
0x186: {  	[spmem:s20], [sflag:s7] =	dma.local @!p0 [hbm:s6], $0x2700  }
0x187: {  	_ =	swait.ge @!p0 [sflag:s5], $0x2700  }
0x188: {  	[sflag:s5] =	ssyncset.done @!p0 $0x0  }
0x189: {  	s13 =	rddreg [dreg:$0xd];
	[sflag:s5] =	ssyncadd.s32 @!p0 $0xFFFFD900  }
0x18a: {  	[spmem:s28], [sflag:s7] =	dma.local @!p0 [hbm:s13], $0x100  }
0x18b: {  	_ =	swait.ge @!p0 [sflag:s5], $0x100  }
0x18c: {  	[sflag:s5] =	ssyncset.done @!p0 $0x0  }
0x18d: {  	p1 =	por $0x1, $0x1;
	[sflag:s5] =	ssyncadd.s32 @!p0 $0xFFFFFF00  }
0x18e: {  	s5 =	simm.s32 @!p1 $0x2;
	[bflag:$0x0] =	sbarrier.arrive $0xFFFF  }
0x18f: {  	_ =	swait.ge @!p1 [sflag:s5], $0x4000  }
0x190: {  	[sflag:s5] =	ssyncset.done @!p1 $0x0  }
0x191: {  	s22 =	sadd.s32 $0x0, s19;
	[sflag:s5] =	ssyncadd.s32 @!p1 $0xFFFFC000  }
0x192: {  	[tilespmem:s3], [sflag:$0x1] =	stream.linear.gather [hbm4b:s22+s3], $0x80, $0x38;
	[tilespmem:$0x1C380] =	vst v63  }
0x193: {  	s29 =	sadd.s32 $0x0, s18  }
0x194: {  	[tilespmem:s31], [sflag:$0x1] =	stream.linear.gather [hbm4b:s29+s3], $0x80, $0x38;
	[tilespmem:$0x1C380] =	vst v63  }
0x195: {  	_ =	swait.ge [sflag:s0], $0x80  }
0x196: {  	[sflag:s0] =	ssyncset.done $0x0  }
0x197: {  	[sflag:s0] =	ssyncadd.s32 $0xFFFFFF80  }
0x198: {  	_ =	swait.ge [sflag:s0], $0x80  }
0x199: {  	[sflag:s0] =	ssyncset.done $0x0  }
0x19a: {  	[sflag:s0] =	ssyncadd.s32 $0xFFFFFF80  }
0x19b: {  	v1 =	vld [tilespmem:$0x0]  }
0x19c: {  	v2 =	vld [tilespmem:$0x10]  }
0x19d: {  	v3 =	vld [tilespmem:$0x20]  }
0x19e: {  	v62 =	vld [tilespmem:$0x60];
	_ =	sdelay $0x1  }
0x19f: {  	v60 =	vld [tilespmem:$0x30]  }
0x1a0: {  	v61 =	vld [tilespmem:$0x70];
	v1 =	vadd.s32 v0, v1  }
0x1a1: {  	[tilespmem:$0x0] =	vst v1;
	v1 =	vadd.s32 v0, v2;
	v2 =	vld [tilespmem:$0x50]  }
0x1a2: {  	v63 =	vadd.s32 v0, v62;
	[tilespmem:$0x10] =	vst v1;
	v1 =	vadd.s32 v0, v3;
	v3 =	vld [tilespmem:$0x40]  }
0x1a3: {  	[tilespmem:$0x60] =	vst v63  }
0x1a4: {  	[tilespmem:$0x20] =	vst v1;
	v1 =	vadd.s32 v0, v60  }
0x1a5: {  	[tilespmem:$0x30] =	vst v1;
	v1 =	vadd.s32 v0, v61  }
0x1a6: {  	[tilespmem:$0x70] =	vst v1;
	v1 =	vadd.s32 v0, v2  }
0x1a7: {  	v2 =	vadd.s32 v0, v3;
	[tilespmem:$0x50] =	vst v1  }
0x1a8: {  	[tilespmem:$0x40] =	vst v2  }
0x1a9: {  	[tilespmem:s8], [sflag:$0x1] =	stream.indirect.gather [hbm4b:s1+s4], $0x80, s3, s4, $0xb8;
	[tilespmem:$0x1C380] =	vst v63  }
0x1aa: {  	_ =	swait.ge [sflag:s0], $0x4000  }
0x1ab: {  	[sflag:s0] =	ssyncset.done $0x0  }
0x1ac: {  	s20 =	simm.s32 @!p1 $0x3;
	[sflag:s0] =	ssyncadd.s32 $0xFFFFC000  }
0x1ad: {  	[spmem:s2] =	stream.indirect.scatter.add.f32 [tilespmem:s8], [sflag:$0x2], $0x80, s31, s4, $0xb8;
	[tilespmem:$0x1C380] =	vst v63  }
0x1ae: {  	_ =	swait.ge @!p1 [sflag:s20], $0x4000  }
0x1af: {  	[sflag:s20] =	ssyncset.done @!p1 $0x0  }
0x1b0: {  	s5 =	sadd.s32 $0x10, s22;
	[sflag:s20] =	ssyncadd.s32 @!p1 $0xFFFFC000  }
0x1b1: {  	[tilespmem:s4], [sflag:$0x1] =	stream.linear.gather [hbm4b:s5+s3], $0x80, $0x38;
	[tilespmem:$0x1C380] =	vst v63  }
0x1b2: {  	s13 =	sadd.s32 $0x10, s29;
	s5 =	simm.s32 $0x20  }
.LBB2_6:
0x1b3: {  	s20 =	smov.u32 s5;
	s5 =	sadd.s32 $0x20, s5  }
0x1b4: {  	[tilespmem:s9], [sflag:$0x1] =	stream.linear.gather [hbm4b:s13+s3], $0x80, $0x38;
	[tilespmem:$0x1C380] =	vst v63  }
0x1b5: {  	p1 =	sne.s32 s5, $0x4E0;
	_ =	swait.ge [sflag:s0], $0x80  }
0x1b6: {  	[sflag:s0] =	ssyncset.done $0x0  }
0x1b7: {  	[sflag:s0] =	ssyncadd.s32 $0xFFFFFF80  }
0x1b8: {  	_ =	swait.ge [sflag:s0], $0x80  }
0x1b9: {  	[sflag:s0] =	ssyncset.done $0x0  }
0x1ba: {  	[sflag:s0] =	ssyncadd.s32 $0xFFFFFF80  }
0x1bb: {  	v1 =	vld [tilespmem:$0x80]  }
0x1bc: {  	v2 =	vld [tilespmem:$0x90]  }
0x1bd: {  	v3 =	vld [tilespmem:$0xB0]  }
0x1be: {  	v4 =	vld [tilespmem:$0xC0]  }
0x1bf: {  	v5 =	vld [tilespmem:$0xD0]  }
0x1c0: {  	v1 =	vadd.s32 v0, v1;
	v6 =	vld [tilespmem:$0xE0]  }
0x1c1: {  	[tilespmem:$0x80] =	vst v1;
	v1 =	vadd.s32 v0, v2;
	v2 =	vld [tilespmem:$0xF0]  }
0x1c2: {  	[tilespmem:$0x90] =	vst v1;
	v1 =	vld [tilespmem:$0xA0];
	v3 =	vadd.s32 v0, v3  }
0x1c3: {  	[tilespmem:$0xB0] =	vst v3;
	v3 =	vadd.s32 v0, v4  }
0x1c4: {  	[tilespmem:$0xC0] =	vst v3;
	v3 =	vadd.s32 v0, v5  }
0x1c5: {  	[tilespmem:$0xD0] =	vst v3;
	v3 =	vadd.s32 v0, v6  }
0x1c6: {  	[tilespmem:$0xE0] =	vst v3;
	v2 =	vadd.s32 v0, v2  }
0x1c7: {  	v1 =	vadd.s32 v0, v1;
	[tilespmem:$0xF0] =	vst v2  }
0x1c8: {  	[tilespmem:$0xA0] =	vst v1  }
0x1c9: {  	[tilespmem:s10], [sflag:$0x1] =	stream.indirect.gather [hbm4b:s1+s4], $0x80, s4, s4, $0xb8;
	[tilespmem:$0x1C380] =	vst v63  }
0x1ca: {  	_ =	swait.ge [sflag:s0], $0x4000  }
0x1cb: {  	[sflag:s0] =	ssyncset.done $0x0  }
0x1cc: {  	p2 =	seq.s32 s20, $0x0;
	[sflag:s0] =	ssyncadd.s32 $0xFFFFC000  }
0x1cd: {  	[spmem:s2] =	stream.indirect.scatter.add.f32 [tilespmem:s10], [sflag:$0x3], $0x80, s9, s4, $0xb8;
	[tilespmem:$0x1C380] =	vst v63  }
0x1ce: {  	s13 =	simm.s32 @!p2 $0x2  }
0x1cf: {  	_ =	swait.ge @!p2 [sflag:s13], $0x4000  }
0x1d0: {  	[sflag:s13] =	ssyncset.done @!p2 $0x0  }
0x1d1: {  	s21 =	sadd.s32 s20, s19;
	[sflag:s13] =	ssyncadd.s32 @!p2 $0xFFFFC000  }
0x1d2: {  	[tilespmem:s3], [sflag:$0x1] =	stream.linear.gather [hbm4b:s21+s3], $0x80, $0x38;
	[tilespmem:$0x1C380] =	vst v63  }
0x1d3: {  	s13 =	sadd.s32 s20, s18  }
0x1d4: {  	[tilespmem:s31], [sflag:$0x1] =	stream.linear.gather [hbm4b:s13+s3], $0x80, $0x38;
	[tilespmem:$0x1C380] =	vst v63  }
0x1d5: {  	s13 =	sadd.s32 $0x10, s13;
	_ =	swait.ge [sflag:s0], $0x80  }
0x1d6: {  	[sflag:s0] =	ssyncset.done $0x0  }
0x1d7: {  	[sflag:s0] =	ssyncadd.s32 $0xFFFFFF80  }
0x1d8: {  	_ =	swait.ge [sflag:s0], $0x80  }
0x1d9: {  	[sflag:s0] =	ssyncset.done $0x0  }
0x1da: {  	[sflag:s0] =	ssyncadd.s32 $0xFFFFFF80  }
0x1db: {  	v1 =	vld [tilespmem:$0x0]  }
0x1dc: {  	v2 =	vld [tilespmem:$0x10]  }
0x1dd: {  	v3 =	vld [tilespmem:$0x20]  }
0x1de: {  	v4 =	vld [tilespmem:$0x30]  }
0x1df: {  	v5 =	vld [tilespmem:$0x70]  }
0x1e0: {  	v1 =	vadd.s32 v0, v1;
	v6 =	vld [tilespmem:$0x60]  }
0x1e1: {  	[tilespmem:$0x0] =	vst v1;
	v1 =	vadd.s32 v0, v2;
	v2 =	vld [tilespmem:$0x50]  }
0x1e2: {  	[tilespmem:$0x10] =	vst v1;
	v1 =	vadd.s32 v0, v3;
	v3 =	vld [tilespmem:$0x40]  }
0x1e3: {  	[tilespmem:$0x20] =	vst v1;
	v1 =	vadd.s32 v0, v4  }
0x1e4: {  	[tilespmem:$0x30] =	vst v1;
	v1 =	vadd.s32 v0, v5  }
0x1e5: {  	v4 =	vadd.s32 v0, v6;
	[tilespmem:$0x70] =	vst v1  }
0x1e6: {  	v1 =	vadd.s32 v0, v2;
	[tilespmem:$0x60] =	vst v4  }
0x1e7: {  	v2 =	vadd.s32 v0, v3;
	[tilespmem:$0x50] =	vst v1  }
0x1e8: {  	[tilespmem:$0x40] =	vst v2  }
0x1e9: {  	[tilespmem:s8], [sflag:$0x1] =	stream.indirect.gather [hbm4b:s1+s4], $0x80, s3, s4, $0xb8;
	[tilespmem:$0x1C380] =	vst v63  }
0x1ea: {  	_ =	swait.ge [sflag:s0], $0x4000  }
0x1eb: {  	[sflag:s0] =	ssyncset.done $0x0  }
0x1ec: {  	s20 =	simm.s32 @!p2 $0x3;
	[sflag:s0] =	ssyncadd.s32 $0xFFFFC000  }
0x1ed: {  	[spmem:s2] =	stream.indirect.scatter.add.f32 [tilespmem:s8], [sflag:$0x2], $0x80, s31, s4, $0xb8;
	[tilespmem:$0x1C380] =	vst v63  }
.Ltmp2:
0x1ee: {  	_ = 	snop;
	(pc) =	sbr.rel @p1 .LBB2_6-.Ltmp2, $4  }
0x1ef: {  	_ =	swait.ge @!p2 [sflag:s20], $0x4000  }
0x1f0: {  	[sflag:s20] =	ssyncset.done @!p2 $0x0  }
0x1f1: {  	[sflag:s20] =	ssyncadd.s32 @!p2 $0xFFFFC000;
	s20 =	sadd.s32 $0x10, s21  }
0x1f2: {  	[tilespmem:s4], [sflag:$0x1] =	stream.linear.gather [hbm4b:s20+s3], $0x80, $0x38;
	[tilespmem:$0x1C380] =	vst v63  }
0x1f3: {  	[tilespmem:s9], [sflag:$0x1] =	stream.linear.gather [hbm4b:s13+s3], $0x80, $0x38;
	[tilespmem:$0x1C380] =	vst v63  }
0x1f4: {  	_ =	swait.ge [sflag:s0], $0x80  }
0x1f5: {  	[sflag:s0] =	ssyncset.done $0x0  }
0x1f6: {  	[sflag:s0] =	ssyncadd.s32 $0xFFFFFF80  }
0x1f7: {  	_ =	swait.ge [sflag:s0], $0x80  }
0x1f8: {  	[sflag:s0] =	ssyncset.done $0x0  }
0x1f9: {  	[sflag:s0] =	ssyncadd.s32 $0xFFFFFF80  }
0x1fa: {  	v1 =	vld [tilespmem:$0x80]  }
0x1fb: {  	v2 =	vld [tilespmem:$0x90]  }
0x1fc: {  	v3 =	vld [tilespmem:$0xB0]  }
0x1fd: {  	v4 =	vld [tilespmem:$0xC0]  }
0x1fe: {  	v5 =	vld [tilespmem:$0xD0]  }
0x1ff: {  	v6 =	vld [tilespmem:$0xE0];
	v1 =	vadd.s32 v0, v1  }
0x200: {  	[tilespmem:$0x80] =	vst v1;
	v1 =	vadd.s32 v0, v2;
	v2 =	vld [tilespmem:$0xF0]  }
0x201: {  	v3 =	vadd.s32 v0, v3;
	[tilespmem:$0x90] =	vst v1;
	v1 =	vld [tilespmem:$0xA0]  }
0x202: {  	[tilespmem:$0xB0] =	vst v3;
	v3 =	vadd.s32 v0, v4  }
0x203: {  	[tilespmem:$0xC0] =	vst v3;
	v3 =	vadd.s32 v0, v5  }
0x204: {  	[tilespmem:$0xD0] =	vst v3;
	v3 =	vadd.s32 v0, v6  }
0x205: {  	[tilespmem:$0xE0] =	vst v3;
	v2 =	vadd.s32 v0, v2  }
0x206: {  	v1 =	vadd.s32 v0, v1;
	[tilespmem:$0xF0] =	vst v2  }
0x207: {  	[tilespmem:$0xA0] =	vst v1  }
0x208: {  	[tilespmem:s10], [sflag:$0x1] =	stream.indirect.gather [hbm4b:s1+s4], $0x80, s4, s4, $0xb8;
	[tilespmem:$0x1C380] =	vst v63  }
0x209: {  	_ =	swait.ge [sflag:s0], $0x4000  }
0x20a: {  	[sflag:s0] =	ssyncset.done $0x0  }
0x20b: {  	[sflag:s0] =	ssyncadd.s32 $0xFFFFC000  }
0x20c: {  	[spmem:s2] =	stream.indirect.scatter.add.f32 [tilespmem:s10], [sflag:$0x3], $0x80, s9, s4, $0xb8;
	[tilespmem:$0x1C380] =	vst v63  }
0x20d: {  	_ =	swait.ge [sflag:s11], $0x4000  }
0x20e: {  	[sflag:s11] =	ssyncset.done $0x0  }
0x20f: {  	[sflag:s11] =	ssyncadd.s32 $0xFFFFC000  }
0x210: {  	_ =	swait.ge [sflag:s12], $0x4000  }
0x211: {  	[sflag:s12] =	ssyncset.done $0x0  }
0x212: {  	s29 =	simm.s32 $0x8200;
	s5 =	rddreg [dreg:$0x9];
	[sflag:s12] =	ssyncadd.s32 $0xFFFFC000  }
0x213: {  	[tilespmem:s29], [sflag:$0x4] =	stream.linear.gather [hbm4b:s5+s3], $0x10, $0x38;
	[tilespmem:$0x1C380] =	vst v63  }
0x214: {  	_ =	swait.ge [sflag:s30], $0x10  }
0x215: {  	[sflag:s30] =	ssyncset.done $0x0  }
0x216: {  	s20 =	simm.s32 $0x8280;
	s21 =	rddreg [dreg:$0xa];
	[sflag:s30] =	ssyncadd.s32 $0xFFFFFFF0  }
0x217: {  	[tilespmem:s20], [sflag:$0x4] =	stream.linear.gather [hbm4b:s21+s3], $0x10, $0x38;
	[tilespmem:$0x1C380] =	vst v63  }
0x218: {  	_ =	swait.ge [sflag:s30], $0x10  }
0x219: {  	[sflag:s30] =	ssyncset.done $0x0  }
0x21a: {  	[sflag:s30] =	ssyncadd.s32 $0xFFFFFFF0  }
0x21b: {  	v1 =	vld [tilespmem:$0x8200];
	_ =	sdelay $0x4  }
0x21c: {  	v1 =	vadd.s32 v0, v1  }
0x21d: {  	[tilespmem:$0x8200] =	vst v1  }
0x21e: {  	[tilespmem:s24], [sflag:$0x1] =	stream.indirect.gather [hbm4b:s1+s23], $0x80, s29, s23, $0xb8;
	[tilespmem:$0x1C380] =	vst v63  }
0x21f: {  	_ =	swait.ge [sflag:s0], $0x800  }
0x220: {  	[sflag:s0] =	ssyncset.done $0x0  }
0x221: {  	[sflag:s0] =	ssyncadd.s32 $0xFFFFF800  }
0x222: {  	[spmem:s2] =	stream.indirect.scatter.add.f32 [tilespmem:s24], [sflag:$0x4], $0x80, s20, s23, $0xb8;
	[tilespmem:$0x1C380] =	vst v63  }
0x223: {  	_ =	swait.ge [sflag:s30], $0x800  }
0x224: {  	[sflag:s30] =	ssyncset.done $0x0  }
0x225: {  	[sflag:s30] =	ssyncadd.s32 $0xFFFFF800  }
0x226: {  	[bflag:$0x0] =	sbarrier.arrive $0xFFFF  }
0x227: {  	s22 =	rddreg [dreg:$0x13]  }
0x228: {  	[hbm:s22], [sflag:s7] =	dma.local [spmem:s26], $0x2700  }
0x229: {  	_ =	swait.ge [sflag:s30], $0x2700  }
0x22a: {  	[sflag:s30] =	ssyncset.done $0x0  }
0x22b: {  	s5 =	rddreg [dreg:$0xf];
	[sflag:s30] =	ssyncadd.s32 $0xFFFFD900  }
0x22c: {  	[hbm:s5], [sflag:s7] =	dma.local @!p0 [spmem:s28], $0x100  }
0x22d: {  	s5 =	simm.s32 @!p0 $0x4  }
0x22e: {  	_ =	swait.ge @!p0 [sflag:s5], $0x100  }
0x22f: {  	s25 =	sadd.s32 $0x1, s25;
	s29 =	rddreg [dreg:$0x10]  }
0x230: {  	p1 =	sne.s32 s25, s29  }
.Ltmp3:
0x231: {  	_ = 	snop;
	(pc) =	sbr.rel @p1 .LBB2_1-.Ltmp3, $3  }
0x232: {  	[sflag:s5] =	ssyncset.done @!p0 $0x0  }
0x233: {  	[sflag:s5] =	ssyncadd.s32 @!p0 $0xFFFFFF00  }
0x234: {  	[bflag:$0x0] =	sbarrier.arrive $0xFFFF;
	_ =	sdelay $0x1  }
0x235: {  	_ =	sfence.sel $0x180000  }
0x236: {  	[bflag:$0x0] =	sbarrier.arrive $0xFFFF  }
0x237: {  	_ =	strace $0x90000047  }
0x238: {  	s0 =	stileid.u32;
	[bflag:$0x2] =	sbarrier.arrive $0xFFFF  }
0x239: {  	p0 =	sne.s32 s0, $0x0;
	s0 =	rddreg [dreg:$0x3]  }
0x23a: {  	s0 =	sadd.s32 @!p0 $0x100000, s0  }
0x23b: {  	[sflag:s0] =	ssyncadd.tile.s32 @!p0 $0x1;
	_ =	shalt  }
.Lfunc_end2:
_tile_overlayer_lowered:
.L_overlay_start_2:
0x23c: {  	(tag) =	ssettag $0x2  }
0x23d: {  	s0 =	rddreg [dreg:$0x0];
	s2 =	stileid.u32  }
0x23e: {  	s1 =	rddreg [dreg:$0x1];
	p0 =	sne.s32 s2, $0x0  }
0x23f: {  	s3 =	rddreg [dreg:$0x2];
	[bflag:$0x3] =	sbarrier.arrive $0xFFFF;
	s2 =	simm.s32 @!p0 $0x1C04  }
0x240: {  	[timem:s3], [sflag:s2] =	dma.local @!p0 [hbm:s0], s1  }
0x241: {  	s0 =	simm.s32 @!p0 $0x4  }
0x242: {  	_ =	swait.ge @!p0 [sflag:s0], s1  }
0x243: {  	s1 =	ssub.s32 @!p0 $0x0, s1;
	[sflag:s0] =	ssyncset.done @!p0 $0x0  }
0x244: {  	[sflag:s0] =	ssyncadd.s32 @!p0 s1  }
0x245: {  	[bflag:$0x3] =	sbarrier.arrive $0xFFFF  }
0x246: {  	_ =	shalt  }

</sc_bundles>
